<compile_context>
chip_gen: v7x
topology: tpu7x:2x2x1
jax: 0.10.2.dev20260603
libtpu: 0.0.44.dev20260713+nightly
codegen_flags: <defaults>
</compile_context>

<pallas_src>
import functools

import jax
import jax.numpy as jnp
from jax import lax
from jax.experimental import pallas as pl
from jax.experimental.pallas import tpu as pltpu
from jax.experimental.pallas import tpu_sc as plsc

N, C, H, W = 32, 3, 512, 512
GRID = 4
PH, PW = H // GRID, W // GRID
HH = PH // 2
NCHUNKS = C * GRID * GRID * 2
NBUF = 12
NROUNDS = NCHUNKS // NBUF


def _sc_body(img_hbm, scores_hbm, out_hbm, scores_v, perm_s, buf_v, gsem, wsem):
    wid = lax.axis_index("s") * 2 + lax.axis_index("c")
    lanes = lax.iota(jnp.int32, 16)

    pltpu.sync_copy(scores_hbm.at[wid], scores_v)
    s = scores_v[...]
    rank = lanes & 0
    for t in range(16):
        st = s[t]
        cond = (st < s) | ((st == s) & (t < lanes))
        rank = rank + jnp.where(cond, 1, 0)
    for t in range(16):
        perm_s[rank[t]] = t

    def gather(k, b):
        c = k >> 5
        p = (k >> 1) & 15
        h = k & 1
        q = perm_s[p]
        qr = q >> 2
        qc = q & 3
        return pltpu.make_async_copy(
            img_hbm.at[wid, c, pl.ds(qr * PH + h * HH, HH), pl.ds(qc * PW, PW)],
            buf_v.at[b], gsem.at[b])

    def writeback(k, b):
        c = k >> 5
        p = (k >> 1) & 15
        h = k & 1
        r = p >> 2
        cb = p & 3
        return pltpu.make_async_copy(
            buf_v.at[b],
            out_hbm.at[wid, c, pl.ds(r * PH + h * HH, HH), pl.ds(cb * PW, PW)],
            wsem.at[b])

    def gather_wait(b):
        pltpu.make_async_copy(
            img_hbm.at[wid, 0, pl.ds(0, HH), pl.ds(0, PW)],
            buf_v.at[b], gsem.at[b]).wait()

    def writeback_wait(b):
        pltpu.make_async_copy(
            buf_v.at[b],
            out_hbm.at[wid, 0, pl.ds(0, HH), pl.ds(0, PW)],
            wsem.at[b]).wait()

    for b in range(NBUF):
        gather(b, b).start()

    def round_body(k2, carry):
        k0 = k2 * NBUF
        for b in range(NBUF):
            gather_wait(b)
            writeback(k0 + b, b).start()
        @pl.when(k2 < NROUNDS - 1)
        def _():
            for b in range(NBUF):
                writeback_wait(b)
                gather(k0 + NBUF + b, b).start()
        return carry

    lax.fori_loop(0, NROUNDS, round_body, 0)

    for b in range(NBUF):
        writeback_wait(b)


@jax.jit
def kernel(img):
    assert img.shape == (N, C, H, W)
    pkey = jax.random.key(42)
    scores = jax.random.uniform(pkey, (N, GRID * GRID), dtype=jnp.float32)

    mesh = plsc.VectorSubcoreMesh(core_axis_name="c", subcore_axis_name="s")
    run = functools.partial(
        pl.kernel,
        mesh=mesh,
        out_type=jax.ShapeDtypeStruct((N, C, H, W), jnp.float32),
        scratch_types=[
            pltpu.VMEM((16,), jnp.float32),
            pltpu.SMEM((16,), jnp.int32),
            pltpu.VMEM((NBUF, HH, PW), jnp.float32),
            pltpu.SemaphoreType.DMA((NBUF,)),
            pltpu.SemaphoreType.DMA((NBUF,)),
        ],
        compiler_params=pltpu.CompilerParams(needs_layout_passes=False),
    )(_sc_body)
    return run(img, scores)

# --- scband reference (transcript-rebuilt; emitter-appended) ---
"""Pipeline reference for scband-puzzle2-d-58385785422363 (READ-ONLY COPY).

The authoritative reference and input builder live on the scoring server;
editing this copy changes nothing except your own understanding.
"""

import jax, jax.numpy as jnp
import numpy as np

ROWS, COLS = 4, 4

def setup_inputs(seed: int = 0) -> dict:
    key = jax.random.key(seed)
    img = jax.random.normal(key, (32, 3, 512, 512), dtype=jnp.float32)
    return {"img": img}

def reference(img):
    # Puzzle2D: split image into ROWSxCOLS grid and shuffle cells per-sample.
    # probability=1.0 -> shuffle is always applied.
    N, C, H, W = img.shape
    rows, cols = ROWS, COLS
    patch_h = H // rows
    patch_w = W // cols
    eff_h = patch_h * rows
    eff_w = patch_w * cols
    num_patches = rows * cols

    roi = img[..., :eff_h, :eff_w]
    patches = roi.reshape(N, C, rows, patch_h, cols, patch_w)
    patches = jnp.transpose(patches, (0, 2, 4, 1, 3, 5))
    patches_flat = patches.reshape(N, num_patches, C, patch_h, patch_w)

    # per-sample random permutation (deterministic key stands in for torch.rand)
    pkey = jax.random.key(42)
    rand_scores = jax.random.uniform(pkey, (N, num_patches), dtype=jnp.float32)
    perm_indices = jnp.argsort(rand_scores, axis=1)

    idx = perm_indices[:, :, None, None, None]
    shuffled_patches = jnp.take_along_axis(patches_flat, idx, axis=1)

    shuffled_grid = shuffled_patches.reshape(N, rows, cols, C, patch_h, patch_w)
    restored_layout = jnp.transpose(shuffled_grid, (0, 3, 1, 4, 2, 5))
    shuffled_roi = restored_layout.reshape(N, C, eff_h, eff_w)

    out = img.at[..., :eff_h, :eff_w].set(shuffled_roi)
    return out

if __name__ == "__main__":
    import jax
    _d = setup_inputs()
    print(jax.jit(kernel)(*tuple(_d.values())))

</pallas_src>

<mosaic_0001>
#map = affine_map<(d0, d1) -> (0, 0, 0, 0)>
#map1 = affine_map<(d0, d1) -> (0, 0)>
module attributes {stable_mosaic.version = 14 : i64} {
  func.func @_sc_body(%arg0: i32, %arg1: i32, %arg2: memref<32x3x512x512xf32, #tpu.memory_space<hbm>>, %arg3: memref<32x16xf32, #tpu.memory_space<hbm>>, %arg4: memref<32x3x512x512xf32, #tpu.memory_space<hbm>>, %arg5: memref<16xf32, #tpu.memory_space<vmem>>, %arg6: memref<16xi32, #tpu.memory_space<smem>>, %arg7: memref<12x64x128xf32, #tpu.memory_space<vmem>>, %arg8: memref<12x!tpu.dma_semaphore, #tpu.memory_space<semaphore_mem>>, %arg9: memref<12x!tpu.dma_semaphore, #tpu.memory_space<semaphore_mem>>) attributes {dimension_semantics = [#tpu.dimension_semantics<core_parallel>, #tpu.dimension_semantics<subcore_parallel>], iteration_bounds = array<i64: 2, 16>, scalar_prefetch = 0 : i64, scratch_operands = 5 : i64, tpu.core_type = #tpu.core_type<sc_vector_subcore>, window_params = [{transform_indices = #map}, {transform_indices = #map1}, {transform_indices = #map}]} {
    %mul3A = arith.constant 2 : i32
    %mul3A_0 = arith.muli %arg1, %mul3A : i32
    %add3A = arith.addi %mul3A_0, %arg0 : i32
    %iota3A = tpu.iota {dimensions = array<i32: 0>} : vector<16xi32>
    "tpu.region"() ({
      %run_scoped3A = tpu.sem_alloc : memref<!tpu.dma_semaphore, #tpu.memory_space<semaphore_mem>>
      %dma_start3A_960 = arith.constant 0 : i32
      %dma_start3A_961 = tpu.memref_slice %arg3[%add3A, %dma_start3A_960] : memref<32x16xf32, #tpu.memory_space<hbm>> -> memref<1x16xf32, #tpu.memory_space<hbm>>
      %dma_start3A_962 = tpu.memref_squeeze %dma_start3A_961 : memref<1x16xf32, #tpu.memory_space<hbm>> -> memref<16xf32, #tpu.memory_space<hbm>>
      %dma_start3A_963 = arith.constant 0 : i32
      %dma_start3A_964 = tpu.memref_slice %arg3[%add3A, %dma_start3A_963] : memref<32x16xf32, #tpu.memory_space<hbm>> -> memref<1x16xf32, #tpu.memory_space<hbm>>
      %dma_start3A_965 = tpu.memref_squeeze %dma_start3A_964 : memref<1x16xf32, #tpu.memory_space<hbm>> -> memref<16xf32, #tpu.memory_space<hbm>>
      tpu.enqueue_dma source(%dma_start3A_965 : memref<16xf32, #tpu.memory_space<hbm>>) target(%arg5 : memref<16xf32, #tpu.memory_space<vmem>>) target_semaphore(%run_scoped3A : memref<!tpu.dma_semaphore, #tpu.memory_space<semaphore_mem>>)
      %dma_wait3A_966 = arith.constant 0 : i32
      %dma_wait3A_967 = tpu.memref_slice %arg3[%add3A, %dma_wait3A_966] : memref<32x16xf32, #tpu.memory_space<hbm>> -> memref<1x16xf32, #tpu.memory_space<hbm>>
      %dma_wait3A_968 = tpu.memref_squeeze %dma_wait3A_967 : memref<1x16xf32, #tpu.memory_space<hbm>> -> memref<16xf32, #tpu.memory_space<hbm>>
      %dma_wait3A_969 = arith.constant 0 : i32
      %dma_wait3A_970 = tpu.memref_slice %arg3[%add3A, %dma_wait3A_969] : memref<32x16xf32, #tpu.memory_space<hbm>> -> memref<1x16xf32, #tpu.memory_space<hbm>>
      %dma_wait3A_971 = tpu.memref_squeeze %dma_wait3A_970 : memref<1x16xf32, #tpu.memory_space<hbm>> -> memref<16xf32, #tpu.memory_space<hbm>>
      tpu.wait_dma2 semaphore(%run_scoped3A : memref<!tpu.dma_semaphore, #tpu.memory_space<semaphore_mem>>) src(%dma_wait3A_971 : memref<16xf32, #tpu.memory_space<hbm>>) dst(%arg5 : memref<16xf32, #tpu.memory_space<vmem>>)
      tpu.yield
    }) : () -> ()
    %get3A = arith.constant 0 : index
    %get3A_1 = tpu.vector_load %arg5[%get3A] {strides = array<i32>} : memref<16xf32, #tpu.memory_space<vmem>>, vector<16xf32>,
    %and3A = arith.constant 0 : i32
    %and3A_2 = vector.broadcast %and3A : i32 to vector<16xi32>
    %and3A_3 = arith.andi %iota3A, %and3A_2 : vector<16xi32>
    %slice3A = vector.extract_strided_slice %get3A_1 {offsets = [0], sizes = [1], strides = [1]} : vector<16xf32> to vector<1xf32>
    %squeeze3A = vector.extract %slice3A[0] : f32 from vector<1xf32>
    %lt3A = vector.broadcast %squeeze3A : f32 to vector<16xf32>
    %lt3A_4 = arith.cmpf olt, %lt3A, %get3A_1 : vector<16xf32>
    %eq3A = vector.broadcast %squeeze3A : f32 to vector<16xf32>
    %eq3A_5 = arith.cmpf oeq, %eq3A, %get3A_1 : vector<16xf32>
    %gt3A = arith.constant 0 : i32
    %gt3A_6 = vector.broadcast %gt3A : i32 to vector<16xi32>
    %gt3A_7 = arith.cmpi sgt, %iota3A, %gt3A_6 : vector<16xi32>
    %and3A_8 = arith.andi %eq3A_5, %gt3A_7 : vector<16xi1>
    %or3A = arith.ori %lt3A_4, %and3A_8 : vector<16xi1>
    %jit3A = arith.constant 1 : i32
    %jit3A_9 = arith.constant 0 : i32
    %broadcast_in_dim3A = vector.broadcast %jit3A : i32 to vector<16xi32>
    %broadcast_in_dim3A_10 = vector.broadcast %jit3A_9 : i32 to vector<16xi32>
    %select_n3A = arith.select %or3A, %broadcast_in_dim3A, %broadcast_in_dim3A_10 : vector<16xi1>, vector<16xi32>
    %add3A_11 = arith.addi %and3A_3, %select_n3A : vector<16xi32>
    %slice3A_12 = vector.extract_strided_slice %get3A_1 {offsets = [1], sizes = [1], strides = [1]} : vector<16xf32> to vector<1xf32>
    %squeeze3A_13 = vector.extract %slice3A_12[0] : f32 from vector<1xf32>
    %lt3A_14 = vector.broadcast %squeeze3A_13 : f32 to vector<16xf32>
    %lt3A_15 = arith.cmpf olt, %lt3A_14, %get3A_1 : vector<16xf32>
    %eq3A_16 = vector.broadcast %squeeze3A_13 : f32 to vector<16xf32>
    %eq3A_17 = arith.cmpf oeq, %eq3A_16, %get3A_1 : vector<16xf32>
    %gt3A_18 = arith.constant 1 : i32
    %gt3A_19 = vector.broadcast %gt3A_18 : i32 to vector<16xi32>
    %gt3A_20 = arith.cmpi sgt, %iota3A, %gt3A_19 : vector<16xi32>
    %and3A_21 = arith.andi %eq3A_17, %gt3A_20 : vector<16xi1>
    %or3A_22 = arith.ori %lt3A_15, %and3A_21 : vector<16xi1>
    %jit3A_23 = arith.constant 1 : i32
    %jit3A_24 = arith.constant 0 : i32
    %broadcast_in_dim3A_25 = vector.broadcast %jit3A_23 : i32 to vector<16xi32>
    %broadcast_in_dim3A_26 = vector.broadcast %jit3A_24 : i32 to vector<16xi32>
    %select_n3A_27 = arith.select %or3A_22, %broadcast_in_dim3A_25, %broadcast_in_dim3A_26 : vector<16xi1>, vector<16xi32>
    %add3A_28 = arith.addi %add3A_11, %select_n3A_27 : vector<16xi32>
    %slice3A_29 = vector.extract_strided_slice %get3A_1 {offsets = [2], sizes = [1], strides = [1]} : vector<16xf32> to vector<1xf32>
    %squeeze3A_30 = vector.extract %slice3A_29[0] : f32 from vector<1xf32>
    %lt3A_31 = vector.broadcast %squeeze3A_30 : f32 to vector<16xf32>
    %lt3A_32 = arith.cmpf olt, %lt3A_31, %get3A_1 : vector<16xf32>
    %eq3A_33 = vector.broadcast %squeeze3A_30 : f32 to vector<16xf32>
    %eq3A_34 = arith.cmpf oeq, %eq3A_33, %get3A_1 : vector<16xf32>
    %gt3A_35 = arith.constant 2 : i32
    %gt3A_36 = vector.broadcast %gt3A_35 : i32 to vector<16xi32>
    %gt3A_37 = arith.cmpi sgt, %iota3A, %gt3A_36 : vector<16xi32>
    %and3A_38 = arith.andi %eq3A_34, %gt3A_37 : vector<16xi1>
    %or3A_39 = arith.ori %lt3A_32, %and3A_38 : vector<16xi1>
    %jit3A_40 = arith.constant 1 : i32
    %jit3A_41 = arith.constant 0 : i32
    %broadcast_in_dim3A_42 = vector.broadcast %jit3A_40 : i32 to vector<16xi32>
    %broadcast_in_dim3A_43 = vector.broadcast %jit3A_41 : i32 to vector<16xi32>
    %select_n3A_44 = arith.select %or3A_39, %broadcast_in_dim3A_42, %broadcast_in_dim3A_43 : vector<16xi1>, vector<16xi32>
    %add3A_45 = arith.addi %add3A_28, %select_n3A_44 : vector<16xi32>
    %slice3A_46 = vector.extract_strided_slice %get3A_1 {offsets = [3], sizes = [1], strides = [1]} : vector<16xf32> to vector<1xf32>
    %squeeze3A_47 = vector.extract %slice3A_46[0] : f32 from vector<1xf32>
    %lt3A_48 = vector.broadcast %squeeze3A_47 : f32 to vector<16xf32>
    %lt3A_49 = arith.cmpf olt, %lt3A_48, %get3A_1 : vector<16xf32>
    %eq3A_50 = vector.broadcast %squeeze3A_47 : f32 to vector<16xf32>
    %eq3A_51 = arith.cmpf oeq, %eq3A_50, %get3A_1 : vector<16xf32>
    %gt3A_52 = arith.constant 3 : i32
    %gt3A_53 = vector.broadcast %gt3A_52 : i32 to vector<16xi32>
    %gt3A_54 = arith.cmpi sgt, %iota3A, %gt3A_53 : vector<16xi32>
    %and3A_55 = arith.andi %eq3A_51, %gt3A_54 : vector<16xi1>
    %or3A_56 = arith.ori %lt3A_49, %and3A_55 : vector<16xi1>
    %jit3A_57 = arith.constant 1 : i32
    %jit3A_58 = arith.constant 0 : i32
    %broadcast_in_dim3A_59 = vector.broadcast %jit3A_57 : i32 to vector<16xi32>
    %broadcast_in_dim3A_60 = vector.broadcast %jit3A_58 : i32 to vector<16xi32>
    %select_n3A_61 = arith.select %or3A_56, %broadcast_in_dim3A_59, %broadcast_in_dim3A_60 : vector<16xi1>, vector<16xi32>
    %add3A_62 = arith.addi %add3A_45, %select_n3A_61 : vector<16xi32>
    %slice3A_63 = vector.extract_strided_slice %get3A_1 {offsets = [4], sizes = [1], strides = [1]} : vector<16xf32> to vector<1xf32>
    %squeeze3A_64 = vector.extract %slice3A_63[0] : f32 from vector<1xf32>
    %lt3A_65 = vector.broadcast %squeeze3A_64 : f32 to vector<16xf32>
    %lt3A_66 = arith.cmpf olt, %lt3A_65, %get3A_1 : vector<16xf32>
    %eq3A_67 = vector.broadcast %squeeze3A_64 : f32 to vector<16xf32>
    %eq3A_68 = arith.cmpf oeq, %eq3A_67, %get3A_1 : vector<16xf32>
    %gt3A_69 = arith.constant 4 : i32
    %gt3A_70 = vector.broadcast %gt3A_69 : i32 to vector<16xi32>
    %gt3A_71 = arith.cmpi sgt, %iota3A, %gt3A_70 : vector<16xi32>
    %and3A_72 = arith.andi %eq3A_68, %gt3A_71 : vector<16xi1>
    %or3A_73 = arith.ori %lt3A_66, %and3A_72 : vector<16xi1>
    %jit3A_74 = arith.constant 1 : i32
    %jit3A_75 = arith.constant 0 : i32
    %broadcast_in_dim3A_76 = vector.broadcast %jit3A_74 : i32 to vector<16xi32>
    %broadcast_in_dim3A_77 = vector.broadcast %jit3A_75 : i32 to vector<16xi32>
    %select_n3A_78 = arith.select %or3A_73, %broadcast_in_dim3A_76, %broadcast_in_dim3A_77 : vector<16xi1>, vector<16xi32>
    %add3A_79 = arith.addi %add3A_62, %select_n3A_78 : vector<16xi32>
    %slice3A_80 = vector.extract_strided_slice %get3A_1 {offsets = [5], sizes = [1], strides = [1]} : vector<16xf32> to vector<1xf32>
    %squeeze3A_81 = vector.extract %slice3A_80[0] : f32 from vector<1xf32>
    %lt3A_82 = vector.broadcast %squeeze3A_81 : f32 to vector<16xf32>
    %lt3A_83 = arith.cmpf olt, %lt3A_82, %get3A_1 : vector<16xf32>
    %eq3A_84 = vector.broadcast %squeeze3A_81 : f32 to vector<16xf32>
    %eq3A_85 = arith.cmpf oeq, %eq3A_84, %get3A_1 : vector<16xf32>
    %gt3A_86 = arith.constant 5 : i32
    %gt3A_87 = vector.broadcast %gt3A_86 : i32 to vector<16xi32>
    %gt3A_88 = arith.cmpi sgt, %iota3A, %gt3A_87 : vector<16xi32>
    %and3A_89 = arith.andi %eq3A_85, %gt3A_88 : vector<16xi1>
    %or3A_90 = arith.ori %lt3A_83, %and3A_89 : vector<16xi1>
    %jit3A_91 = arith.constant 1 : i32
    %jit3A_92 = arith.constant 0 : i32
    %broadcast_in_dim3A_93 = vector.broadcast %jit3A_91 : i32 to vector<16xi32>
    %broadcast_in_dim3A_94 = vector.broadcast %jit3A_92 : i32 to vector<16xi32>
    %select_n3A_95 = arith.select %or3A_90, %broadcast_in_dim3A_93, %broadcast_in_dim3A_94 : vector<16xi1>, vector<16xi32>
    %add3A_96 = arith.addi %add3A_79, %select_n3A_95 : vector<16xi32>
    %slice3A_97 = vector.extract_strided_slice %get3A_1 {offsets = [6], sizes = [1], strides = [1]} : vector<16xf32> to vector<1xf32>
    %squeeze3A_98 = vector.extract %slice3A_97[0] : f32 from vector<1xf32>
    %lt3A_99 = vector.broadcast %squeeze3A_98 : f32 to vector<16xf32>
    %lt3A_100 = arith.cmpf olt, %lt3A_99, %get3A_1 : vector<16xf32>
    %eq3A_101 = vector.broadcast %squeeze3A_98 : f32 to vector<16xf32>
    %eq3A_102 = arith.cmpf oeq, %eq3A_101, %get3A_1 : vector<16xf32>
    %gt3A_103 = arith.constant 6 : i32
    %gt3A_104 = vector.broadcast %gt3A_103 : i32 to vector<16xi32>
    %gt3A_105 = arith.cmpi sgt, %iota3A, %gt3A_104 : vector<16xi32>
    %and3A_106 = arith.andi %eq3A_102, %gt3A_105 : vector<16xi1>
    %or3A_107 = arith.ori %lt3A_100, %and3A_106 : vector<16xi1>
    %jit3A_108 = arith.constant 1 : i32
    %jit3A_109 = arith.constant 0 : i32
    %broadcast_in_dim3A_110 = vector.broadcast %jit3A_108 : i32 to vector<16xi32>
    %broadcast_in_dim3A_111 = vector.broadcast %jit3A_109 : i32 to vector<16xi32>
    %select_n3A_112 = arith.select %or3A_107, %broadcast_in_dim3A_110, %broadcast_in_dim3A_111 : vector<16xi1>, vector<16xi32>
    %add3A_113 = arith.addi %add3A_96, %select_n3A_112 : vector<16xi32>
    %slice3A_114 = vector.extract_strided_slice %get3A_1 {offsets = [7], sizes = [1], strides = [1]} : vector<16xf32> to vector<1xf32>
    %squeeze3A_115 = vector.extract %slice3A_114[0] : f32 from vector<1xf32>
    %lt3A_116 = vector.broadcast %squeeze3A_115 : f32 to vector<16xf32>
    %lt3A_117 = arith.cmpf olt, %lt3A_116, %get3A_1 : vector<16xf32>
    %eq3A_118 = vector.broadcast %squeeze3A_115 : f32 to vector<16xf32>
    %eq3A_119 = arith.cmpf oeq, %eq3A_118, %get3A_1 : vector<16xf32>
    %gt3A_120 = arith.constant 7 : i32
    %gt3A_121 = vector.broadcast %gt3A_120 : i32 to vector<16xi32>
    %gt3A_122 = arith.cmpi sgt, %iota3A, %gt3A_121 : vector<16xi32>
    %and3A_123 = arith.andi %eq3A_119, %gt3A_122 : vector<16xi1>
    %or3A_124 = arith.ori %lt3A_117, %and3A_123 : vector<16xi1>
    %jit3A_125 = arith.constant 1 : i32
    %jit3A_126 = arith.constant 0 : i32
    %broadcast_in_dim3A_127 = vector.broadcast %jit3A_125 : i32 to vector<16xi32>
    %broadcast_in_dim3A_128 = vector.broadcast %jit3A_126 : i32 to vector<16xi32>
    %select_n3A_129 = arith.select %or3A_124, %broadcast_in_dim3A_127, %broadcast_in_dim3A_128 : vector<16xi1>, vector<16xi32>
    %add3A_130 = arith.addi %add3A_113, %select_n3A_129 : vector<16xi32>
    %slice3A_131 = vector.extract_strided_slice %get3A_1 {offsets = [8], sizes = [1], strides = [1]} : vector<16xf32> to vector<1xf32>
    %squeeze3A_132 = vector.extract %slice3A_131[0] : f32 from vector<1xf32>
    %lt3A_133 = vector.broadcast %squeeze3A_132 : f32 to vector<16xf32>
    %lt3A_134 = arith.cmpf olt, %lt3A_133, %get3A_1 : vector<16xf32>
    %eq3A_135 = vector.broadcast %squeeze3A_132 : f32 to vector<16xf32>
    %eq3A_136 = arith.cmpf oeq, %eq3A_135, %get3A_1 : vector<16xf32>
    %gt3A_137 = arith.constant 8 : i32
    %gt3A_138 = vector.broadcast %gt3A_137 : i32 to vector<16xi32>
    %gt3A_139 = arith.cmpi sgt, %iota3A, %gt3A_138 : vector<16xi32>
    %and3A_140 = arith.andi %eq3A_136, %gt3A_139 : vector<16xi1>
    %or3A_141 = arith.ori %lt3A_134, %and3A_140 : vector<16xi1>
    %jit3A_142 = arith.constant 1 : i32
    %jit3A_143 = arith.constant 0 : i32
    %broadcast_in_dim3A_144 = vector.broadcast %jit3A_142 : i32 to vector<16xi32>
    %broadcast_in_dim3A_145 = vector.broadcast %jit3A_143 : i32 to vector<16xi32>
    %select_n3A_146 = arith.select %or3A_141, %broadcast_in_dim3A_144, %broadcast_in_dim3A_145 : vector<16xi1>, vector<16xi32>
    %add3A_147 = arith.addi %add3A_130, %select_n3A_146 : vector<16xi32>
    %slice3A_148 = vector.extract_strided_slice %get3A_1 {offsets = [9], sizes = [1], strides = [1]} : vector<16xf32> to vector<1xf32>
    %squeeze3A_149 = vector.extract %slice3A_148[0] : f32 from vector<1xf32>
    %lt3A_150 = vector.broadcast %squeeze3A_149 : f32 to vector<16xf32>
    %lt3A_151 = arith.cmpf olt, %lt3A_150, %get3A_1 : vector<16xf32>
    %eq3A_152 = vector.broadcast %squeeze3A_149 : f32 to vector<16xf32>
    %eq3A_153 = arith.cmpf oeq, %eq3A_152, %get3A_1 : vector<16xf32>
    %gt3A_154 = arith.constant 9 : i32
    %gt3A_155 = vector.broadcast %gt3A_154 : i32 to vector<16xi32>
    %gt3A_156 = arith.cmpi sgt, %iota3A, %gt3A_155 : vector<16xi32>
    %and3A_157 = arith.andi %eq3A_153, %gt3A_156 : vector<16xi1>
    %or3A_158 = arith.ori %lt3A_151, %and3A_157 : vector<16xi1>
    %jit3A_159 = arith.constant 1 : i32
    %jit3A_160 = arith.constant 0 : i32
    %broadcast_in_dim3A_161 = vector.broadcast %jit3A_159 : i32 to vector<16xi32>
    %broadcast_in_dim3A_162 = vector.broadcast %jit3A_160 : i32 to vector<16xi32>
    %select_n3A_163 = arith.select %or3A_158, %broadcast_in_dim3A_161, %broadcast_in_dim3A_162 : vector<16xi1>, vector<16xi32>
    %add3A_164 = arith.addi %add3A_147, %select_n3A_163 : vector<16xi32>
    %slice3A_165 = vector.extract_strided_slice %get3A_1 {offsets = [10], sizes = [1], strides = [1]} : vector<16xf32> to vector<1xf32>
    %squeeze3A_166 = vector.extract %slice3A_165[0] : f32 from vector<1xf32>
    %lt3A_167 = vector.broadcast %squeeze3A_166 : f32 to vector<16xf32>
    %lt3A_168 = arith.cmpf olt, %lt3A_167, %get3A_1 : vector<16xf32>
    %eq3A_169 = vector.broadcast %squeeze3A_166 : f32 to vector<16xf32>
    %eq3A_170 = arith.cmpf oeq, %eq3A_169, %get3A_1 : vector<16xf32>
    %gt3A_171 = arith.constant 10 : i32
    %gt3A_172 = vector.broadcast %gt3A_171 : i32 to vector<16xi32>
    %gt3A_173 = arith.cmpi sgt, %iota3A, %gt3A_172 : vector<16xi32>
    %and3A_174 = arith.andi %eq3A_170, %gt3A_173 : vector<16xi1>
    %or3A_175 = arith.ori %lt3A_168, %and3A_174 : vector<16xi1>
    %jit3A_176 = arith.constant 1 : i32
    %jit3A_177 = arith.constant 0 : i32
    %broadcast_in_dim3A_178 = vector.broadcast %jit3A_176 : i32 to vector<16xi32>
    %broadcast_in_dim3A_179 = vector.broadcast %jit3A_177 : i32 to vector<16xi32>
    %select_n3A_180 = arith.select %or3A_175, %broadcast_in_dim3A_178, %broadcast_in_dim3A_179 : vector<16xi1>, vector<16xi32>
    %add3A_181 = arith.addi %add3A_164, %select_n3A_180 : vector<16xi32>
    %slice3A_182 = vector.extract_strided_slice %get3A_1 {offsets = [11], sizes = [1], strides = [1]} : vector<16xf32> to vector<1xf32>
    %squeeze3A_183 = vector.extract %slice3A_182[0] : f32 from vector<1xf32>
    %lt3A_184 = vector.broadcast %squeeze3A_183 : f32 to vector<16xf32>
    %lt3A_185 = arith.cmpf olt, %lt3A_184, %get3A_1 : vector<16xf32>
    %eq3A_186 = vector.broadcast %squeeze3A_183 : f32 to vector<16xf32>
    %eq3A_187 = arith.cmpf oeq, %eq3A_186, %get3A_1 : vector<16xf32>
    %gt3A_188 = arith.constant 11 : i32
    %gt3A_189 = vector.broadcast %gt3A_188 : i32 to vector<16xi32>
    %gt3A_190 = arith.cmpi sgt, %iota3A, %gt3A_189 : vector<16xi32>
    %and3A_191 = arith.andi %eq3A_187, %gt3A_190 : vector<16xi1>
    %or3A_192 = arith.ori %lt3A_185, %and3A_191 : vector<16xi1>
    %jit3A_193 = arith.constant 1 : i32
    %jit3A_194 = arith.constant 0 : i32
    %broadcast_in_dim3A_195 = vector.broadcast %jit3A_193 : i32 to vector<16xi32>
    %broadcast_in_dim3A_196 = vector.broadcast %jit3A_194 : i32 to vector<16xi32>
    %select_n3A_197 = arith.select %or3A_192, %broadcast_in_dim3A_195, %broadcast_in_dim3A_196 : vector<16xi1>, vector<16xi32>
    %add3A_198 = arith.addi %add3A_181, %select_n3A_197 : vector<16xi32>
    %slice3A_199 = vector.extract_strided_slice %get3A_1 {offsets = [12], sizes = [1], strides = [1]} : vector<16xf32> to vector<1xf32>
    %squeeze3A_200 = vector.extract %slice3A_199[0] : f32 from vector<1xf32>
    %lt3A_201 = vector.broadcast %squeeze3A_200 : f32 to vector<16xf32>
    %lt3A_202 = arith.cmpf olt, %lt3A_201, %get3A_1 : vector<16xf32>
    %eq3A_203 = vector.broadcast %squeeze3A_200 : f32 to vector<16xf32>
    %eq3A_204 = arith.cmpf oeq, %eq3A_203, %get3A_1 : vector<16xf32>
    %gt3A_205 = arith.constant 12 : i32
    %gt3A_206 = vector.broadcast %gt3A_205 : i32 to vector<16xi32>
    %gt3A_207 = arith.cmpi sgt, %iota3A, %gt3A_206 : vector<16xi32>
    %and3A_208 = arith.andi %eq3A_204, %gt3A_207 : vector<16xi1>
    %or3A_209 = arith.ori %lt3A_202, %and3A_208 : vector<16xi1>
    %jit3A_210 = arith.constant 1 : i32
    %jit3A_211 = arith.constant 0 : i32
    %broadcast_in_dim3A_212 = vector.broadcast %jit3A_210 : i32 to vector<16xi32>
    %broadcast_in_dim3A_213 = vector.broadcast %jit3A_211 : i32 to vector<16xi32>
    %select_n3A_214 = arith.select %or3A_209, %broadcast_in_dim3A_212, %broadcast_in_dim3A_213 : vector<16xi1>, vector<16xi32>
    %add3A_215 = arith.addi %add3A_198, %select_n3A_214 : vector<16xi32>
    %slice3A_216 = vector.extract_strided_slice %get3A_1 {offsets = [13], sizes = [1], strides = [1]} : vector<16xf32> to vector<1xf32>
    %squeeze3A_217 = vector.extract %slice3A_216[0] : f32 from vector<1xf32>
    %lt3A_218 = vector.broadcast %squeeze3A_217 : f32 to vector<16xf32>
    %lt3A_219 = arith.cmpf olt, %lt3A_218, %get3A_1 : vector<16xf32>
    %eq3A_220 = vector.broadcast %squeeze3A_217 : f32 to vector<16xf32>
    %eq3A_221 = arith.cmpf oeq, %eq3A_220, %get3A_1 : vector<16xf32>
    %gt3A_222 = arith.constant 13 : i32
    %gt3A_223 = vector.broadcast %gt3A_222 : i32 to vector<16xi32>
    %gt3A_224 = arith.cmpi sgt, %iota3A, %gt3A_223 : vector<16xi32>
    %and3A_225 = arith.andi %eq3A_221, %gt3A_224 : vector<16xi1>
    %or3A_226 = arith.ori %lt3A_219, %and3A_225 : vector<16xi1>
    %jit3A_227 = arith.constant 1 : i32
    %jit3A_228 = arith.constant 0 : i32
    %broadcast_in_dim3A_229 = vector.broadcast %jit3A_227 : i32 to vector<16xi32>
    %broadcast_in_dim3A_230 = vector.broadcast %jit3A_228 : i32 to vector<16xi32>
    %select_n3A_231 = arith.select %or3A_226, %broadcast_in_dim3A_229, %broadcast_in_dim3A_230 : vector<16xi1>, vector<16xi32>
    %add3A_232 = arith.addi %add3A_215, %select_n3A_231 : vector<16xi32>
    %slice3A_233 = vector.extract_strided_slice %get3A_1 {offsets = [14], sizes = [1], strides = [1]} : vector<16xf32> to vector<1xf32>
    %squeeze3A_234 = vector.extract %slice3A_233[0] : f32 from vector<1xf32>
    %lt3A_235 = vector.broadcast %squeeze3A_234 : f32 to vector<16xf32>
    %lt3A_236 = arith.cmpf olt, %lt3A_235, %get3A_1 : vector<16xf32>
    %eq3A_237 = vector.broadcast %squeeze3A_234 : f32 to vector<16xf32>
    %eq3A_238 = arith.cmpf oeq, %eq3A_237, %get3A_1 : vector<16xf32>
    %gt3A_239 = arith.constant 14 : i32
    %gt3A_240 = vector.broadcast %gt3A_239 : i32 to vector<16xi32>
    %gt3A_241 = arith.cmpi sgt, %iota3A, %gt3A_240 : vector<16xi32>
    %and3A_242 = arith.andi %eq3A_238, %gt3A_241 : vector<16xi1>
    %or3A_243 = arith.ori %lt3A_236, %and3A_242 : vector<16xi1>
    %jit3A_244 = arith.constant 1 : i32
    %jit3A_245 = arith.constant 0 : i32
    %broadcast_in_dim3A_246 = vector.broadcast %jit3A_244 : i32 to vector<16xi32>
    %broadcast_in_dim3A_247 = vector.broadcast %jit3A_245 : i32 to vector<16xi32>
    %select_n3A_248 = arith.select %or3A_243, %broadcast_in_dim3A_246, %broadcast_in_dim3A_247 : vector<16xi1>, vector<16xi32>
    %add3A_249 = arith.addi %add3A_232, %select_n3A_248 : vector<16xi32>
    %slice3A_250 = vector.extract_strided_slice %get3A_1 {offsets = [15], sizes = [1], strides = [1]} : vector<16xf32> to vector<1xf32>
    %squeeze3A_251 = vector.extract %slice3A_250[0] : f32 from vector<1xf32>
    %lt3A_252 = vector.broadcast %squeeze3A_251 : f32 to vector<16xf32>
    %lt3A_253 = arith.cmpf olt, %lt3A_252, %get3A_1 : vector<16xf32>
    %eq3A_254 = vector.broadcast %squeeze3A_251 : f32 to vector<16xf32>
    %eq3A_255 = arith.cmpf oeq, %eq3A_254, %get3A_1 : vector<16xf32>
    %gt3A_256 = arith.constant 15 : i32
    %gt3A_257 = vector.broadcast %gt3A_256 : i32 to vector<16xi32>
    %gt3A_258 = arith.cmpi sgt, %iota3A, %gt3A_257 : vector<16xi32>
    %and3A_259 = arith.andi %eq3A_255, %gt3A_258 : vector<16xi1>
    %or3A_260 = arith.ori %lt3A_253, %and3A_259 : vector<16xi1>
    %jit3A_261 = arith.constant 1 : i32
    %jit3A_262 = arith.constant 0 : i32
    %broadcast_in_dim3A_263 = vector.broadcast %jit3A_261 : i32 to vector<16xi32>
    %broadcast_in_dim3A_264 = vector.broadcast %jit3A_262 : i32 to vector<16xi32>
    %select_n3A_265 = arith.select %or3A_260, %broadcast_in_dim3A_263, %broadcast_in_dim3A_264 : vector<16xi1>, vector<16xi32>
    %add3A_266 = arith.addi %add3A_249, %select_n3A_265 : vector<16xi32>
    %slice3A_267 = vector.extract_strided_slice %add3A_266 {offsets = [0], sizes = [1], strides = [1]} : vector<16xi32> to vector<1xi32>
    %squeeze3A_268 = vector.extract %slice3A_267[0] : i32 from vector<1xi32>
    %swap3A = arith.constant 0 : i32
    %swap3A_269 = arith.index_cast %squeeze3A_268 : i32 to index
    %swap3A_270 = memref.load %arg6[%swap3A_269] : memref<16xi32, #tpu.memory_space<smem>>
    memref.store %swap3A, %arg6[%swap3A_269] : memref<16xi32, #tpu.memory_space<smem>>
    %slice3A_271 = vector.extract_strided_slice %add3A_266 {offsets = [1], sizes = [1], strides = [1]} : vector<16xi32> to vector<1xi32>
    %squeeze3A_272 = vector.extract %slice3A_271[0] : i32 from vector<1xi32>
    %swap3A_273 = arith.constant 1 : i32
    %swap3A_274 = arith.index_cast %squeeze3A_272 : i32 to index
    %swap3A_275 = memref.load %arg6[%swap3A_274] : memref<16xi32, #tpu.memory_space<smem>>
    memref.store %swap3A_273, %arg6[%swap3A_274] : memref<16xi32, #tpu.memory_space<smem>>
    %slice3A_276 = vector.extract_strided_slice %add3A_266 {offsets = [2], sizes = [1], strides = [1]} : vector<16xi32> to vector<1xi32>
    %squeeze3A_277 = vector.extract %slice3A_276[0] : i32 from vector<1xi32>
    %swap3A_278 = arith.constant 2 : i32
    %swap3A_279 = arith.index_cast %squeeze3A_277 : i32 to index
    %swap3A_280 = memref.load %arg6[%swap3A_279] : memref<16xi32, #tpu.memory_space<smem>>
    memref.store %swap3A_278, %arg6[%swap3A_279] : memref<16xi32, #tpu.memory_space<smem>>
    %slice3A_281 = vector.extract_strided_slice %add3A_266 {offsets = [3], sizes = [1], strides = [1]} : vector<16xi32> to vector<1xi32>
    %squeeze3A_282 = vector.extract %slice3A_281[0] : i32 from vector<1xi32>
    %swap3A_283 = arith.constant 3 : i32
    %swap3A_284 = arith.index_cast %squeeze3A_282 : i32 to index
    %swap3A_285 = memref.load %arg6[%swap3A_284] : memref<16xi32, #tpu.memory_space<smem>>
    memref.store %swap3A_283, %arg6[%swap3A_284] : memref<16xi32, #tpu.memory_space<smem>>
    %slice3A_286 = vector.extract_strided_slice %add3A_266 {offsets = [4], sizes = [1], strides = [1]} : vector<16xi32> to vector<1xi32>
    %squeeze3A_287 = vector.extract %slice3A_286[0] : i32 from vector<1xi32>
    %swap3A_288 = arith.constant 4 : i32
    %swap3A_289 = arith.index_cast %squeeze3A_287 : i32 to index
    %swap3A_290 = memref.load %arg6[%swap3A_289] : memref<16xi32, #tpu.memory_space<smem>>
    memref.store %swap3A_288, %arg6[%swap3A_289] : memref<16xi32, #tpu.memory_space<smem>>
    %slice3A_291 = vector.extract_strided_slice %add3A_266 {offsets = [5], sizes = [1], strides = [1]} : vector<16xi32> to vector<1xi32>
    %squeeze3A_292 = vector.extract %slice3A_291[0] : i32 from vector<1xi32>
    %swap3A_293 = arith.constant 5 : i32
    %swap3A_294 = arith.index_cast %squeeze3A_292 : i32 to index
    %swap3A_295 = memref.load %arg6[%swap3A_294] : memref<16xi32, #tpu.memory_space<smem>>
    memref.store %swap3A_293, %arg6[%swap3A_294] : memref<16xi32, #tpu.memory_space<smem>>
    %slice3A_296 = vector.extract_strided_slice %add3A_266 {offsets = [6], sizes = [1], strides = [1]} : vector<16xi32> to vector<1xi32>
    %squeeze3A_297 = vector.extract %slice3A_296[0] : i32 from vector<1xi32>
    %swap3A_298 = arith.constant 6 : i32
    %swap3A_299 = arith.index_cast %squeeze3A_297 : i32 to index
    %swap3A_300 = memref.load %arg6[%swap3A_299] : memref<16xi32, #tpu.memory_space<smem>>
    memref.store %swap3A_298, %arg6[%swap3A_299] : memref<16xi32, #tpu.memory_space<smem>>
    %slice3A_301 = vector.extract_strided_slice %add3A_266 {offsets = [7], sizes = [1], strides = [1]} : vector<16xi32> to vector<1xi32>
    %squeeze3A_302 = vector.extract %slice3A_301[0] : i32 from vector<1xi32>
    %swap3A_303 = arith.constant 7 : i32
    %swap3A_304 = arith.index_cast %squeeze3A_302 : i32 to index
    %swap3A_305 = memref.load %arg6[%swap3A_304] : memref<16xi32, #tpu.memory_space<smem>>
    memref.store %swap3A_303, %arg6[%swap3A_304] : memref<16xi32, #tpu.memory_space<smem>>
    %slice3A_306 = vector.extract_strided_slice %add3A_266 {offsets = [8], sizes = [1], strides = [1]} : vector<16xi32> to vector<1xi32>
    %squeeze3A_307 = vector.extract %slice3A_306[0] : i32 from vector<1xi32>
    %swap3A_308 = arith.constant 8 : i32
    %swap3A_309 = arith.index_cast %squeeze3A_307 : i32 to index
    %swap3A_310 = memref.load %arg6[%swap3A_309] : memref<16xi32, #tpu.memory_space<smem>>
    memref.store %swap3A_308, %arg6[%swap3A_309] : memref<16xi32, #tpu.memory_space<smem>>
    %slice3A_311 = vector.extract_strided_slice %add3A_266 {offsets = [9], sizes = [1], strides = [1]} : vector<16xi32> to vector<1xi32>
    %squeeze3A_312 = vector.extract %slice3A_311[0] : i32 from vector<1xi32>
    %swap3A_313 = arith.constant 9 : i32
    %swap3A_314 = arith.index_cast %squeeze3A_312 : i32 to index
    %swap3A_315 = memref.load %arg6[%swap3A_314] : memref<16xi32, #tpu.memory_space<smem>>
    memref.store %swap3A_313, %arg6[%swap3A_314] : memref<16xi32, #tpu.memory_space<smem>>
    %slice3A_316 = vector.extract_strided_slice %add3A_266 {offsets = [10], sizes = [1], strides = [1]} : vector<16xi32> to vector<1xi32>
    %squeeze3A_317 = vector.extract %slice3A_316[0] : i32 from vector<1xi32>
    %swap3A_318 = arith.constant 10 : i32
    %swap3A_319 = arith.index_cast %squeeze3A_317 : i32 to index
    %swap3A_320 = memref.load %arg6[%swap3A_319] : memref<16xi32, #tpu.memory_space<smem>>
    memref.store %swap3A_318, %arg6[%swap3A_319] : memref<16xi32, #tpu.memory_space<smem>>
    %slice3A_321 = vector.extract_strided_slice %add3A_266 {offsets = [11], sizes = [1], strides = [1]} : vector<16xi32> to vector<1xi32>
    %squeeze3A_322 = vector.extract %slice3A_321[0] : i32 from vector<1xi32>
    %swap3A_323 = arith.constant 11 : i32
    %swap3A_324 = arith.index_cast %squeeze3A_322 : i32 to index
    %swap3A_325 = memref.load %arg6[%swap3A_324] : memref<16xi32, #tpu.memory_space<smem>>
    memref.store %swap3A_323, %arg6[%swap3A_324] : memref<16xi32, #tpu.memory_space<smem>>
    %slice3A_326 = vector.extract_strided_slice %add3A_266 {offsets = [12], sizes = [1], strides = [1]} : vector<16xi32> to vector<1xi32>
    %squeeze3A_327 = vector.extract %slice3A_326[0] : i32 from vector<1xi32>
    %swap3A_328 = arith.constant 12 : i32
    %swap3A_329 = arith.index_cast %squeeze3A_327 : i32 to index
    %swap3A_330 = memref.load %arg6[%swap3A_329] : memref<16xi32, #tpu.memory_space<smem>>
    memref.store %swap3A_328, %arg6[%swap3A_329] : memref<16xi32, #tpu.memory_space<smem>>
    %slice3A_331 = vector.extract_strided_slice %add3A_266 {offsets = [13], sizes = [1], strides = [1]} : vector<16xi32> to vector<1xi32>
    %squeeze3A_332 = vector.extract %slice3A_331[0] : i32 from vector<1xi32>
    %swap3A_333 = arith.constant 13 : i32
    %swap3A_334 = arith.index_cast %squeeze3A_332 : i32 to index
    %swap3A_335 = memref.load %arg6[%swap3A_334] : memref<16xi32, #tpu.memory_space<smem>>
    memref.store %swap3A_333, %arg6[%swap3A_334] : memref<16xi32, #tpu.memory_space<smem>>
    %slice3A_336 = vector.extract_strided_slice %add3A_266 {offsets = [14], sizes = [1], strides = [1]} : vector<16xi32> to vector<1xi32>
    %squeeze3A_337 = vector.extract %slice3A_336[0] : i32 from vector<1xi32>
    %swap3A_338 = arith.constant 14 : i32
    %swap3A_339 = arith.index_cast %squeeze3A_337 : i32 to index
    %swap3A_340 = memref.load %arg6[%swap3A_339] : memref<16xi32, #tpu.memory_space<smem>>
    memref.store %swap3A_338, %arg6[%swap3A_339] : memref<16xi32, #tpu.memory_space<smem>>
    %slice3A_341 = vector.extract_strided_slice %add3A_266 {offsets = [15], sizes = [1], strides = [1]} : vector<16xi32> to vector<1xi32>
    %squeeze3A_342 = vector.extract %slice3A_341[0] : i32 from vector<1xi32>
    %swap3A_343 = arith.constant 15 : i32
    %swap3A_344 = arith.index_cast %squeeze3A_342 : i32 to index
    %swap3A_345 = memref.load %arg6[%swap3A_344] : memref<16xi32, #tpu.memory_space<smem>>
    memref.store %swap3A_343, %arg6[%swap3A_344] : memref<16xi32, #tpu.memory_space<smem>>
    %get3A_346 = arith.constant 0 : i32
    %get3A_347 = arith.index_cast %get3A_346 : i32 to index
    %get3A_348 = memref.load %arg6[%get3A_347] : memref<16xi32, #tpu.memory_space<smem>>
    %shift_right_arithmetic3A = arith.constant 2 : i32
    %shift_right_arithmetic3A_349 = arith.shrsi %get3A_348, %shift_right_arithmetic3A : i32
    %and3A_350 = arith.constant 3 : i32
    %and3A_351 = arith.andi %get3A_348, %and3A_350 : i32
    %mul3A_352 = arith.constant 128 : i32
    %mul3A_353 = arith.muli %shift_right_arithmetic3A_349, %mul3A_352 : i32
    %add3A_354 = arith.constant 0 : i32
    %add3A_355 = arith.addi %mul3A_353, %add3A_354 : i32
    %mul3A_356 = arith.constant 128 : i32
    %mul3A_357 = arith.muli %and3A_351, %mul3A_356 : i32
    %dma_start3A = arith.constant 0 : i32
    %dma_start3A_358 = arith.constant 0 : i32
    %dma_start3A_359 = arith.constant 0 : i32
    %dma_start3A_360 = arith.constant 0 : i32
    %dma_start3A_361 = arith.constant 0 : i32
    %dma_start3A_362 = tpu.memref_slice %arg7[%dma_start3A_358, %dma_start3A_360, %dma_start3A_361] : memref<12x64x128xf32, #tpu.memory_space<vmem>> -> memref<1x64x128xf32, #tpu.memory_space<vmem>>
    %dma_start3A_363 = tpu.memref_squeeze %dma_start3A_362 : memref<1x64x128xf32, #tpu.memory_space<vmem>> -> memref<64x128xf32, #tpu.memory_space<vmem>>
    %dma_start3A_364 = tpu.memref_slice %arg2[%add3A, %dma_start3A, %add3A_355, %mul3A_357] : memref<32x3x512x512xf32, #tpu.memory_space<hbm>> -> memref<1x1x64x128xf32, #tpu.memory_space<hbm>>
    %dma_start3A_365 = tpu.memref_squeeze %dma_start3A_364 : memref<1x1x64x128xf32, #tpu.memory_space<hbm>> -> memref<64x128xf32, #tpu.memory_space<hbm>>
    %dma_start3A_366 = tpu.memref_slice %arg8[%dma_start3A_359] : memref<12x!tpu.dma_semaphore, #tpu.memory_space<semaphore_mem>> -> memref<1x!tpu.dma_semaphore, #tpu.memory_space<semaphore_mem>>
    %dma_start3A_367 = tpu.memref_squeeze %dma_start3A_366 : memref<1x!tpu.dma_semaphore, #tpu.memory_space<semaphore_mem>> -> memref<!tpu.dma_semaphore, #tpu.memory_space<semaphore_mem>>
    %dma_start3A_368 = arith.constant 0 : i32
    %dma_start3A_369 = arith.constant 0 : i32
    %dma_start3A_370 = tpu.memref_slice %arg7[%dma_start3A_358, %dma_start3A_368, %dma_start3A_369] : memref<12x64x128xf32, #tpu.memory_space<vmem>> -> memref<1x64x128xf32, #tpu.memory_space<vmem>>
    %dma_start3A_371 = tpu.memref_squeeze %dma_start3A_370 : memref<1x64x128xf32, #tpu.memory_space<vmem>> -> memref<64x128xf32, #tpu.memory_space<vmem>>
    %dma_start3A_372 = tpu.memref_slice %arg2[%add3A, %dma_start3A, %add3A_355, %mul3A_357] : memref<32x3x512x512xf32, #tpu.memory_space<hbm>> -> memref<1x1x64x128xf32, #tpu.memory_space<hbm>>
    %dma_start3A_373 = tpu.memref_squeeze %dma_start3A_372 : memref<1x1x64x128xf32, #tpu.memory_space<hbm>> -> memref<64x128xf32, #tpu.memory_space<hbm>>
    tpu.enqueue_dma source(%dma_start3A_373 : memref<64x128xf32, #tpu.memory_space<hbm>>) target(%dma_start3A_371 : memref<64x128xf32, #tpu.memory_space<vmem>>) target_semaphore(%dma_start3A_367 : memref<!tpu.dma_semaphore, #tpu.memory_space<semaphore_mem>>)
    %get3A_374 = arith.constant 0 : i32
    %get3A_375 = arith.index_cast %get3A_374 : i32 to index
    %get3A_376 = memref.load %arg6[%get3A_375] : memref<16xi32, #tpu.memory_space<smem>>
    %shift_right_arithmetic3A_377 = arith.constant 2 : i32
    %shift_right_arithmetic3A_378 = arith.shrsi %get3A_376, %shift_right_arithmetic3A_377 : i32
    %and3A_379 = arith.constant 3 : i32
    %and3A_380 = arith.andi %get3A_376, %and3A_379 : i32
    %mul3A_381 = arith.constant 128 : i32
    %mul3A_382 = arith.muli %shift_right_arithmetic3A_378, %mul3A_381 : i32
    %add3A_383 = arith.constant 64 : i32
    %add3A_384 = arith.addi %mul3A_382, %add3A_383 : i32
    %mul3A_385 = arith.constant 128 : i32
    %mul3A_386 = arith.muli %and3A_380, %mul3A_385 : i32
    %dma_start3A_387 = arith.constant 0 : i32
    %dma_start3A_388 = arith.constant 1 : i32
    %dma_start3A_389 = arith.constant 1 : i32
    %dma_start3A_390 = arith.constant 0 : i32
    %dma_start3A_391 = arith.constant 0 : i32
    %dma_start3A_392 = tpu.memref_slice %arg7[%dma_start3A_388, %dma_start3A_390, %dma_start3A_391] : memref<12x64x128xf32, #tpu.memory_space<vmem>> -> memref<1x64x128xf32, #tpu.memory_space<vmem>>
    %dma_start3A_393 = tpu.memref_squeeze %dma_start3A_392 : memref<1x64x128xf32, #tpu.memory_space<vmem>> -> memref<64x128xf32, #tpu.memory_space<vmem>>
    %dma_start3A_394 = tpu.memref_slice %arg2[%add3A, %dma_start3A_387, %add3A_384, %mul3A_386] : memref<32x3x512x512xf32, #tpu.memory_space<hbm>> -> memref<1x1x64x128xf32, #tpu.memory_space<hbm>>
    %dma_start3A_395 = tpu.memref_squeeze %dma_start3A_394 : memref<1x1x64x128xf32, #tpu.memory_space<hbm>> -> memref<64x128xf32, #tpu.memory_space<hbm>>
    %dma_start3A_396 = tpu.memref_slice %arg8[%dma_start3A_389] : memref<12x!tpu.dma_semaphore, #tpu.memory_space<semaphore_mem>> -> memref<1x!tpu.dma_semaphore, #tpu.memory_space<semaphore_mem>>
    %dma_start3A_397 = tpu.memref_squeeze %dma_start3A_396 : memref<1x!tpu.dma_semaphore, #tpu.memory_space<semaphore_mem>> -> memref<!tpu.dma_semaphore, #tpu.memory_space<semaphore_mem>>
    %dma_start3A_398 = arith.constant 0 : i32
    %dma_start3A_399 = arith.constant 0 : i32
    %dma_start3A_400 = tpu.memref_slice %arg7[%dma_start3A_388, %dma_start3A_398, %dma_start3A_399] : memref<12x64x128xf32, #tpu.memory_space<vmem>> -> memref<1x64x128xf32, #tpu.memory_space<vmem>>
    %dma_start3A_401 = tpu.memref_squeeze %dma_start3A_400 : memref<1x64x128xf32, #tpu.memory_space<vmem>> -> memref<64x128xf32, #tpu.memory_space<vmem>>
    %dma_start3A_402 = tpu.memref_slice %arg2[%add3A, %dma_start3A_387, %add3A_384, %mul3A_386] : memref<32x3x512x512xf32, #tpu.memory_space<hbm>> -> memref<1x1x64x128xf32, #tpu.memory_space<hbm>>
    %dma_start3A_403 = tpu.memref_squeeze %dma_start3A_402 : memref<1x1x64x128xf32, #tpu.memory_space<hbm>> -> memref<64x128xf32, #tpu.memory_space<hbm>>
    tpu.enqueue_dma source(%dma_start3A_403 : memref<64x128xf32, #tpu.memory_space<hbm>>) target(%dma_start3A_401 : memref<64x128xf32, #tpu.memory_space<vmem>>) target_semaphore(%dma_start3A_397 : memref<!tpu.dma_semaphore, #tpu.memory_space<semaphore_mem>>)
    %get3A_404 = arith.constant 1 : i32
    %get3A_405 = arith.index_cast %get3A_404 : i32 to index
    %get3A_406 = memref.load %arg6[%get3A_405] : memref<16xi32, #tpu.memory_space<smem>>
    %shift_right_arithmetic3A_407 = arith.constant 2 : i32
    %shift_right_arithmetic3A_408 = arith.shrsi %get3A_406, %shift_right_arithmetic3A_407 : i32
    %and3A_409 = arith.constant 3 : i32
    %and3A_410 = arith.andi %get3A_406, %and3A_409 : i32
    %mul3A_411 = arith.constant 128 : i32
    %mul3A_412 = arith.muli %shift_right_arithmetic3A_408, %mul3A_411 : i32
    %add3A_413 = arith.constant 0 : i32
    %add3A_414 = arith.addi %mul3A_412, %add3A_413 : i32
    %mul3A_415 = arith.constant 128 : i32
    %mul3A_416 = arith.muli %and3A_410, %mul3A_415 : i32
    %dma_start3A_417 = arith.constant 0 : i32
    %dma_start3A_418 = arith.constant 2 : i32
    %dma_start3A_419 = arith.constant 2 : i32
    %dma_start3A_420 = arith.constant 0 : i32
    %dma_start3A_421 = arith.constant 0 : i32
    %dma_start3A_422 = tpu.memref_slice %arg7[%dma_start3A_418, %dma_start3A_420, %dma_start3A_421] : memref<12x64x128xf32, #tpu.memory_space<vmem>> -> memref<1x64x128xf32, #tpu.memory_space<vmem>>
    %dma_start3A_423 = tpu.memref_squeeze %dma_start3A_422 : memref<1x64x128xf32, #tpu.memory_space<vmem>> -> memref<64x128xf32, #tpu.memory_space<vmem>>
    %dma_start3A_424 = tpu.memref_slice %arg2[%add3A, %dma_start3A_417, %add3A_414, %mul3A_416] : memref<32x3x512x512xf32, #tpu.memory_space<hbm>> -> memref<1x1x64x128xf32, #tpu.memory_space<hbm>>
    %dma_start3A_425 = tpu.memref_squeeze %dma_start3A_424 : memref<1x1x64x128xf32, #tpu.memory_space<hbm>> -> memref<64x128xf32, #tpu.memory_space<hbm>>
    %dma_start3A_426 = tpu.memref_slice %arg8[%dma_start3A_419] : memref<12x!tpu.dma_semaphore, #tpu.memory_space<semaphore_mem>> -> memref<1x!tpu.dma_semaphore, #tpu.memory_space<semaphore_mem>>
    %dma_start3A_427 = tpu.memref_squeeze %dma_start3A_426 : memref<1x!tpu.dma_semaphore, #tpu.memory_space<semaphore_mem>> -> memref<!tpu.dma_semaphore, #tpu.memory_space<semaphore_mem>>
    %dma_start3A_428 = arith.constant 0 : i32
    %dma_start3A_429 = arith.constant 0 : i32
    %dma_start3A_430 = tpu.memref_slice %arg7[%dma_start3A_418, %dma_start3A_428, %dma_start3A_429] : memref<12x64x128xf32, #tpu.memory_space<vmem>> -> memref<1x64x128xf32, #tpu.memory_space<vmem>>
    %dma_start3A_431 = tpu.memref_squeeze %dma_start3A_430 : memref<1x64x128xf32, #tpu.memory_space<vmem>> -> memref<64x128xf32, #tpu.memory_space<vmem>>
    %dma_start3A_432 = tpu.memref_slice %arg2[%add3A, %dma_start3A_417, %add3A_414, %mul3A_416] : memref<32x3x512x512xf32, #tpu.memory_space<hbm>> -> memref<1x1x64x128xf32, #tpu.memory_space<hbm>>
    %dma_start3A_433 = tpu.memref_squeeze %dma_start3A_432 : memref<1x1x64x128xf32, #tpu.memory_space<hbm>> -> memref<64x128xf32, #tpu.memory_space<hbm>>
    tpu.enqueue_dma source(%dma_start3A_433 : memref<64x128xf32, #tpu.memory_space<hbm>>) target(%dma_start3A_431 : memref<64x128xf32, #tpu.memory_space<vmem>>) target_semaphore(%dma_start3A_427 : memref<!tpu.dma_semaphore, #tpu.memory_space<semaphore_mem>>)
    %get3A_434 = arith.constant 1 : i32
    %get3A_435 = arith.index_cast %get3A_434 : i32 to index
    %get3A_436 = memref.load %arg6[%get3A_435] : memref<16xi32, #tpu.memory_space<smem>>
    %shift_right_arithmetic3A_437 = arith.constant 2 : i32
    %shift_right_arithmetic3A_438 = arith.shrsi %get3A_436, %shift_right_arithmetic3A_437 : i32
    %and3A_439 = arith.constant 3 : i32
    %and3A_440 = arith.andi %get3A_436, %and3A_439 : i32
    %mul3A_441 = arith.constant 128 : i32
    %mul3A_442 = arith.muli %shift_right_arithmetic3A_438, %mul3A_441 : i32
    %add3A_443 = arith.constant 64 : i32
    %add3A_444 = arith.addi %mul3A_442, %add3A_443 : i32
    %mul3A_445 = arith.constant 128 : i32
    %mul3A_446 = arith.muli %and3A_440, %mul3A_445 : i32
    %dma_start3A_447 = arith.constant 0 : i32
    %dma_start3A_448 = arith.constant 3 : i32
    %dma_start3A_449 = arith.constant 3 : i32
    %dma_start3A_450 = arith.constant 0 : i32
    %dma_start3A_451 = arith.constant 0 : i32
    %dma_start3A_452 = tpu.memref_slice %arg7[%dma_start3A_448, %dma_start3A_450, %dma_start3A_451] : memref<12x64x128xf32, #tpu.memory_space<vmem>> -> memref<1x64x128xf32, #tpu.memory_space<vmem>>
    %dma_start3A_453 = tpu.memref_squeeze %dma_start3A_452 : memref<1x64x128xf32, #tpu.memory_space<vmem>> -> memref<64x128xf32, #tpu.memory_space<vmem>>
    %dma_start3A_454 = tpu.memref_slice %arg2[%add3A, %dma_start3A_447, %add3A_444, %mul3A_446] : memref<32x3x512x512xf32, #tpu.memory_space<hbm>> -> memref<1x1x64x128xf32, #tpu.memory_space<hbm>>
    %dma_start3A_455 = tpu.memref_squeeze %dma_start3A_454 : memref<1x1x64x128xf32, #tpu.memory_space<hbm>> -> memref<64x128xf32, #tpu.memory_space<hbm>>
    %dma_start3A_456 = tpu.memref_slice %arg8[%dma_start3A_449] : memref<12x!tpu.dma_semaphore, #tpu.memory_space<semaphore_mem>> -> memref<1x!tpu.dma_semaphore, #tpu.memory_space<semaphore_mem>>
    %dma_start3A_457 = tpu.memref_squeeze %dma_start3A_456 : memref<1x!tpu.dma_semaphore, #tpu.memory_space<semaphore_mem>> -> memref<!tpu.dma_semaphore, #tpu.memory_space<semaphore_mem>>
    %dma_start3A_458 = arith.constant 0 : i32
    %dma_start3A_459 = arith.constant 0 : i32
    %dma_start3A_460 = tpu.memref_slice %arg7[%dma_start3A_448, %dma_start3A_458, %dma_start3A_459] : memref<12x64x128xf32, #tpu.memory_space<vmem>> -> memref<1x64x128xf32, #tpu.memory_space<vmem>>
    %dma_start3A_461 = tpu.memref_squeeze %dma_start3A_460 : memref<1x64x128xf32, #tpu.memory_space<vmem>> -> memref<64x128xf32, #tpu.memory_space<vmem>>
    %dma_start3A_462 = tpu.memref_slice %arg2[%add3A, %dma_start3A_447, %add3A_444, %mul3A_446] : memref<32x3x512x512xf32, #tpu.memory_space<hbm>> -> memref<1x1x64x128xf32, #tpu.memory_space<hbm>>
    %dma_start3A_463 = tpu.memref_squeeze %dma_start3A_462 : memref<1x1x64x128xf32, #tpu.memory_space<hbm>> -> memref<64x128xf32, #tpu.memory_space<hbm>>
    tpu.enqueue_dma source(%dma_start3A_463 : memref<64x128xf32, #tpu.memory_space<hbm>>) target(%dma_start3A_461 : memref<64x128xf32, #tpu.memory_space<vmem>>) target_semaphore(%dma_start3A_457 : memref<!tpu.dma_semaphore, #tpu.memory_space<semaphore_mem>>)
    %get3A_464 = arith.constant 2 : i32
    %get3A_465 = arith.index_cast %get3A_464 : i32 to index
    %get3A_466 = memref.load %arg6[%get3A_465] : memref<16xi32, #tpu.memory_space<smem>>
    %shift_right_arithmetic3A_467 = arith.constant 2 : i32
    %shift_right_arithmetic3A_468 = arith.shrsi %get3A_466, %shift_right_arithmetic3A_467 : i32
    %and3A_469 = arith.constant 3 : i32
    %and3A_470 = arith.andi %get3A_466, %and3A_469 : i32
    %mul3A_471 = arith.constant 128 : i32
    %mul3A_472 = arith.muli %shift_right_arithmetic3A_468, %mul3A_471 : i32
    %add3A_473 = arith.constant 0 : i32
    %add3A_474 = arith.addi %mul3A_472, %add3A_473 : i32
    %mul3A_475 = arith.constant 128 : i32
    %mul3A_476 = arith.muli %and3A_470, %mul3A_475 : i32
    %dma_start3A_477 = arith.constant 0 : i32
    %dma_start3A_478 = arith.constant 4 : i32
    %dma_start3A_479 = arith.constant 4 : i32
    %dma_start3A_480 = arith.constant 0 : i32
    %dma_start3A_481 = arith.constant 0 : i32
    %dma_start3A_482 = tpu.memref_slice %arg7[%dma_start3A_478, %dma_start3A_480, %dma_start3A_481] : memref<12x64x128xf32, #tpu.memory_space<vmem>> -> memref<1x64x128xf32, #tpu.memory_space<vmem>>
    %dma_start3A_483 = tpu.memref_squeeze %dma_start3A_482 : memref<1x64x128xf32, #tpu.memory_space<vmem>> -> memref<64x128xf32, #tpu.memory_space<vmem>>
    %dma_start3A_484 = tpu.memref_slice %arg2[%add3A, %dma_start3A_477, %add3A_474, %mul3A_476] : memref<32x3x512x512xf32, #tpu.memory_space<hbm>> -> memref<1x1x64x128xf32, #tpu.memory_space<hbm>>
    %dma_start3A_485 = tpu.memref_squeeze %dma_start3A_484 : memref<1x1x64x128xf32, #tpu.memory_space<hbm>> -> memref<64x128xf32, #tpu.memory_space<hbm>>
    %dma_start3A_486 = tpu.memref_slice %arg8[%dma_start3A_479] : memref<12x!tpu.dma_semaphore, #tpu.memory_space<semaphore_mem>> -> memref<1x!tpu.dma_semaphore, #tpu.memory_space<semaphore_mem>>
    %dma_start3A_487 = tpu.memref_squeeze %dma_start3A_486 : memref<1x!tpu.dma_semaphore, #tpu.memory_space<semaphore_mem>> -> memref<!tpu.dma_semaphore, #tpu.memory_space<semaphore_mem>>
    %dma_start3A_488 = arith.constant 0 : i32
    %dma_start3A_489 = arith.constant 0 : i32
    %dma_start3A_490 = tpu.memref_slice %arg7[%dma_start3A_478, %dma_start3A_488, %dma_start3A_489] : memref<12x64x128xf32, #tpu.memory_space<vmem>> -> memref<1x64x128xf32, #tpu.memory_space<vmem>>
    %dma_start3A_491 = tpu.memref_squeeze %dma_start3A_490 : memref<1x64x128xf32, #tpu.memory_space<vmem>> -> memref<64x128xf32, #tpu.memory_space<vmem>>
    %dma_start3A_492 = tpu.memref_slice %arg2[%add3A, %dma_start3A_477, %add3A_474, %mul3A_476] : memref<32x3x512x512xf32, #tpu.memory_space<hbm>> -> memref<1x1x64x128xf32, #tpu.memory_space<hbm>>
    %dma_start3A_493 = tpu.memref_squeeze %dma_start3A_492 : memref<1x1x64x128xf32, #tpu.memory_space<hbm>> -> memref<64x128xf32, #tpu.memory_space<hbm>>
    tpu.enqueue_dma source(%dma_start3A_493 : memref<64x128xf32, #tpu.memory_space<hbm>>) target(%dma_start3A_491 : memref<64x128xf32, #tpu.memory_space<vmem>>) target_semaphore(%dma_start3A_487 : memref<!tpu.dma_semaphore, #tpu.memory_space<semaphore_mem>>)
    %get3A_494 = arith.constant 2 : i32
    %get3A_495 = arith.index_cast %get3A_494 : i32 to index
    %get3A_496 = memref.load %arg6[%get3A_495] : memref<16xi32, #tpu.memory_space<smem>>
    %shift_right_arithmetic3A_497 = arith.constant 2 : i32
    %shift_right_arithmetic3A_498 = arith.shrsi %get3A_496, %shift_right_arithmetic3A_497 : i32
    %and3A_499 = arith.constant 3 : i32
    %and3A_500 = arith.andi %get3A_496, %and3A_499 : i32
    %mul3A_501 = arith.constant 128 : i32
    %mul3A_502 = arith.muli %shift_right_arithmetic3A_498, %mul3A_501 : i32
    %add3A_503 = arith.constant 64 : i32
    %add3A_504 = arith.addi %mul3A_502, %add3A_503 : i32
    %mul3A_505 = arith.constant 128 : i32
    %mul3A_506 = arith.muli %and3A_500, %mul3A_505 : i32
    %dma_start3A_507 = arith.constant 0 : i32
    %dma_start3A_508 = arith.constant 5 : i32
    %dma_start3A_509 = arith.constant 5 : i32
    %dma_start3A_510 = arith.constant 0 : i32
    %dma_start3A_511 = arith.constant 0 : i32
    %dma_start3A_512 = tpu.memref_slice %arg7[%dma_start3A_508, %dma_start3A_510, %dma_start3A_511] : memref<12x64x128xf32, #tpu.memory_space<vmem>> -> memref<1x64x128xf32, #tpu.memory_space<vmem>>
    %dma_start3A_513 = tpu.memref_squeeze %dma_start3A_512 : memref<1x64x128xf32, #tpu.memory_space<vmem>> -> memref<64x128xf32, #tpu.memory_space<vmem>>
    %dma_start3A_514 = tpu.memref_slice %arg2[%add3A, %dma_start3A_507, %add3A_504, %mul3A_506] : memref<32x3x512x512xf32, #tpu.memory_space<hbm>> -> memref<1x1x64x128xf32, #tpu.memory_space<hbm>>
    %dma_start3A_515 = tpu.memref_squeeze %dma_start3A_514 : memref<1x1x64x128xf32, #tpu.memory_space<hbm>> -> memref<64x128xf32, #tpu.memory_space<hbm>>
    %dma_start3A_516 = tpu.memref_slice %arg8[%dma_start3A_509] : memref<12x!tpu.dma_semaphore, #tpu.memory_space<semaphore_mem>> -> memref<1x!tpu.dma_semaphore, #tpu.memory_space<semaphore_mem>>
    %dma_start3A_517 = tpu.memref_squeeze %dma_start3A_516 : memref<1x!tpu.dma_semaphore, #tpu.memory_space<semaphore_mem>> -> memref<!tpu.dma_semaphore, #tpu.memory_space<semaphore_mem>>
    %dma_start3A_518 = arith.constant 0 : i32
    %dma_start3A_519 = arith.constant 0 : i32
    %dma_start3A_520 = tpu.memref_slice %arg7[%dma_start3A_508, %dma_start3A_518, %dma_start3A_519] : memref<12x64x128xf32, #tpu.memory_space<vmem>> -> memref<1x64x128xf32, #tpu.memory_space<vmem>>
    %dma_start3A_521 = tpu.memref_squeeze %dma_start3A_520 : memref<1x64x128xf32, #tpu.memory_space<vmem>> -> memref<64x128xf32, #tpu.memory_space<vmem>>
    %dma_start3A_522 = tpu.memref_slice %arg2[%add3A, %dma_start3A_507, %add3A_504, %mul3A_506] : memref<32x3x512x512xf32, #tpu.memory_space<hbm>> -> memref<1x1x64x128xf32, #tpu.memory_space<hbm>>
    %dma_start3A_523 = tpu.memref_squeeze %dma_start3A_522 : memref<1x1x64x128xf32, #tpu.memory_space<hbm>> -> memref<64x128xf32, #tpu.memory_space<hbm>>
    tpu.enqueue_dma source(%dma_start3A_523 : memref<64x128xf32, #tpu.memory_space<hbm>>) target(%dma_start3A_521 : memref<64x128xf32, #tpu.memory_space<vmem>>) target_semaphore(%dma_start3A_517 : memref<!tpu.dma_semaphore, #tpu.memory_space<semaphore_mem>>)
    %get3A_524 = arith.constant 3 : i32
    %get3A_525 = arith.index_cast %get3A_524 : i32 to index
    %get3A_526 = memref.load %arg6[%get3A_525] : memref<16xi32, #tpu.memory_space<smem>>
    %shift_right_arithmetic3A_527 = arith.constant 2 : i32
    %shift_right_arithmetic3A_528 = arith.shrsi %get3A_526, %shift_right_arithmetic3A_527 : i32
    %and3A_529 = arith.constant 3 : i32
    %and3A_530 = arith.andi %get3A_526, %and3A_529 : i32
    %mul3A_531 = arith.constant 128 : i32
    %mul3A_532 = arith.muli %shift_right_arithmetic3A_528, %mul3A_531 : i32
    %add3A_533 = arith.constant 0 : i32
    %add3A_534 = arith.addi %mul3A_532, %add3A_533 : i32
    %mul3A_535 = arith.constant 128 : i32
    %mul3A_536 = arith.muli %and3A_530, %mul3A_535 : i32
    %dma_start3A_537 = arith.constant 0 : i32
    %dma_start3A_538 = arith.constant 6 : i32
    %dma_start3A_539 = arith.constant 6 : i32
    %dma_start3A_540 = arith.constant 0 : i32
    %dma_start3A_541 = arith.constant 0 : i32
    %dma_start3A_542 = tpu.memref_slice %arg7[%dma_start3A_538, %dma_start3A_540, %dma_start3A_541] : memref<12x64x128xf32, #tpu.memory_space<vmem>> -> memref<1x64x128xf32, #tpu.memory_space<vmem>>
    %dma_start3A_543 = tpu.memref_squeeze %dma_start3A_542 : memref<1x64x128xf32, #tpu.memory_space<vmem>> -> memref<64x128xf32, #tpu.memory_space<vmem>>
    %dma_start3A_544 = tpu.memref_slice %arg2[%add3A, %dma_start3A_537, %add3A_534, %mul3A_536] : memref<32x3x512x512xf32, #tpu.memory_space<hbm>> -> memref<1x1x64x128xf32, #tpu.memory_space<hbm>>
    %dma_start3A_545 = tpu.memref_squeeze %dma_start3A_544 : memref<1x1x64x128xf32, #tpu.memory_space<hbm>> -> memref<64x128xf32, #tpu.memory_space<hbm>>
    %dma_start3A_546 = tpu.memref_slice %arg8[%dma_start3A_539] : memref<12x!tpu.dma_semaphore, #tpu.memory_space<semaphore_mem>> -> memref<1x!tpu.dma_semaphore, #tpu.memory_space<semaphore_mem>>
    %dma_start3A_547 = tpu.memref_squeeze %dma_start3A_546 : memref<1x!tpu.dma_semaphore, #tpu.memory_space<semaphore_mem>> -> memref<!tpu.dma_semaphore, #tpu.memory_space<semaphore_mem>>
    %dma_start3A_548 = arith.constant 0 : i32
    %dma_start3A_549 = arith.constant 0 : i32
    %dma_start3A_550 = tpu.memref_slice %arg7[%dma_start3A_538, %dma_start3A_548, %dma_start3A_549] : memref<12x64x128xf32, #tpu.memory_space<vmem>> -> memref<1x64x128xf32, #tpu.memory_space<vmem>>
    %dma_start3A_551 = tpu.memref_squeeze %dma_start3A_550 : memref<1x64x128xf32, #tpu.memory_space<vmem>> -> memref<64x128xf32, #tpu.memory_space<vmem>>
    %dma_start3A_552 = tpu.memref_slice %arg2[%add3A, %dma_start3A_537, %add3A_534, %mul3A_536] : memref<32x3x512x512xf32, #tpu.memory_space<hbm>> -> memref<1x1x64x128xf32, #tpu.memory_space<hbm>>
    %dma_start3A_553 = tpu.memref_squeeze %dma_start3A_552 : memref<1x1x64x128xf32, #tpu.memory_space<hbm>> -> memref<64x128xf32, #tpu.memory_space<hbm>>
    tpu.enqueue_dma source(%dma_start3A_553 : memref<64x128xf32, #tpu.memory_space<hbm>>) target(%dma_start3A_551 : memref<64x128xf32, #tpu.memory_space<vmem>>) target_semaphore(%dma_start3A_547 : memref<!tpu.dma_semaphore, #tpu.memory_space<semaphore_mem>>)
    %get3A_554 = arith.constant 3 : i32
    %get3A_555 = arith.index_cast %get3A_554 : i32 to index
    %get3A_556 = memref.load %arg6[%get3A_555] : memref<16xi32, #tpu.memory_space<smem>>
    %shift_right_arithmetic3A_557 = arith.constant 2 : i32
    %shift_right_arithmetic3A_558 = arith.shrsi %get3A_556, %shift_right_arithmetic3A_557 : i32
    %and3A_559 = arith.constant 3 : i32
    %and3A_560 = arith.andi %get3A_556, %and3A_559 : i32
    %mul3A_561 = arith.constant 128 : i32
    %mul3A_562 = arith.muli %shift_right_arithmetic3A_558, %mul3A_561 : i32
    %add3A_563 = arith.constant 64 : i32
    %add3A_564 = arith.addi %mul3A_562, %add3A_563 : i32
    %mul3A_565 = arith.constant 128 : i32
    %mul3A_566 = arith.muli %and3A_560, %mul3A_565 : i32
    %dma_start3A_567 = arith.constant 0 : i32
    %dma_start3A_568 = arith.constant 7 : i32
    %dma_start3A_569 = arith.constant 7 : i32
    %dma_start3A_570 = arith.constant 0 : i32
    %dma_start3A_571 = arith.constant 0 : i32
    %dma_start3A_572 = tpu.memref_slice %arg7[%dma_start3A_568, %dma_start3A_570, %dma_start3A_571] : memref<12x64x128xf32, #tpu.memory_space<vmem>> -> memref<1x64x128xf32, #tpu.memory_space<vmem>>
    %dma_start3A_573 = tpu.memref_squeeze %dma_start3A_572 : memref<1x64x128xf32, #tpu.memory_space<vmem>> -> memref<64x128xf32, #tpu.memory_space<vmem>>
    %dma_start3A_574 = tpu.memref_slice %arg2[%add3A, %dma_start3A_567, %add3A_564, %mul3A_566] : memref<32x3x512x512xf32, #tpu.memory_space<hbm>> -> memref<1x1x64x128xf32, #tpu.memory_space<hbm>>
    %dma_start3A_575 = tpu.memref_squeeze %dma_start3A_574 : memref<1x1x64x128xf32, #tpu.memory_space<hbm>> -> memref<64x128xf32, #tpu.memory_space<hbm>>
    %dma_start3A_576 = tpu.memref_slice %arg8[%dma_start3A_569] : memref<12x!tpu.dma_semaphore, #tpu.memory_space<semaphore_mem>> -> memref<1x!tpu.dma_semaphore, #tpu.memory_space<semaphore_mem>>
    %dma_start3A_577 = tpu.memref_squeeze %dma_start3A_576 : memref<1x!tpu.dma_semaphore, #tpu.memory_space<semaphore_mem>> -> memref<!tpu.dma_semaphore, #tpu.memory_space<semaphore_mem>>
    %dma_start3A_578 = arith.constant 0 : i32
    %dma_start3A_579 = arith.constant 0 : i32
    %dma_start3A_580 = tpu.memref_slice %arg7[%dma_start3A_568, %dma_start3A_578, %dma_start3A_579] : memref<12x64x128xf32, #tpu.memory_space<vmem>> -> memref<1x64x128xf32, #tpu.memory_space<vmem>>
    %dma_start3A_581 = tpu.memref_squeeze %dma_start3A_580 : memref<1x64x128xf32, #tpu.memory_space<vmem>> -> memref<64x128xf32, #tpu.memory_space<vmem>>
    %dma_start3A_582 = tpu.memref_slice %arg2[%add3A, %dma_start3A_567, %add3A_564, %mul3A_566] : memref<32x3x512x512xf32, #tpu.memory_space<hbm>> -> memref<1x1x64x128xf32, #tpu.memory_space<hbm>>
    %dma_start3A_583 = tpu.memref_squeeze %dma_start3A_582 : memref<1x1x64x128xf32, #tpu.memory_space<hbm>> -> memref<64x128xf32, #tpu.memory_space<hbm>>
    tpu.enqueue_dma source(%dma_start3A_583 : memref<64x128xf32, #tpu.memory_space<hbm>>) target(%dma_start3A_581 : memref<64x128xf32, #tpu.memory_space<vmem>>) target_semaphore(%dma_start3A_577 : memref<!tpu.dma_semaphore, #tpu.memory_space<semaphore_mem>>)
    %get3A_584 = arith.constant 4 : i32
    %get3A_585 = arith.index_cast %get3A_584 : i32 to index
    %get3A_586 = memref.load %arg6[%get3A_585] : memref<16xi32, #tpu.memory_space<smem>>
    %shift_right_arithmetic3A_587 = arith.constant 2 : i32
    %shift_right_arithmetic3A_588 = arith.shrsi %get3A_586, %shift_right_arithmetic3A_587 : i32
    %and3A_589 = arith.constant 3 : i32
    %and3A_590 = arith.andi %get3A_586, %and3A_589 : i32
    %mul3A_591 = arith.constant 128 : i32
    %mul3A_592 = arith.muli %shift_right_arithmetic3A_588, %mul3A_591 : i32
    %add3A_593 = arith.constant 0 : i32
    %add3A_594 = arith.addi %mul3A_592, %add3A_593 : i32
    %mul3A_595 = arith.constant 128 : i32
    %mul3A_596 = arith.muli %and3A_590, %mul3A_595 : i32
    %dma_start3A_597 = arith.constant 0 : i32
    %dma_start3A_598 = arith.constant 8 : i32
    %dma_start3A_599 = arith.constant 8 : i32
    %dma_start3A_600 = arith.constant 0 : i32
    %dma_start3A_601 = arith.constant 0 : i32
    %dma_start3A_602 = tpu.memref_slice %arg7[%dma_start3A_598, %dma_start3A_600, %dma_start3A_601] : memref<12x64x128xf32, #tpu.memory_space<vmem>> -> memref<1x64x128xf32, #tpu.memory_space<vmem>>
    %dma_start3A_603 = tpu.memref_squeeze %dma_start3A_602 : memref<1x64x128xf32, #tpu.memory_space<vmem>> -> memref<64x128xf32, #tpu.memory_space<vmem>>
    %dma_start3A_604 = tpu.memref_slice %arg2[%add3A, %dma_start3A_597, %add3A_594, %mul3A_596] : memref<32x3x512x512xf32, #tpu.memory_space<hbm>> -> memref<1x1x64x128xf32, #tpu.memory_space<hbm>>
    %dma_start3A_605 = tpu.memref_squeeze %dma_start3A_604 : memref<1x1x64x128xf32, #tpu.memory_space<hbm>> -> memref<64x128xf32, #tpu.memory_space<hbm>>
    %dma_start3A_606 = tpu.memref_slice %arg8[%dma_start3A_599] : memref<12x!tpu.dma_semaphore, #tpu.memory_space<semaphore_mem>> -> memref<1x!tpu.dma_semaphore, #tpu.memory_space<semaphore_mem>>
    %dma_start3A_607 = tpu.memref_squeeze %dma_start3A_606 : memref<1x!tpu.dma_semaphore, #tpu.memory_space<semaphore_mem>> -> memref<!tpu.dma_semaphore, #tpu.memory_space<semaphore_mem>>
    %dma_start3A_608 = arith.constant 0 : i32
    %dma_start3A_609 = arith.constant 0 : i32
    %dma_start3A_610 = tpu.memref_slice %arg7[%dma_start3A_598, %dma_start3A_608, %dma_start3A_609] : memref<12x64x128xf32, #tpu.memory_space<vmem>> -> memref<1x64x128xf32, #tpu.memory_space<vmem>>
    %dma_start3A_611 = tpu.memref_squeeze %dma_start3A_610 : memref<1x64x128xf32, #tpu.memory_space<vmem>> -> memref<64x128xf32, #tpu.memory_space<vmem>>
    %dma_start3A_612 = tpu.memref_slice %arg2[%add3A, %dma_start3A_597, %add3A_594, %mul3A_596] : memref<32x3x512x512xf32, #tpu.memory_space<hbm>> -> memref<1x1x64x128xf32, #tpu.memory_space<hbm>>
    %dma_start3A_613 = tpu.memref_squeeze %dma_start3A_612 : memref<1x1x64x128xf32, #tpu.memory_space<hbm>> -> memref<64x128xf32, #tpu.memory_space<hbm>>
    tpu.enqueue_dma source(%dma_start3A_613 : memref<64x128xf32, #tpu.memory_space<hbm>>) target(%dma_start3A_611 : memref<64x128xf32, #tpu.memory_space<vmem>>) target_semaphore(%dma_start3A_607 : memref<!tpu.dma_semaphore, #tpu.memory_space<semaphore_mem>>)
    %get3A_614 = arith.constant 4 : i32
    %get3A_615 = arith.index_cast %get3A_614 : i32 to index
    %get3A_616 = memref.load %arg6[%get3A_615] : memref<16xi32, #tpu.memory_space<smem>>
    %shift_right_arithmetic3A_617 = arith.constant 2 : i32
    %shift_right_arithmetic3A_618 = arith.shrsi %get3A_616, %shift_right_arithmetic3A_617 : i32
    %and3A_619 = arith.constant 3 : i32
    %and3A_620 = arith.andi %get3A_616, %and3A_619 : i32
    %mul3A_621 = arith.constant 128 : i32
    %mul3A_622 = arith.muli %shift_right_arithmetic3A_618, %mul3A_621 : i32
    %add3A_623 = arith.constant 64 : i32
    %add3A_624 = arith.addi %mul3A_622, %add3A_623 : i32
    %mul3A_625 = arith.constant 128 : i32
    %mul3A_626 = arith.muli %and3A_620, %mul3A_625 : i32
    %dma_start3A_627 = arith.constant 0 : i32
    %dma_start3A_628 = arith.constant 9 : i32
    %dma_start3A_629 = arith.constant 9 : i32
    %dma_start3A_630 = arith.constant 0 : i32
    %dma_start3A_631 = arith.constant 0 : i32
    %dma_start3A_632 = tpu.memref_slice %arg7[%dma_start3A_628, %dma_start3A_630, %dma_start3A_631] : memref<12x64x128xf32, #tpu.memory_space<vmem>> -> memref<1x64x128xf32, #tpu.memory_space<vmem>>
    %dma_start3A_633 = tpu.memref_squeeze %dma_start3A_632 : memref<1x64x128xf32, #tpu.memory_space<vmem>> -> memref<64x128xf32, #tpu.memory_space<vmem>>
    %dma_start3A_634 = tpu.memref_slice %arg2[%add3A, %dma_start3A_627, %add3A_624, %mul3A_626] : memref<32x3x512x512xf32, #tpu.memory_space<hbm>> -> memref<1x1x64x128xf32, #tpu.memory_space<hbm>>
    %dma_start3A_635 = tpu.memref_squeeze %dma_start3A_634 : memref<1x1x64x128xf32, #tpu.memory_space<hbm>> -> memref<64x128xf32, #tpu.memory_space<hbm>>
    %dma_start3A_636 = tpu.memref_slice %arg8[%dma_start3A_629] : memref<12x!tpu.dma_semaphore, #tpu.memory_space<semaphore_mem>> -> memref<1x!tpu.dma_semaphore, #tpu.memory_space<semaphore_mem>>
    %dma_start3A_637 = tpu.memref_squeeze %dma_start3A_636 : memref<1x!tpu.dma_semaphore, #tpu.memory_space<semaphore_mem>> -> memref<!tpu.dma_semaphore, #tpu.memory_space<semaphore_mem>>
    %dma_start3A_638 = arith.constant 0 : i32
    %dma_start3A_639 = arith.constant 0 : i32
    %dma_start3A_640 = tpu.memref_slice %arg7[%dma_start3A_628, %dma_start3A_638, %dma_start3A_639] : memref<12x64x128xf32, #tpu.memory_space<vmem>> -> memref<1x64x128xf32, #tpu.memory_space<vmem>>
    %dma_start3A_641 = tpu.memref_squeeze %dma_start3A_640 : memref<1x64x128xf32, #tpu.memory_space<vmem>> -> memref<64x128xf32, #tpu.memory_space<vmem>>
    %dma_start3A_642 = tpu.memref_slice %arg2[%add3A, %dma_start3A_627, %add3A_624, %mul3A_626] : memref<32x3x512x512xf32, #tpu.memory_space<hbm>> -> memref<1x1x64x128xf32, #tpu.memory_space<hbm>>
    %dma_start3A_643 = tpu.memref_squeeze %dma_start3A_642 : memref<1x1x64x128xf32, #tpu.memory_space<hbm>> -> memref<64x128xf32, #tpu.memory_space<hbm>>
    tpu.enqueue_dma source(%dma_start3A_643 : memref<64x128xf32, #tpu.memory_space<hbm>>) target(%dma_start3A_641 : memref<64x128xf32, #tpu.memory_space<vmem>>) target_semaphore(%dma_start3A_637 : memref<!tpu.dma_semaphore, #tpu.memory_space<semaphore_mem>>)
    %get3A_644 = arith.constant 5 : i32
    %get3A_645 = arith.index_cast %get3A_644 : i32 to index
    %get3A_646 = memref.load %arg6[%get3A_645] : memref<16xi32, #tpu.memory_space<smem>>
    %shift_right_arithmetic3A_647 = arith.constant 2 : i32
    %shift_right_arithmetic3A_648 = arith.shrsi %get3A_646, %shift_right_arithmetic3A_647 : i32
    %and3A_649 = arith.constant 3 : i32
    %and3A_650 = arith.andi %get3A_646, %and3A_649 : i32
    %mul3A_651 = arith.constant 128 : i32
    %mul3A_652 = arith.muli %shift_right_arithmetic3A_648, %mul3A_651 : i32
    %add3A_653 = arith.constant 0 : i32
    %add3A_654 = arith.addi %mul3A_652, %add3A_653 : i32
    %mul3A_655 = arith.constant 128 : i32
    %mul3A_656 = arith.muli %and3A_650, %mul3A_655 : i32
    %dma_start3A_657 = arith.constant 0 : i32
    %dma_start3A_658 = arith.constant 10 : i32
    %dma_start3A_659 = arith.constant 10 : i32
    %dma_start3A_660 = arith.constant 0 : i32
    %dma_start3A_661 = arith.constant 0 : i32
    %dma_start3A_662 = tpu.memref_slice %arg7[%dma_start3A_658, %dma_start3A_660, %dma_start3A_661] : memref<12x64x128xf32, #tpu.memory_space<vmem>> -> memref<1x64x128xf32, #tpu.memory_space<vmem>>
    %dma_start3A_663 = tpu.memref_squeeze %dma_start3A_662 : memref<1x64x128xf32, #tpu.memory_space<vmem>> -> memref<64x128xf32, #tpu.memory_space<vmem>>
    %dma_start3A_664 = tpu.memref_slice %arg2[%add3A, %dma_start3A_657, %add3A_654, %mul3A_656] : memref<32x3x512x512xf32, #tpu.memory_space<hbm>> -> memref<1x1x64x128xf32, #tpu.memory_space<hbm>>
    %dma_start3A_665 = tpu.memref_squeeze %dma_start3A_664 : memref<1x1x64x128xf32, #tpu.memory_space<hbm>> -> memref<64x128xf32, #tpu.memory_space<hbm>>
    %dma_start3A_666 = tpu.memref_slice %arg8[%dma_start3A_659] : memref<12x!tpu.dma_semaphore, #tpu.memory_space<semaphore_mem>> -> memref<1x!tpu.dma_semaphore, #tpu.memory_space<semaphore_mem>>
    %dma_start3A_667 = tpu.memref_squeeze %dma_start3A_666 : memref<1x!tpu.dma_semaphore, #tpu.memory_space<semaphore_mem>> -> memref<!tpu.dma_semaphore, #tpu.memory_space<semaphore_mem>>
    %dma_start3A_668 = arith.constant 0 : i32
    %dma_start3A_669 = arith.constant 0 : i32
    %dma_start3A_670 = tpu.memref_slice %arg7[%dma_start3A_658, %dma_start3A_668, %dma_start3A_669] : memref<12x64x128xf32, #tpu.memory_space<vmem>> -> memref<1x64x128xf32, #tpu.memory_space<vmem>>
    %dma_start3A_671 = tpu.memref_squeeze %dma_start3A_670 : memref<1x64x128xf32, #tpu.memory_space<vmem>> -> memref<64x128xf32, #tpu.memory_space<vmem>>
    %dma_start3A_672 = tpu.memref_slice %arg2[%add3A, %dma_start3A_657, %add3A_654, %mul3A_656] : memref<32x3x512x512xf32, #tpu.memory_space<hbm>> -> memref<1x1x64x128xf32, #tpu.memory_space<hbm>>
    %dma_start3A_673 = tpu.memref_squeeze %dma_start3A_672 : memref<1x1x64x128xf32, #tpu.memory_space<hbm>> -> memref<64x128xf32, #tpu.memory_space<hbm>>
    tpu.enqueue_dma source(%dma_start3A_673 : memref<64x128xf32, #tpu.memory_space<hbm>>) target(%dma_start3A_671 : memref<64x128xf32, #tpu.memory_space<vmem>>) target_semaphore(%dma_start3A_667 : memref<!tpu.dma_semaphore, #tpu.memory_space<semaphore_mem>>)
    %get3A_674 = arith.constant 5 : i32
    %get3A_675 = arith.index_cast %get3A_674 : i32 to index
    %get3A_676 = memref.load %arg6[%get3A_675] : memref<16xi32, #tpu.memory_space<smem>>
    %shift_right_arithmetic3A_677 = arith.constant 2 : i32
    %shift_right_arithmetic3A_678 = arith.shrsi %get3A_676, %shift_right_arithmetic3A_677 : i32
    %and3A_679 = arith.constant 3 : i32
    %and3A_680 = arith.andi %get3A_676, %and3A_679 : i32
    %mul3A_681 = arith.constant 128 : i32
    %mul3A_682 = arith.muli %shift_right_arithmetic3A_678, %mul3A_681 : i32
    %add3A_683 = arith.constant 64 : i32
    %add3A_684 = arith.addi %mul3A_682, %add3A_683 : i32
    %mul3A_685 = arith.constant 128 : i32
    %mul3A_686 = arith.muli %and3A_680, %mul3A_685 : i32
    %dma_start3A_687 = arith.constant 0 : i32
    %dma_start3A_688 = arith.constant 11 : i32
    %dma_start3A_689 = arith.constant 11 : i32
    %dma_start3A_690 = arith.constant 0 : i32
    %dma_start3A_691 = arith.constant 0 : i32
    %dma_start3A_692 = tpu.memref_slice %arg7[%dma_start3A_688, %dma_start3A_690, %dma_start3A_691] : memref<12x64x128xf32, #tpu.memory_space<vmem>> -> memref<1x64x128xf32, #tpu.memory_space<vmem>>
    %dma_start3A_693 = tpu.memref_squeeze %dma_start3A_692 : memref<1x64x128xf32, #tpu.memory_space<vmem>> -> memref<64x128xf32, #tpu.memory_space<vmem>>
    %dma_start3A_694 = tpu.memref_slice %arg2[%add3A, %dma_start3A_687, %add3A_684, %mul3A_686] : memref<32x3x512x512xf32, #tpu.memory_space<hbm>> -> memref<1x1x64x128xf32, #tpu.memory_space<hbm>>
    %dma_start3A_695 = tpu.memref_squeeze %dma_start3A_694 : memref<1x1x64x128xf32, #tpu.memory_space<hbm>> -> memref<64x128xf32, #tpu.memory_space<hbm>>
    %dma_start3A_696 = tpu.memref_slice %arg8[%dma_start3A_689] : memref<12x!tpu.dma_semaphore, #tpu.memory_space<semaphore_mem>> -> memref<1x!tpu.dma_semaphore, #tpu.memory_space<semaphore_mem>>
    %dma_start3A_697 = tpu.memref_squeeze %dma_start3A_696 : memref<1x!tpu.dma_semaphore, #tpu.memory_space<semaphore_mem>> -> memref<!tpu.dma_semaphore, #tpu.memory_space<semaphore_mem>>
    %dma_start3A_698 = arith.constant 0 : i32
    %dma_start3A_699 = arith.constant 0 : i32
    %dma_start3A_700 = tpu.memref_slice %arg7[%dma_start3A_688, %dma_start3A_698, %dma_start3A_699] : memref<12x64x128xf32, #tpu.memory_space<vmem>> -> memref<1x64x128xf32, #tpu.memory_space<vmem>>
    %dma_start3A_701 = tpu.memref_squeeze %dma_start3A_700 : memref<1x64x128xf32, #tpu.memory_space<vmem>> -> memref<64x128xf32, #tpu.memory_space<vmem>>
    %dma_start3A_702 = tpu.memref_slice %arg2[%add3A, %dma_start3A_687, %add3A_684, %mul3A_686] : memref<32x3x512x512xf32, #tpu.memory_space<hbm>> -> memref<1x1x64x128xf32, #tpu.memory_space<hbm>>
    %dma_start3A_703 = tpu.memref_squeeze %dma_start3A_702 : memref<1x1x64x128xf32, #tpu.memory_space<hbm>> -> memref<64x128xf32, #tpu.memory_space<hbm>>
    tpu.enqueue_dma source(%dma_start3A_703 : memref<64x128xf32, #tpu.memory_space<hbm>>) target(%dma_start3A_701 : memref<64x128xf32, #tpu.memory_space<vmem>>) target_semaphore(%dma_start3A_697 : memref<!tpu.dma_semaphore, #tpu.memory_space<semaphore_mem>>)
    %scan3A = arith.constant 0 : i32
    %scan3A_704 = arith.constant 0 : i32
    %scan3A_705 = arith.constant 8 : i32
    %scan3A_706 = arith.addi %scan3A_704, %scan3A_705 : i32
    %scan3A_707 = arith.constant 1 : i32
    scf.for %scan3A_960 = %scan3A_704 to %scan3A_706 step %scan3A_707  : i32 {
      %mul3A_961 = arith.constant 12 : i32
      %mul3A_962 = arith.muli %scan3A_960, %mul3A_961 : i32
      %dma_wait3A_963 = arith.constant 0 : i32
      %dma_wait3A_964 = arith.constant 0 : i32
      %dma_wait3A_965 = arith.constant 0 : i32
      %dma_wait3A_966 = arith.constant 0 : i32
      %dma_wait3A_967 = arith.constant 0 : i32
      %dma_wait3A_968 = tpu.memref_slice %arg7[%dma_wait3A_964, %dma_wait3A_966, %dma_wait3A_967] : memref<12x64x128xf32, #tpu.memory_space<vmem>> -> memref<1x64x128xf32, #tpu.memory_space<vmem>>
      %dma_wait3A_969 = tpu.memref_squeeze %dma_wait3A_968 : memref<1x64x128xf32, #tpu.memory_space<vmem>> -> memref<64x128xf32, #tpu.memory_space<vmem>>
      %dma_wait3A_970 = arith.constant 0 : i32
      %dma_wait3A_971 = arith.constant 0 : i32
      %dma_wait3A_972 = tpu.memref_slice %arg2[%add3A, %dma_wait3A_963, %dma_wait3A_970, %dma_wait3A_971] : memref<32x3x512x512xf32, #tpu.memory_space<hbm>> -> memref<1x1x64x128xf32, #tpu.memory_space<hbm>>
      %dma_wait3A_973 = tpu.memref_squeeze %dma_wait3A_972 : memref<1x1x64x128xf32, #tpu.memory_space<hbm>> -> memref<64x128xf32, #tpu.memory_space<hbm>>
      %dma_wait3A_974 = tpu.memref_slice %arg8[%dma_wait3A_965] : memref<12x!tpu.dma_semaphore, #tpu.memory_space<semaphore_mem>> -> memref<1x!tpu.dma_semaphore, #tpu.memory_space<semaphore_mem>>
      %dma_wait3A_975 = tpu.memref_squeeze %dma_wait3A_974 : memref<1x!tpu.dma_semaphore, #tpu.memory_space<semaphore_mem>> -> memref<!tpu.dma_semaphore, #tpu.memory_space<semaphore_mem>>
      %dma_wait3A_976 = arith.constant 0 : i32
      %dma_wait3A_977 = arith.constant 0 : i32
      %dma_wait3A_978 = tpu.memref_slice %arg7[%dma_wait3A_964, %dma_wait3A_976, %dma_wait3A_977] : memref<12x64x128xf32, #tpu.memory_space<vmem>> -> memref<1x64x128xf32, #tpu.memory_space<vmem>>
      %dma_wait3A_979 = tpu.memref_squeeze %dma_wait3A_978 : memref<1x64x128xf32, #tpu.memory_space<vmem>> -> memref<64x128xf32, #tpu.memory_space<vmem>>
      %dma_wait3A_980 = arith.constant 0 : i32
      %dma_wait3A_981 = arith.constant 0 : i32
      %dma_wait3A_982 = tpu.memref_slice %arg2[%add3A, %dma_wait3A_963, %dma_wait3A_980, %dma_wait3A_981] : memref<32x3x512x512xf32, #tpu.memory_space<hbm>> -> memref<1x1x64x128xf32, #tpu.memory_space<hbm>>
      %dma_wait3A_983 = tpu.memref_squeeze %dma_wait3A_982 : memref<1x1x64x128xf32, #tpu.memory_space<hbm>> -> memref<64x128xf32, #tpu.memory_space<hbm>>
      tpu.wait_dma2 semaphore(%dma_wait3A_975 : memref<!tpu.dma_semaphore, #tpu.memory_space<semaphore_mem>>) src(%dma_wait3A_983 : memref<64x128xf32, #tpu.memory_space<hbm>>) dst(%dma_wait3A_979 : memref<64x128xf32, #tpu.memory_space<vmem>>)
      %add3A_984 = arith.constant 0 : i32
      %add3A_985 = arith.addi %mul3A_962, %add3A_984 : i32
      %shift_right_arithmetic3A_986 = arith.constant 5 : i32
      %shift_right_arithmetic3A_987 = arith.shrsi %add3A_985, %shift_right_arithmetic3A_986 : i32
      %shift_right_arithmetic3A_988 = arith.constant 1 : i32
      %shift_right_arithmetic3A_989 = arith.shrsi %add3A_985, %shift_right_arithmetic3A_988 : i32
      %and3A_990 = arith.constant 15 : i32
      %and3A_991 = arith.andi %shift_right_arithmetic3A_989, %and3A_990 : i32
      %and3A_992 = arith.constant 1 : i32
      %and3A_993 = arith.andi %add3A_985, %and3A_992 : i32
      %shift_right_arithmetic3A_994 = arith.constant 2 : i32
      %shift_right_arithmetic3A_995 = arith.shrsi %and3A_991, %shift_right_arithmetic3A_994 : i32
      %and3A_996 = arith.constant 3 : i32
      %and3A_997 = arith.andi %and3A_991, %and3A_996 : i32
      %mul3A_998 = arith.constant 128 : i32
      %mul3A_999 = arith.muli %shift_right_arithmetic3A_995, %mul3A_998 : i32
      %mul3A_1000 = arith.constant 64 : i32
      %mul3A_1001 = arith.muli %and3A_993, %mul3A_1000 : i32
      %add3A_1002 = arith.addi %mul3A_999, %mul3A_1001 : i32
      %mul3A_1003 = arith.constant 128 : i32
      %mul3A_1004 = arith.muli %and3A_997, %mul3A_1003 : i32
      %dma_start3A_1005 = arith.constant 0 : i32
      %dma_start3A_1006 = arith.constant 0 : i32
      %dma_start3A_1007 = arith.constant 0 : i32
      %dma_start3A_1008 = arith.constant 0 : i32
      %dma_start3A_1009 = tpu.memref_slice %arg7[%dma_start3A_1005, %dma_start3A_1007, %dma_start3A_1008] : memref<12x64x128xf32, #tpu.memory_space<vmem>> -> memref<1x64x128xf32, #tpu.memory_space<vmem>>
      %dma_start3A_1010 = tpu.memref_squeeze %dma_start3A_1009 : memref<1x64x128xf32, #tpu.memory_space<vmem>> -> memref<64x128xf32, #tpu.memory_space<vmem>>
      %dma_start3A_1011 = tpu.memref_slice %arg4[%add3A, %shift_right_arithmetic3A_987, %add3A_1002, %mul3A_1004] : memref<32x3x512x512xf32, #tpu.memory_space<hbm>> -> memref<1x1x64x128xf32, #tpu.memory_space<hbm>>
      %dma_start3A_1012 = tpu.memref_squeeze %dma_start3A_1011 : memref<1x1x64x128xf32, #tpu.memory_space<hbm>> -> memref<64x128xf32, #tpu.memory_space<hbm>>
      %dma_start3A_1013 = tpu.memref_slice %arg9[%dma_start3A_1006] : memref<12x!tpu.dma_semaphore, #tpu.memory_space<semaphore_mem>> -> memref<1x!tpu.dma_semaphore, #tpu.memory_space<semaphore_mem>>
      %dma_start3A_1014 = tpu.memref_squeeze %dma_start3A_1013 : memref<1x!tpu.dma_semaphore, #tpu.memory_space<semaphore_mem>> -> memref<!tpu.dma_semaphore, #tpu.memory_space<semaphore_mem>>
      %dma_start3A_1015 = tpu.memref_slice %arg4[%add3A, %shift_right_arithmetic3A_987, %add3A_1002, %mul3A_1004] : memref<32x3x512x512xf32, #tpu.memory_space<hbm>> -> memref<1x1x64x128xf32, #tpu.memory_space<hbm>>
      %dma_start3A_1016 = tpu.memref_squeeze %dma_start3A_1015 : memref<1x1x64x128xf32, #tpu.memory_space<hbm>> -> memref<64x128xf32, #tpu.memory_space<hbm>>
      %dma_start3A_1017 = arith.constant 0 : i32
      %dma_start3A_1018 = arith.constant 0 : i32
      %dma_start3A_1019 = tpu.memref_slice %arg7[%dma_start3A_1005, %dma_start3A_1017, %dma_start3A_1018] : memref<12x64x128xf32, #tpu.memory_space<vmem>> -> memref<1x64x128xf32, #tpu.memory_space<vmem>>
      %dma_start3A_1020 = tpu.memref_squeeze %dma_start3A_1019 : memref<1x64x128xf32, #tpu.memory_space<vmem>> -> memref<64x128xf32, #tpu.memory_space<vmem>>
      tpu.enqueue_dma source(%dma_start3A_1020 : memref<64x128xf32, #tpu.memory_space<vmem>>) target(%dma_start3A_1016 : memref<64x128xf32, #tpu.memory_space<hbm>>) target_semaphore(%dma_start3A_1014 : memref<!tpu.dma_semaphore, #tpu.memory_space<semaphore_mem>>)
      %dma_wait3A_1021 = arith.constant 0 : i32
      %dma_wait3A_1022 = arith.constant 1 : i32
      %dma_wait3A_1023 = arith.constant 1 : i32
      %dma_wait3A_1024 = arith.constant 0 : i32
      %dma_wait3A_1025 = arith.constant 0 : i32
      %dma_wait3A_1026 = tpu.memref_slice %arg7[%dma_wait3A_1022, %dma_wait3A_1024, %dma_wait3A_1025] : memref<12x64x128xf32, #tpu.memory_space<vmem>> -> memref<1x64x128xf32, #tpu.memory_space<vmem>>
      %dma_wait3A_1027 = tpu.memref_squeeze %dma_wait3A_1026 : memref<1x64x128xf32, #tpu.memory_space<vmem>> -> memref<64x128xf32, #tpu.memory_space<vmem>>
      %dma_wait3A_1028 = arith.constant 0 : i32
      %dma_wait3A_1029 = arith.constant 0 : i32
      %dma_wait3A_1030 = tpu.memref_slice %arg2[%add3A, %dma_wait3A_1021, %dma_wait3A_1028, %dma_wait3A_1029] : memref<32x3x512x512xf32, #tpu.memory_space<hbm>> -> memref<1x1x64x128xf32, #tpu.memory_space<hbm>>
      %dma_wait3A_1031 = tpu.memref_squeeze %dma_wait3A_1030 : memref<1x1x64x128xf32, #tpu.memory_space<hbm>> -> memref<64x128xf32, #tpu.memory_space<hbm>>
      %dma_wait3A_1032 = tpu.memref_slice %arg8[%dma_wait3A_1023] : memref<12x!tpu.dma_semaphore, #tpu.memory_space<semaphore_mem>> -> memref<1x!tpu.dma_semaphore, #tpu.memory_space<semaphore_mem>>
      %dma_wait3A_1033 = tpu.memref_squeeze %dma_wait3A_1032 : memref<1x!tpu.dma_semaphore, #tpu.memory_space<semaphore_mem>> -> memref<!tpu.dma_semaphore, #tpu.memory_space<semaphore_mem>>
      %dma_wait3A_1034 = arith.constant 0 : i32
      %dma_wait3A_1035 = arith.constant 0 : i32
      %dma_wait3A_1036 = tpu.memref_slice %arg7[%dma_wait3A_1022, %dma_wait3A_1034, %dma_wait3A_1035] : memref<12x64x128xf32, #tpu.memory_space<vmem>> -> memref<1x64x128xf32, #tpu.memory_space<vmem>>
      %dma_wait3A_1037 = tpu.memref_squeeze %dma_wait3A_1036 : memref<1x64x128xf32, #tpu.memory_space<vmem>> -> memref<64x128xf32, #tpu.memory_space<vmem>>
      %dma_wait3A_1038 = arith.constant 0 : i32
      %dma_wait3A_1039 = arith.constant 0 : i32
      %dma_wait3A_1040 = tpu.memref_slice %arg2[%add3A, %dma_wait3A_1021, %dma_wait3A_1038, %dma_wait3A_1039] : memref<32x3x512x512xf32, #tpu.memory_space<hbm>> -> memref<1x1x64x128xf32, #tpu.memory_space<hbm>>
      %dma_wait3A_1041 = tpu.memref_squeeze %dma_wait3A_1040 : memref<1x1x64x128xf32, #tpu.memory_space<hbm>> -> memref<64x128xf32, #tpu.memory_space<hbm>>
      tpu.wait_dma2 semaphore(%dma_wait3A_1033 : memref<!tpu.dma_semaphore, #tpu.memory_space<semaphore_mem>>) src(%dma_wait3A_1041 : memref<64x128xf32, #tpu.memory_space<hbm>>) dst(%dma_wait3A_1037 : memref<64x128xf32, #tpu.memory_space<vmem>>)
      %add3A_1042 = arith.constant 1 : i32
      %add3A_1043 = arith.addi %mul3A_962, %add3A_1042 : i32
      %shift_right_arithmetic3A_1044 = arith.constant 5 : i32
      %shift_right_arithmetic3A_1045 = arith.shrsi %add3A_1043, %shift_right_arithmetic3A_1044 : i32
      %shift_right_arithmetic3A_1046 = arith.constant 1 : i32
      %shift_right_arithmetic3A_1047 = arith.shrsi %add3A_1043, %shift_right_arithmetic3A_1046 : i32
      %and3A_1048 = arith.constant 15 : i32
      %and3A_1049 = arith.andi %shift_right_arithmetic3A_1047, %and3A_1048 : i32
      %and3A_1050 = arith.constant 1 : i32
      %and3A_1051 = arith.andi %add3A_1043, %and3A_1050 : i32
      %shift_right_arithmetic3A_1052 = arith.constant 2 : i32
      %shift_right_arithmetic3A_1053 = arith.shrsi %and3A_1049, %shift_right_arithmetic3A_1052 : i32
      %and3A_1054 = arith.constant 3 : i32
      %and3A_1055 = arith.andi %and3A_1049, %and3A_1054 : i32
      %mul3A_1056 = arith.constant 128 : i32
      %mul3A_1057 = arith.muli %shift_right_arithmetic3A_1053, %mul3A_1056 : i32
      %mul3A_1058 = arith.constant 64 : i32
      %mul3A_1059 = arith.muli %and3A_1051, %mul3A_1058 : i32
      %add3A_1060 = arith.addi %mul3A_1057, %mul3A_1059 : i32
      %mul3A_1061 = arith.constant 128 : i32
      %mul3A_1062 = arith.muli %and3A_1055, %mul3A_1061 : i32
      %dma_start3A_1063 = arith.constant 1 : i32
      %dma_start3A_1064 = arith.constant 1 : i32
      %dma_start3A_1065 = arith.constant 0 : i32
      %dma_start3A_1066 = arith.constant 0 : i32
      %dma_start3A_1067 = tpu.memref_slice %arg7[%dma_start3A_1063, %dma_start3A_1065, %dma_start3A_1066] : memref<12x64x128xf32, #tpu.memory_space<vmem>> -> memref<1x64x128xf32, #tpu.memory_space<vmem>>
      %dma_start3A_1068 = tpu.memref_squeeze %dma_start3A_1067 : memref<1x64x128xf32, #tpu.memory_space<vmem>> -> memref<64x128xf32, #tpu.memory_space<vmem>>
      %dma_start3A_1069 = tpu.memref_slice %arg4[%add3A, %shift_right_arithmetic3A_1045, %add3A_1060, %mul3A_1062] : memref<32x3x512x512xf32, #tpu.memory_space<hbm>> -> memref<1x1x64x128xf32, #tpu.memory_space<hbm>>
      %dma_start3A_1070 = tpu.memref_squeeze %dma_start3A_1069 : memref<1x1x64x128xf32, #tpu.memory_space<hbm>> -> memref<64x128xf32, #tpu.memory_space<hbm>>
      %dma_start3A_1071 = tpu.memref_slice %arg9[%dma_start3A_1064] : memref<12x!tpu.dma_semaphore, #tpu.memory_space<semaphore_mem>> -> memref<1x!tpu.dma_semaphore, #tpu.memory_space<semaphore_mem>>
      %dma_start3A_1072 = tpu.memref_squeeze %dma_start3A_1071 : memref<1x!tpu.dma_semaphore, #tpu.memory_space<semaphore_mem>> -> memref<!tpu.dma_semaphore, #tpu.memory_space<semaphore_mem>>
      %dma_start3A_1073 = tpu.memref_slice %arg4[%add3A, %shift_right_arithmetic3A_1045, %add3A_1060, %mul3A_1062] : memref<32x3x512x512xf32, #tpu.memory_space<hbm>> -> memref<1x1x64x128xf32, #tpu.memory_space<hbm>>
      %dma_start3A_1074 = tpu.memref_squeeze %dma_start3A_1073 : memref<1x1x64x128xf32, #tpu.memory_space<hbm>> -> memref<64x128xf32, #tpu.memory_space<hbm>>
      %dma_start3A_1075 = arith.constant 0 : i32
      %dma_start3A_1076 = arith.constant 0 : i32
      %dma_start3A_1077 = tpu.memref_slice %arg7[%dma_start3A_1063, %dma_start3A_1075, %dma_start3A_1076] : memref<12x64x128xf32, #tpu.memory_space<vmem>> -> memref<1x64x128xf32, #tpu.memory_space<vmem>>
      %dma_start3A_1078 = tpu.memref_squeeze %dma_start3A_1077 : memref<1x64x128xf32, #tpu.memory_space<vmem>> -> memref<64x128xf32, #tpu.memory_space<vmem>>
      tpu.enqueue_dma source(%dma_start3A_1078 : memref<64x128xf32, #tpu.memory_space<vmem>>) target(%dma_start3A_1074 : memref<64x128xf32, #tpu.memory_space<hbm>>) target_semaphore(%dma_start3A_1072 : memref<!tpu.dma_semaphore, #tpu.memory_space<semaphore_mem>>)
      %dma_wait3A_1079 = arith.constant 0 : i32
      %dma_wait3A_1080 = arith.constant 2 : i32
      %dma_wait3A_1081 = arith.constant 2 : i32
      %dma_wait3A_1082 = arith.constant 0 : i32
      %dma_wait3A_1083 = arith.constant 0 : i32
      %dma_wait3A_1084 = tpu.memref_slice %arg7[%dma_wait3A_1080, %dma_wait3A_1082, %dma_wait3A_1083] : memref<12x64x128xf32, #tpu.memory_space<vmem>> -> memref<1x64x128xf32, #tpu.memory_space<vmem>>
      %dma_wait3A_1085 = tpu.memref_squeeze %dma_wait3A_1084 : memref<1x64x128xf32, #tpu.memory_space<vmem>> -> memref<64x128xf32, #tpu.memory_space<vmem>>
      %dma_wait3A_1086 = arith.constant 0 : i32
      %dma_wait3A_1087 = arith.constant 0 : i32
      %dma_wait3A_1088 = tpu.memref_slice %arg2[%add3A, %dma_wait3A_1079, %dma_wait3A_1086, %dma_wait3A_1087] : memref<32x3x512x512xf32, #tpu.memory_space<hbm>> -> memref<1x1x64x128xf32, #tpu.memory_space<hbm>>
      %dma_wait3A_1089 = tpu.memref_squeeze %dma_wait3A_1088 : memref<1x1x64x128xf32, #tpu.memory_space<hbm>> -> memref<64x128xf32, #tpu.memory_space<hbm>>
      %dma_wait3A_1090 = tpu.memref_slice %arg8[%dma_wait3A_1081] : memref<12x!tpu.dma_semaphore, #tpu.memory_space<semaphore_mem>> -> memref<1x!tpu.dma_semaphore, #tpu.memory_space<semaphore_mem>>
      %dma_wait3A_1091 = tpu.memref_squeeze %dma_wait3A_1090 : memref<1x!tpu.dma_semaphore, #tpu.memory_space<semaphore_mem>> -> memref<!tpu.dma_semaphore, #tpu.memory_space<semaphore_mem>>
      %dma_wait3A_1092 = arith.constant 0 : i32
      %dma_wait3A_1093 = arith.constant 0 : i32
      %dma_wait3A_1094 = tpu.memref_slice %arg7[%dma_wait3A_1080, %dma_wait3A_1092, %dma_wait3A_1093] : memref<12x64x128xf32, #tpu.memory_space<vmem>> -> memref<1x64x128xf32, #tpu.memory_space<vmem>>
      %dma_wait3A_1095 = tpu.memref_squeeze %dma_wait3A_1094 : memref<1x64x128xf32, #tpu.memory_space<vmem>> -> memref<64x128xf32, #tpu.memory_space<vmem>>
      %dma_wait3A_1096 = arith.constant 0 : i32
      %dma_wait3A_1097 = arith.constant 0 : i32
      %dma_wait3A_1098 = tpu.memref_slice %arg2[%add3A, %dma_wait3A_1079, %dma_wait3A_1096, %dma_wait3A_1097] : memref<32x3x512x512xf32, #tpu.memory_space<hbm>> -> memref<1x1x64x128xf32, #tpu.memory_space<hbm>>
      %dma_wait3A_1099 = tpu.memref_squeeze %dma_wait3A_1098 : memref<1x1x64x128xf32, #tpu.memory_space<hbm>> -> memref<64x128xf32, #tpu.memory_space<hbm>>
      tpu.wait_dma2 semaphore(%dma_wait3A_1091 : memref<!tpu.dma_semaphore, #tpu.memory_space<semaphore_mem>>) src(%dma_wait3A_1099 : memref<64x128xf32, #tpu.memory_space<hbm>>) dst(%dma_wait3A_1095 : memref<64x128xf32, #tpu.memory_space<vmem>>)
      %add3A_1100 = arith.constant 2 : i32
      %add3A_1101 = arith.addi %mul3A_962, %add3A_1100 : i32
      %shift_right_arithmetic3A_1102 = arith.constant 5 : i32
      %shift_right_arithmetic3A_1103 = arith.shrsi %add3A_1101, %shift_right_arithmetic3A_1102 : i32
      %shift_right_arithmetic3A_1104 = arith.constant 1 : i32
      %shift_right_arithmetic3A_1105 = arith.shrsi %add3A_1101, %shift_right_arithmetic3A_1104 : i32
      %and3A_1106 = arith.constant 15 : i32
      %and3A_1107 = arith.andi %shift_right_arithmetic3A_1105, %and3A_1106 : i32
      %and3A_1108 = arith.constant 1 : i32
      %and3A_1109 = arith.andi %add3A_1101, %and3A_1108 : i32
      %shift_right_arithmetic3A_1110 = arith.constant 2 : i32
      %shift_right_arithmetic3A_1111 = arith.shrsi %and3A_1107, %shift_right_arithmetic3A_1110 : i32
      %and3A_1112 = arith.constant 3 : i32
      %and3A_1113 = arith.andi %and3A_1107, %and3A_1112 : i32
      %mul3A_1114 = arith.constant 128 : i32
      %mul3A_1115 = arith.muli %shift_right_arithmetic3A_1111, %mul3A_1114 : i32
      %mul3A_1116 = arith.constant 64 : i32
      %mul3A_1117 = arith.muli %and3A_1109, %mul3A_1116 : i32
      %add3A_1118 = arith.addi %mul3A_1115, %mul3A_1117 : i32
      %mul3A_1119 = arith.constant 128 : i32
      %mul3A_1120 = arith.muli %and3A_1113, %mul3A_1119 : i32
      %dma_start3A_1121 = arith.constant 2 : i32
      %dma_start3A_1122 = arith.constant 2 : i32
      %dma_start3A_1123 = arith.constant 0 : i32
      %dma_start3A_1124 = arith.constant 0 : i32
      %dma_start3A_1125 = tpu.memref_slice %arg7[%dma_start3A_1121, %dma_start3A_1123, %dma_start3A_1124] : memref<12x64x128xf32, #tpu.memory_space<vmem>> -> memref<1x64x128xf32, #tpu.memory_space<vmem>>
      %dma_start3A_1126 = tpu.memref_squeeze %dma_start3A_1125 : memref<1x64x128xf32, #tpu.memory_space<vmem>> -> memref<64x128xf32, #tpu.memory_space<vmem>>
      %dma_start3A_1127 = tpu.memref_slice %arg4[%add3A, %shift_right_arithmetic3A_1103, %add3A_1118, %mul3A_1120] : memref<32x3x512x512xf32, #tpu.memory_space<hbm>> -> memref<1x1x64x128xf32, #tpu.memory_space<hbm>>
      %dma_start3A_1128 = tpu.memref_squeeze %dma_start3A_1127 : memref<1x1x64x128xf32, #tpu.memory_space<hbm>> -> memref<64x128xf32, #tpu.memory_space<hbm>>
      %dma_start3A_1129 = tpu.memref_slice %arg9[%dma_start3A_1122] : memref<12x!tpu.dma_semaphore, #tpu.memory_space<semaphore_mem>> -> memref<1x!tpu.dma_semaphore, #tpu.memory_space<semaphore_mem>>
      %dma_start3A_1130 = tpu.memref_squeeze %dma_start3A_1129 : memref<1x!tpu.dma_semaphore, #tpu.memory_space<semaphore_mem>> -> memref<!tpu.dma_semaphore, #tpu.memory_space<semaphore_mem>>
      %dma_start3A_1131 = tpu.memref_slice %arg4[%add3A, %shift_right_arithmetic3A_1103, %add3A_1118, %mul3A_1120] : memref<32x3x512x512xf32, #tpu.memory_space<hbm>> -> memref<1x1x64x128xf32, #tpu.memory_space<hbm>>
      %dma_start3A_1132 = tpu.memref_squeeze %dma_start3A_1131 : memref<1x1x64x128xf32, #tpu.memory_space<hbm>> -> memref<64x128xf32, #tpu.memory_space<hbm>>
      %dma_start3A_1133 = arith.constant 0 : i32
      %dma_start3A_1134 = arith.constant 0 : i32
      %dma_start3A_1135 = tpu.memref_slice %arg7[%dma_start3A_1121, %dma_start3A_1133, %dma_start3A_1134] : memref<12x64x128xf32, #tpu.memory_space<vmem>> -> memref<1x64x128xf32, #tpu.memory_space<vmem>>
      %dma_start3A_1136 = tpu.memref_squeeze %dma_start3A_1135 : memref<1x64x128xf32, #tpu.memory_space<vmem>> -> memref<64x128xf32, #tpu.memory_space<vmem>>
      tpu.enqueue_dma source(%dma_start3A_1136 : memref<64x128xf32, #tpu.memory_space<vmem>>) target(%dma_start3A_1132 : memref<64x128xf32, #tpu.memory_space<hbm>>) target_semaphore(%dma_start3A_1130 : memref<!tpu.dma_semaphore, #tpu.memory_space<semaphore_mem>>)
      %dma_wait3A_1137 = arith.constant 0 : i32
      %dma_wait3A_1138 = arith.constant 3 : i32
      %dma_wait3A_1139 = arith.constant 3 : i32
      %dma_wait3A_1140 = arith.constant 0 : i32
      %dma_wait3A_1141 = arith.constant 0 : i32
      %dma_wait3A_1142 = tpu.memref_slice %arg7[%dma_wait3A_1138, %dma_wait3A_1140, %dma_wait3A_1141] : memref<12x64x128xf32, #tpu.memory_space<vmem>> -> memref<1x64x128xf32, #tpu.memory_space<vmem>>
      %dma_wait3A_1143 = tpu.memref_squeeze %dma_wait3A_1142 : memref<1x64x128xf32, #tpu.memory_space<vmem>> -> memref<64x128xf32, #tpu.memory_space<vmem>>
      %dma_wait3A_1144 = arith.constant 0 : i32
      %dma_wait3A_1145 = arith.constant 0 : i32
      %dma_wait3A_1146 = tpu.memref_slice %arg2[%add3A, %dma_wait3A_1137, %dma_wait3A_1144, %dma_wait3A_1145] : memref<32x3x512x512xf32, #tpu.memory_space<hbm>> -> memref<1x1x64x128xf32, #tpu.memory_space<hbm>>
      %dma_wait3A_1147 = tpu.memref_squeeze %dma_wait3A_1146 : memref<1x1x64x128xf32, #tpu.memory_space<hbm>> -> memref<64x128xf32, #tpu.memory_space<hbm>>
      %dma_wait3A_1148 = tpu.memref_slice %arg8[%dma_wait3A_1139] : memref<12x!tpu.dma_semaphore, #tpu.memory_space<semaphore_mem>> -> memref<1x!tpu.dma_semaphore, #tpu.memory_space<semaphore_mem>>
      %dma_wait3A_1149 = tpu.memref_squeeze %dma_wait3A_1148 : memref<1x!tpu.dma_semaphore, #tpu.memory_space<semaphore_mem>> -> memref<!tpu.dma_semaphore, #tpu.memory_space<semaphore_mem>>
      %dma_wait3A_1150 = arith.constant 0 : i32
      %dma_wait3A_1151 = arith.constant 0 : i32
      %dma_wait3A_1152 = tpu.memref_slice %arg7[%dma_wait3A_1138, %dma_wait3A_1150, %dma_wait3A_1151] : memref<12x64x128xf32, #tpu.memory_space<vmem>> -> memref<1x64x128xf32, #tpu.memory_space<vmem>>
      %dma_wait3A_1153 = tpu.memref_squeeze %dma_wait3A_1152 : memref<1x64x128xf32, #tpu.memory_space<vmem>> -> memref<64x128xf32, #tpu.memory_space<vmem>>
      %dma_wait3A_1154 = arith.constant 0 : i32
      %dma_wait3A_1155 = arith.constant 0 : i32
      %dma_wait3A_1156 = tpu.memref_slice %arg2[%add3A, %dma_wait3A_1137, %dma_wait3A_1154, %dma_wait3A_1155] : memref<32x3x512x512xf32, #tpu.memory_space<hbm>> -> memref<1x1x64x128xf32, #tpu.memory_space<hbm>>
      %dma_wait3A_1157 = tpu.memref_squeeze %dma_wait3A_1156 : memref<1x1x64x128xf32, #tpu.memory_space<hbm>> -> memref<64x128xf32, #tpu.memory_space<hbm>>
      tpu.wait_dma2 semaphore(%dma_wait3A_1149 : memref<!tpu.dma_semaphore, #tpu.memory_space<semaphore_mem>>) src(%dma_wait3A_1157 : memref<64x128xf32, #tpu.memory_space<hbm>>) dst(%dma_wait3A_1153 : memref<64x128xf32, #tpu.memory_space<vmem>>)
      %add3A_1158 = arith.constant 3 : i32
      %add3A_1159 = arith.addi %mul3A_962, %add3A_1158 : i32
      %shift_right_arithmetic3A_1160 = arith.constant 5 : i32
      %shift_right_arithmetic3A_1161 = arith.shrsi %add3A_1159, %shift_right_arithmetic3A_1160 : i32
      %shift_right_arithmetic3A_1162 = arith.constant 1 : i32
      %shift_right_arithmetic3A_1163 = arith.shrsi %add3A_1159, %shift_right_arithmetic3A_1162 : i32
      %and3A_1164 = arith.constant 15 : i32
      %and3A_1165 = arith.andi %shift_right_arithmetic3A_1163, %and3A_1164 : i32
      %and3A_1166 = arith.constant 1 : i32
      %and3A_1167 = arith.andi %add3A_1159, %and3A_1166 : i32
      %shift_right_arithmetic3A_1168 = arith.constant 2 : i32
      %shift_right_arithmetic3A_1169 = arith.shrsi %and3A_1165, %shift_right_arithmetic3A_1168 : i32
      %and3A_1170 = arith.constant 3 : i32
      %and3A_1171 = arith.andi %and3A_1165, %and3A_1170 : i32
      %mul3A_1172 = arith.constant 128 : i32
      %mul3A_1173 = arith.muli %shift_right_arithmetic3A_1169, %mul3A_1172 : i32
      %mul3A_1174 = arith.constant 64 : i32
      %mul3A_1175 = arith.muli %and3A_1167, %mul3A_1174 : i32
      %add3A_1176 = arith.addi %mul3A_1173, %mul3A_1175 : i32
      %mul3A_1177 = arith.constant 128 : i32
      %mul3A_1178 = arith.muli %and3A_1171, %mul3A_1177 : i32
      %dma_start3A_1179 = arith.constant 3 : i32
      %dma_start3A_1180 = arith.constant 3 : i32
      %dma_start3A_1181 = arith.constant 0 : i32
      %dma_start3A_1182 = arith.constant 0 : i32
      %dma_start3A_1183 = tpu.memref_slice %arg7[%dma_start3A_1179, %dma_start3A_1181, %dma_start3A_1182] : memref<12x64x128xf32, #tpu.memory_space<vmem>> -> memref<1x64x128xf32, #tpu.memory_space<vmem>>
      %dma_start3A_1184 = tpu.memref_squeeze %dma_start3A_1183 : memref<1x64x128xf32, #tpu.memory_space<vmem>> -> memref<64x128xf32, #tpu.memory_space<vmem>>
      %dma_start3A_1185 = tpu.memref_slice %arg4[%add3A, %shift_right_arithmetic3A_1161, %add3A_1176, %mul3A_1178] : memref<32x3x512x512xf32, #tpu.memory_space<hbm>> -> memref<1x1x64x128xf32, #tpu.memory_space<hbm>>
      %dma_start3A_1186 = tpu.memref_squeeze %dma_start3A_1185 : memref<1x1x64x128xf32, #tpu.memory_space<hbm>> -> memref<64x128xf32, #tpu.memory_space<hbm>>
      %dma_start3A_1187 = tpu.memref_slice %arg9[%dma_start3A_1180] : memref<12x!tpu.dma_semaphore, #tpu.memory_space<semaphore_mem>> -> memref<1x!tpu.dma_semaphore, #tpu.memory_space<semaphore_mem>>
      %dma_start3A_1188 = tpu.memref_squeeze %dma_start3A_1187 : memref<1x!tpu.dma_semaphore, #tpu.memory_space<semaphore_mem>> -> memref<!tpu.dma_semaphore, #tpu.memory_space<semaphore_mem>>
      %dma_start3A_1189 = tpu.memref_slice %arg4[%add3A, %shift_right_arithmetic3A_1161, %add3A_1176, %mul3A_1178] : memref<32x3x512x512xf32, #tpu.memory_space<hbm>> -> memref<1x1x64x128xf32, #tpu.memory_space<hbm>>
      %dma_start3A_1190 = tpu.memref_squeeze %dma_start3A_1189 : memref<1x1x64x128xf32, #tpu.memory_space<hbm>> -> memref<64x128xf32, #tpu.memory_space<hbm>>
      %dma_start3A_1191 = arith.constant 0 : i32
      %dma_start3A_1192 = arith.constant 0 : i32
      %dma_start3A_1193 = tpu.memref_slice %arg7[%dma_start3A_1179, %dma_start3A_1191, %dma_start3A_1192] : memref<12x64x128xf32, #tpu.memory_space<vmem>> -> memref<1x64x128xf32, #tpu.memory_space<vmem>>
      %dma_start3A_1194 = tpu.memref_squeeze %dma_start3A_1193 : memref<1x64x128xf32, #tpu.memory_space<vmem>> -> memref<64x128xf32, #tpu.memory_space<vmem>>
      tpu.enqueue_dma source(%dma_start3A_1194 : memref<64x128xf32, #tpu.memory_space<vmem>>) target(%dma_start3A_1190 : memref<64x128xf32, #tpu.memory_space<hbm>>) target_semaphore(%dma_start3A_1188 : memref<!tpu.dma_semaphore, #tpu.memory_space<semaphore_mem>>)
      %dma_wait3A_1195 = arith.constant 0 : i32
      %dma_wait3A_1196 = arith.constant 4 : i32
      %dma_wait3A_1197 = arith.constant 4 : i32
      %dma_wait3A_1198 = arith.constant 0 : i32
      %dma_wait3A_1199 = arith.constant 0 : i32
      %dma_wait3A_1200 = tpu.memref_slice %arg7[%dma_wait3A_1196, %dma_wait3A_1198, %dma_wait3A_1199] : memref<12x64x128xf32, #tpu.memory_space<vmem>> -> memref<1x64x128xf32, #tpu.memory_space<vmem>>
      %dma_wait3A_1201 = tpu.memref_squeeze %dma_wait3A_1200 : memref<1x64x128xf32, #tpu.memory_space<vmem>> -> memref<64x128xf32, #tpu.memory_space<vmem>>
      %dma_wait3A_1202 = arith.constant 0 : i32
      %dma_wait3A_1203 = arith.constant 0 : i32
      %dma_wait3A_1204 = tpu.memref_slice %arg2[%add3A, %dma_wait3A_1195, %dma_wait3A_1202, %dma_wait3A_1203] : memref<32x3x512x512xf32, #tpu.memory_space<hbm>> -> memref<1x1x64x128xf32, #tpu.memory_space<hbm>>
      %dma_wait3A_1205 = tpu.memref_squeeze %dma_wait3A_1204 : memref<1x1x64x128xf32, #tpu.memory_space<hbm>> -> memref<64x128xf32, #tpu.memory_space<hbm>>
      %dma_wait3A_1206 = tpu.memref_slice %arg8[%dma_wait3A_1197] : memref<12x!tpu.dma_semaphore, #tpu.memory_space<semaphore_mem>> -> memref<1x!tpu.dma_semaphore, #tpu.memory_space<semaphore_mem>>
      %dma_wait3A_1207 = tpu.memref_squeeze %dma_wait3A_1206 : memref<1x!tpu.dma_semaphore, #tpu.memory_space<semaphore_mem>> -> memref<!tpu.dma_semaphore, #tpu.memory_space<semaphore_mem>>
      %dma_wait3A_1208 = arith.constant 0 : i32
      %dma_wait3A_1209 = arith.constant 0 : i32
      %dma_wait3A_1210 = tpu.memref_slice %arg7[%dma_wait3A_1196, %dma_wait3A_1208, %dma_wait3A_1209] : memref<12x64x128xf32, #tpu.memory_space<vmem>> -> memref<1x64x128xf32, #tpu.memory_space<vmem>>
      %dma_wait3A_1211 = tpu.memref_squeeze %dma_wait3A_1210 : memref<1x64x128xf32, #tpu.memory_space<vmem>> -> memref<64x128xf32, #tpu.memory_space<vmem>>
      %dma_wait3A_1212 = arith.constant 0 : i32
      %dma_wait3A_1213 = arith.constant 0 : i32
      %dma_wait3A_1214 = tpu.memref_slice %arg2[%add3A, %dma_wait3A_1195, %dma_wait3A_1212, %dma_wait3A_1213] : memref<32x3x512x512xf32, #tpu.memory_space<hbm>> -> memref<1x1x64x128xf32, #tpu.memory_space<hbm>>
      %dma_wait3A_1215 = tpu.memref_squeeze %dma_wait3A_1214 : memref<1x1x64x128xf32, #tpu.memory_space<hbm>> -> memref<64x128xf32, #tpu.memory_space<hbm>>
      tpu.wait_dma2 semaphore(%dma_wait3A_1207 : memref<!tpu.dma_semaphore, #tpu.memory_space<semaphore_mem>>) src(%dma_wait3A_1215 : memref<64x128xf32, #tpu.memory_space<hbm>>) dst(%dma_wait3A_1211 : memref<64x128xf32, #tpu.memory_space<vmem>>)
      %add3A_1216 = arith.constant 4 : i32
      %add3A_1217 = arith.addi %mul3A_962, %add3A_1216 : i32
      %shift_right_arithmetic3A_1218 = arith.constant 5 : i32
      %shift_right_arithmetic3A_1219 = arith.shrsi %add3A_1217, %shift_right_arithmetic3A_1218 : i32
      %shift_right_arithmetic3A_1220 = arith.constant 1 : i32
      %shift_right_arithmetic3A_1221 = arith.shrsi %add3A_1217, %shift_right_arithmetic3A_1220 : i32
      %and3A_1222 = arith.constant 15 : i32
      %and3A_1223 = arith.andi %shift_right_arithmetic3A_1221, %and3A_1222 : i32
      %and3A_1224 = arith.constant 1 : i32
      %and3A_1225 = arith.andi %add3A_1217, %and3A_1224 : i32
      %shift_right_arithmetic3A_1226 = arith.constant 2 : i32
      %shift_right_arithmetic3A_1227 = arith.shrsi %and3A_1223, %shift_right_arithmetic3A_1226 : i32
      %and3A_1228 = arith.constant 3 : i32
      %and3A_1229 = arith.andi %and3A_1223, %and3A_1228 : i32
      %mul3A_1230 = arith.constant 128 : i32
      %mul3A_1231 = arith.muli %shift_right_arithmetic3A_1227, %mul3A_1230 : i32
      %mul3A_1232 = arith.constant 64 : i32
      %mul3A_1233 = arith.muli %and3A_1225, %mul3A_1232 : i32
      %add3A_1234 = arith.addi %mul3A_1231, %mul3A_1233 : i32
      %mul3A_1235 = arith.constant 128 : i32
      %mul3A_1236 = arith.muli %and3A_1229, %mul3A_1235 : i32
      %dma_start3A_1237 = arith.constant 4 : i32
      %dma_start3A_1238 = arith.constant 4 : i32
      %dma_start3A_1239 = arith.constant 0 : i32
      %dma_start3A_1240 = arith.constant 0 : i32
      %dma_start3A_1241 = tpu.memref_slice %arg7[%dma_start3A_1237, %dma_start3A_1239, %dma_start3A_1240] : memref<12x64x128xf32, #tpu.memory_space<vmem>> -> memref<1x64x128xf32, #tpu.memory_space<vmem>>
      %dma_start3A_1242 = tpu.memref_squeeze %dma_start3A_1241 : memref<1x64x128xf32, #tpu.memory_space<vmem>> -> memref<64x128xf32, #tpu.memory_space<vmem>>
      %dma_start3A_1243 = tpu.memref_slice %arg4[%add3A, %shift_right_arithmetic3A_1219, %add3A_1234, %mul3A_1236] : memref<32x3x512x512xf32, #tpu.memory_space<hbm>> -> memref<1x1x64x128xf32, #tpu.memory_space<hbm>>
      %dma_start3A_1244 = tpu.memref_squeeze %dma_start3A_1243 : memref<1x1x64x128xf32, #tpu.memory_space<hbm>> -> memref<64x128xf32, #tpu.memory_space<hbm>>
      %dma_start3A_1245 = tpu.memref_slice %arg9[%dma_start3A_1238] : memref<12x!tpu.dma_semaphore, #tpu.memory_space<semaphore_mem>> -> memref<1x!tpu.dma_semaphore, #tpu.memory_space<semaphore_mem>>
      %dma_start3A_1246 = tpu.memref_squeeze %dma_start3A_1245 : memref<1x!tpu.dma_semaphore, #tpu.memory_space<semaphore_mem>> -> memref<!tpu.dma_semaphore, #tpu.memory_space<semaphore_mem>>
      %dma_start3A_1247 = tpu.memref_slice %arg4[%add3A, %shift_right_arithmetic3A_1219, %add3A_1234, %mul3A_1236] : memref<32x3x512x512xf32, #tpu.memory_space<hbm>> -> memref<1x1x64x128xf32, #tpu.memory_space<hbm>>
      %dma_start3A_1248 = tpu.memref_squeeze %dma_start3A_1247 : memref<1x1x64x128xf32, #tpu.memory_space<hbm>> -> memref<64x128xf32, #tpu.memory_space<hbm>>
      %dma_start3A_1249 = arith.constant 0 : i32
      %dma_start3A_1250 = arith.constant 0 : i32
      %dma_start3A_1251 = tpu.memref_slice %arg7[%dma_start3A_1237, %dma_start3A_1249, %dma_start3A_1250] : memref<12x64x128xf32, #tpu.memory_space<vmem>> -> memref<1x64x128xf32, #tpu.memory_space<vmem>>
      %dma_start3A_1252 = tpu.memref_squeeze %dma_start3A_1251 : memref<1x64x128xf32, #tpu.memory_space<vmem>> -> memref<64x128xf32, #tpu.memory_space<vmem>>
      tpu.enqueue_dma source(%dma_start3A_1252 : memref<64x128xf32, #tpu.memory_space<vmem>>) target(%dma_start3A_1248 : memref<64x128xf32, #tpu.memory_space<hbm>>) target_semaphore(%dma_start3A_1246 : memref<!tpu.dma_semaphore, #tpu.memory_space<semaphore_mem>>)
      %dma_wait3A_1253 = arith.constant 0 : i32
      %dma_wait3A_1254 = arith.constant 5 : i32
      %dma_wait3A_1255 = arith.constant 5 : i32
      %dma_wait3A_1256 = arith.constant 0 : i32
      %dma_wait3A_1257 = arith.constant 0 : i32
      %dma_wait3A_1258 = tpu.memref_slice %arg7[%dma_wait3A_1254, %dma_wait3A_1256, %dma_wait3A_1257] : memref<12x64x128xf32, #tpu.memory_space<vmem>> -> memref<1x64x128xf32, #tpu.memory_space<vmem>>
      %dma_wait3A_1259 = tpu.memref_squeeze %dma_wait3A_1258 : memref<1x64x128xf32, #tpu.memory_space<vmem>> -> memref<64x128xf32, #tpu.memory_space<vmem>>
      %dma_wait3A_1260 = arith.constant 0 : i32
      %dma_wait3A_1261 = arith.constant 0 : i32
      %dma_wait3A_1262 = tpu.memref_slice %arg2[%add3A, %dma_wait3A_1253, %dma_wait3A_1260, %dma_wait3A_1261] : memref<32x3x512x512xf32, #tpu.memory_space<hbm>> -> memref<1x1x64x128xf32, #tpu.memory_space<hbm>>
      %dma_wait3A_1263 = tpu.memref_squeeze %dma_wait3A_1262 : memref<1x1x64x128xf32, #tpu.memory_space<hbm>> -> memref<64x128xf32, #tpu.memory_space<hbm>>
      %dma_wait3A_1264 = tpu.memref_slice %arg8[%dma_wait3A_1255] : memref<12x!tpu.dma_semaphore, #tpu.memory_space<semaphore_mem>> -> memref<1x!tpu.dma_semaphore, #tpu.memory_space<semaphore_mem>>
      %dma_wait3A_1265 = tpu.memref_squeeze %dma_wait3A_1264 : memref<1x!tpu.dma_semaphore, #tpu.memory_space<semaphore_mem>> -> memref<!tpu.dma_semaphore, #tpu.memory_space<semaphore_mem>>
      %dma_wait3A_1266 = arith.constant 0 : i32
      %dma_wait3A_1267 = arith.constant 0 : i32
      %dma_wait3A_1268 = tpu.memref_slice %arg7[%dma_wait3A_1254, %dma_wait3A_1266, %dma_wait3A_1267] : memref<12x64x128xf32, #tpu.memory_space<vmem>> -> memref<1x64x128xf32, #tpu.memory_space<vmem>>
      %dma_wait3A_1269 = tpu.memref_squeeze %dma_wait3A_1268 : memref<1x64x128xf32, #tpu.memory_space<vmem>> -> memref<64x128xf32, #tpu.memory_space<vmem>>
      %dma_wait3A_1270 = arith.constant 0 : i32
      %dma_wait3A_1271 = arith.constant 0 : i32
      %dma_wait3A_1272 = tpu.memref_slice %arg2[%add3A, %dma_wait3A_1253, %dma_wait3A_1270, %dma_wait3A_1271] : memref<32x3x512x512xf32, #tpu.memory_space<hbm>> -> memref<1x1x64x128xf32, #tpu.memory_space<hbm>>
      %dma_wait3A_1273 = tpu.memref_squeeze %dma_wait3A_1272 : memref<1x1x64x128xf32, #tpu.memory_space<hbm>> -> memref<64x128xf32, #tpu.memory_space<hbm>>
      tpu.wait_dma2 semaphore(%dma_wait3A_1265 : memref<!tpu.dma_semaphore, #tpu.memory_space<semaphore_mem>>) src(%dma_wait3A_1273 : memref<64x128xf32, #tpu.memory_space<hbm>>) dst(%dma_wait3A_1269 : memref<64x128xf32, #tpu.memory_space<vmem>>)
      %add3A_1274 = arith.constant 5 : i32
      %add3A_1275 = arith.addi %mul3A_962, %add3A_1274 : i32
      %shift_right_arithmetic3A_1276 = arith.constant 5 : i32
      %shift_right_arithmetic3A_1277 = arith.shrsi %add3A_1275, %shift_right_arithmetic3A_1276 : i32
      %shift_right_arithmetic3A_1278 = arith.constant 1 : i32
      %shift_right_arithmetic3A_1279 = arith.shrsi %add3A_1275, %shift_right_arithmetic3A_1278 : i32
      %and3A_1280 = arith.constant 15 : i32
      %and3A_1281 = arith.andi %shift_right_arithmetic3A_1279, %and3A_1280 : i32
      %and3A_1282 = arith.constant 1 : i32
      %and3A_1283 = arith.andi %add3A_1275, %and3A_1282 : i32
      %shift_right_arithmetic3A_1284 = arith.constant 2 : i32
      %shift_right_arithmetic3A_1285 = arith.shrsi %and3A_1281, %shift_right_arithmetic3A_1284 : i32
      %and3A_1286 = arith.constant 3 : i32
      %and3A_1287 = arith.andi %and3A_1281, %and3A_1286 : i32
      %mul3A_1288 = arith.constant 128 : i32
      %mul3A_1289 = arith.muli %shift_right_arithmetic3A_1285, %mul3A_1288 : i32
      %mul3A_1290 = arith.constant 64 : i32
      %mul3A_1291 = arith.muli %and3A_1283, %mul3A_1290 : i32
      %add3A_1292 = arith.addi %mul3A_1289, %mul3A_1291 : i32
      %mul3A_1293 = arith.constant 128 : i32
      %mul3A_1294 = arith.muli %and3A_1287, %mul3A_1293 : i32
      %dma_start3A_1295 = arith.constant 5 : i32
      %dma_start3A_1296 = arith.constant 5 : i32
      %dma_start3A_1297 = arith.constant 0 : i32
      %dma_start3A_1298 = arith.constant 0 : i32
      %dma_start3A_1299 = tpu.memref_slice %arg7[%dma_start3A_1295, %dma_start3A_1297, %dma_start3A_1298] : memref<12x64x128xf32, #tpu.memory_space<vmem>> -> memref<1x64x128xf32, #tpu.memory_space<vmem>>
      %dma_start3A_1300 = tpu.memref_squeeze %dma_start3A_1299 : memref<1x64x128xf32, #tpu.memory_space<vmem>> -> memref<64x128xf32, #tpu.memory_space<vmem>>
      %dma_start3A_1301 = tpu.memref_slice %arg4[%add3A, %shift_right_arithmetic3A_1277, %add3A_1292, %mul3A_1294] : memref<32x3x512x512xf32, #tpu.memory_space<hbm>> -> memref<1x1x64x128xf32, #tpu.memory_space<hbm>>
      %dma_start3A_1302 = tpu.memref_squeeze %dma_start3A_1301 : memref<1x1x64x128xf32, #tpu.memory_space<hbm>> -> memref<64x128xf32, #tpu.memory_space<hbm>>
      %dma_start3A_1303 = tpu.memref_slice %arg9[%dma_start3A_1296] : memref<12x!tpu.dma_semaphore, #tpu.memory_space<semaphore_mem>> -> memref<1x!tpu.dma_semaphore, #tpu.memory_space<semaphore_mem>>
      %dma_start3A_1304 = tpu.memref_squeeze %dma_start3A_1303 : memref<1x!tpu.dma_semaphore, #tpu.memory_space<semaphore_mem>> -> memref<!tpu.dma_semaphore, #tpu.memory_space<semaphore_mem>>
      %dma_start3A_1305 = tpu.memref_slice %arg4[%add3A, %shift_right_arithmetic3A_1277, %add3A_1292, %mul3A_1294] : memref<32x3x512x512xf32, #tpu.memory_space<hbm>> -> memref<1x1x64x128xf32, #tpu.memory_space<hbm>>
      %dma_start3A_1306 = tpu.memref_squeeze %dma_start3A_1305 : memref<1x1x64x128xf32, #tpu.memory_space<hbm>> -> memref<64x128xf32, #tpu.memory_space<hbm>>
      %dma_start3A_1307 = arith.constant 0 : i32
      %dma_start3A_1308 = arith.constant 0 : i32
      %dma_start3A_1309 = tpu.memref_slice %arg7[%dma_start3A_1295, %dma_start3A_1307, %dma_start3A_1308] : memref<12x64x128xf32, #tpu.memory_space<vmem>> -> memref<1x64x128xf32, #tpu.memory_space<vmem>>
      %dma_start3A_1310 = tpu.memref_squeeze %dma_start3A_1309 : memref<1x64x128xf32, #tpu.memory_space<vmem>> -> memref<64x128xf32, #tpu.memory_space<vmem>>
      tpu.enqueue_dma source(%dma_start3A_1310 : memref<64x128xf32, #tpu.memory_space<vmem>>) target(%dma_start3A_1306 : memref<64x128xf32, #tpu.memory_space<hbm>>) target_semaphore(%dma_start3A_1304 : memref<!tpu.dma_semaphore, #tpu.memory_space<semaphore_mem>>)
      %dma_wait3A_1311 = arith.constant 0 : i32
      %dma_wait3A_1312 = arith.constant 6 : i32
      %dma_wait3A_1313 = arith.constant 6 : i32
      %dma_wait3A_1314 = arith.constant 0 : i32
      %dma_wait3A_1315 = arith.constant 0 : i32
      %dma_wait3A_1316 = tpu.memref_slice %arg7[%dma_wait3A_1312, %dma_wait3A_1314, %dma_wait3A_1315] : memref<12x64x128xf32, #tpu.memory_space<vmem>> -> memref<1x64x128xf32, #tpu.memory_space<vmem>>
      %dma_wait3A_1317 = tpu.memref_squeeze %dma_wait3A_1316 : memref<1x64x128xf32, #tpu.memory_space<vmem>> -> memref<64x128xf32, #tpu.memory_space<vmem>>
      %dma_wait3A_1318 = arith.constant 0 : i32
      %dma_wait3A_1319 = arith.constant 0 : i32
      %dma_wait3A_1320 = tpu.memref_slice %arg2[%add3A, %dma_wait3A_1311, %dma_wait3A_1318, %dma_wait3A_1319] : memref<32x3x512x512xf32, #tpu.memory_space<hbm>> -> memref<1x1x64x128xf32, #tpu.memory_space<hbm>>
      %dma_wait3A_1321 = tpu.memref_squeeze %dma_wait3A_1320 : memref<1x1x64x128xf32, #tpu.memory_space<hbm>> -> memref<64x128xf32, #tpu.memory_space<hbm>>
      %dma_wait3A_1322 = tpu.memref_slice %arg8[%dma_wait3A_1313] : memref<12x!tpu.dma_semaphore, #tpu.memory_space<semaphore_mem>> -> memref<1x!tpu.dma_semaphore, #tpu.memory_space<semaphore_mem>>
      %dma_wait3A_1323 = tpu.memref_squeeze %dma_wait3A_1322 : memref<1x!tpu.dma_semaphore, #tpu.memory_space<semaphore_mem>> -> memref<!tpu.dma_semaphore, #tpu.memory_space<semaphore_mem>>
      %dma_wait3A_1324 = arith.constant 0 : i32
      %dma_wait3A_1325 = arith.constant 0 : i32
      %dma_wait3A_1326 = tpu.memref_slice %arg7[%dma_wait3A_1312, %dma_wait3A_1324, %dma_wait3A_1325] : memref<12x64x128xf32, #tpu.memory_space<vmem>> -> memref<1x64x128xf32, #tpu.memory_space<vmem>>
      %dma_wait3A_1327 = tpu.memref_squeeze %dma_wait3A_1326 : memref<1x64x128xf32, #tpu.memory_space<vmem>> -> memref<64x128xf32, #tpu.memory_space<vmem>>
      %dma_wait3A_1328 = arith.constant 0 : i32
      %dma_wait3A_1329 = arith.constant 0 : i32
      %dma_wait3A_1330 = tpu.memref_slice %arg2[%add3A, %dma_wait3A_1311, %dma_wait3A_1328, %dma_wait3A_1329] : memref<32x3x512x512xf32, #tpu.memory_space<hbm>> -> memref<1x1x64x128xf32, #tpu.memory_space<hbm>>
      %dma_wait3A_1331 = tpu.memref_squeeze %dma_wait3A_1330 : memref<1x1x64x128xf32, #tpu.memory_space<hbm>> -> memref<64x128xf32, #tpu.memory_space<hbm>>
      tpu.wait_dma2 semaphore(%dma_wait3A_1323 : memref<!tpu.dma_semaphore, #tpu.memory_space<semaphore_mem>>) src(%dma_wait3A_1331 : memref<64x128xf32, #tpu.memory_space<hbm>>) dst(%dma_wait3A_1327 : memref<64x128xf32, #tpu.memory_space<vmem>>)
      %add3A_1332 = arith.constant 6 : i32
      %add3A_1333 = arith.addi %mul3A_962, %add3A_1332 : i32
      %shift_right_arithmetic3A_1334 = arith.constant 5 : i32
      %shift_right_arithmetic3A_1335 = arith.shrsi %add3A_1333, %shift_right_arithmetic3A_1334 : i32
      %shift_right_arithmetic3A_1336 = arith.constant 1 : i32
      %shift_right_arithmetic3A_1337 = arith.shrsi %add3A_1333, %shift_right_arithmetic3A_1336 : i32
      %and3A_1338 = arith.constant 15 : i32
      %and3A_1339 = arith.andi %shift_right_arithmetic3A_1337, %and3A_1338 : i32
      %and3A_1340 = arith.constant 1 : i32
      %and3A_1341 = arith.andi %add3A_1333, %and3A_1340 : i32
      %shift_right_arithmetic3A_1342 = arith.constant 2 : i32
      %shift_right_arithmetic3A_1343 = arith.shrsi %and3A_1339, %shift_right_arithmetic3A_1342 : i32
      %and3A_1344 = arith.constant 3 : i32
      %and3A_1345 = arith.andi %and3A_1339, %and3A_1344 : i32
      %mul3A_1346 = arith.constant 128 : i32
      %mul3A_1347 = arith.muli %shift_right_arithmetic3A_1343, %mul3A_1346 : i32
      %mul3A_1348 = arith.constant 64 : i32
      %mul3A_1349 = arith.muli %and3A_1341, %mul3A_1348 : i32
      %add3A_1350 = arith.addi %mul3A_1347, %mul3A_1349 : i32
      %mul3A_1351 = arith.constant 128 : i32
      %mul3A_1352 = arith.muli %and3A_1345, %mul3A_1351 : i32
      %dma_start3A_1353 = arith.constant 6 : i32
      %dma_start3A_1354 = arith.constant 6 : i32
      %dma_start3A_1355 = arith.constant 0 : i32
      %dma_start3A_1356 = arith.constant 0 : i32
      %dma_start3A_1357 = tpu.memref_slice %arg7[%dma_start3A_1353, %dma_start3A_1355, %dma_start3A_1356] : memref<12x64x128xf32, #tpu.memory_space<vmem>> -> memref<1x64x128xf32, #tpu.memory_space<vmem>>
      %dma_start3A_1358 = tpu.memref_squeeze %dma_start3A_1357 : memref<1x64x128xf32, #tpu.memory_space<vmem>> -> memref<64x128xf32, #tpu.memory_space<vmem>>
      %dma_start3A_1359 = tpu.memref_slice %arg4[%add3A, %shift_right_arithmetic3A_1335, %add3A_1350, %mul3A_1352] : memref<32x3x512x512xf32, #tpu.memory_space<hbm>> -> memref<1x1x64x128xf32, #tpu.memory_space<hbm>>
      %dma_start3A_1360 = tpu.memref_squeeze %dma_start3A_1359 : memref<1x1x64x128xf32, #tpu.memory_space<hbm>> -> memref<64x128xf32, #tpu.memory_space<hbm>>
      %dma_start3A_1361 = tpu.memref_slice %arg9[%dma_start3A_1354] : memref<12x!tpu.dma_semaphore, #tpu.memory_space<semaphore_mem>> -> memref<1x!tpu.dma_semaphore, #tpu.memory_space<semaphore_mem>>
      %dma_start3A_1362 = tpu.memref_squeeze %dma_start3A_1361 : memref<1x!tpu.dma_semaphore, #tpu.memory_space<semaphore_mem>> -> memref<!tpu.dma_semaphore, #tpu.memory_space<semaphore_mem>>
      %dma_start3A_1363 = tpu.memref_slice %arg4[%add3A, %shift_right_arithmetic3A_1335, %add3A_1350, %mul3A_1352] : memref<32x3x512x512xf32, #tpu.memory_space<hbm>> -> memref<1x1x64x128xf32, #tpu.memory_space<hbm>>
      %dma_start3A_1364 = tpu.memref_squeeze %dma_start3A_1363 : memref<1x1x64x128xf32, #tpu.memory_space<hbm>> -> memref<64x128xf32, #tpu.memory_space<hbm>>
      %dma_start3A_1365 = arith.constant 0 : i32
      %dma_start3A_1366 = arith.constant 0 : i32
      %dma_start3A_1367 = tpu.memref_slice %arg7[%dma_start3A_1353, %dma_start3A_1365, %dma_start3A_1366] : memref<12x64x128xf32, #tpu.memory_space<vmem>> -> memref<1x64x128xf32, #tpu.memory_space<vmem>>
      %dma_start3A_1368 = tpu.memref_squeeze %dma_start3A_1367 : memref<1x64x128xf32, #tpu.memory_space<vmem>> -> memref<64x128xf32, #tpu.memory_space<vmem>>
      tpu.enqueue_dma source(%dma_start3A_1368 : memref<64x128xf32, #tpu.memory_space<vmem>>) target(%dma_start3A_1364 : memref<64x128xf32, #tpu.memory_space<hbm>>) target_semaphore(%dma_start3A_1362 : memref<!tpu.dma_semaphore, #tpu.memory_space<semaphore_mem>>)
      %dma_wait3A_1369 = arith.constant 0 : i32
      %dma_wait3A_1370 = arith.constant 7 : i32
      %dma_wait3A_1371 = arith.constant 7 : i32
      %dma_wait3A_1372 = arith.constant 0 : i32
      %dma_wait3A_1373 = arith.constant 0 : i32
      %dma_wait3A_1374 = tpu.memref_slice %arg7[%dma_wait3A_1370, %dma_wait3A_1372, %dma_wait3A_1373] : memref<12x64x128xf32, #tpu.memory_space<vmem>> -> memref<1x64x128xf32, #tpu.memory_space<vmem>>
      %dma_wait3A_1375 = tpu.memref_squeeze %dma_wait3A_1374 : memref<1x64x128xf32, #tpu.memory_space<vmem>> -> memref<64x128xf32, #tpu.memory_space<vmem>>
      %dma_wait3A_1376 = arith.constant 0 : i32
      %dma_wait3A_1377 = arith.constant 0 : i32
      %dma_wait3A_1378 = tpu.memref_slice %arg2[%add3A, %dma_wait3A_1369, %dma_wait3A_1376, %dma_wait3A_1377] : memref<32x3x512x512xf32, #tpu.memory_space<hbm>> -> memref<1x1x64x128xf32, #tpu.memory_space<hbm>>
      %dma_wait3A_1379 = tpu.memref_squeeze %dma_wait3A_1378 : memref<1x1x64x128xf32, #tpu.memory_space<hbm>> -> memref<64x128xf32, #tpu.memory_space<hbm>>
      %dma_wait3A_1380 = tpu.memref_slice %arg8[%dma_wait3A_1371] : memref<12x!tpu.dma_semaphore, #tpu.memory_space<semaphore_mem>> -> memref<1x!tpu.dma_semaphore, #tpu.memory_space<semaphore_mem>>
      %dma_wait3A_1381 = tpu.memref_squeeze %dma_wait3A_1380 : memref<1x!tpu.dma_semaphore, #tpu.memory_space<semaphore_mem>> -> memref<!tpu.dma_semaphore, #tpu.memory_space<semaphore_mem>>
      %dma_wait3A_1382 = arith.constant 0 : i32
      %dma_wait3A_1383 = arith.constant 0 : i32
      %dma_wait3A_1384 = tpu.memref_slice %arg7[%dma_wait3A_1370, %dma_wait3A_1382, %dma_wait3A_1383] : memref<12x64x128xf32, #tpu.memory_space<vmem>> -> memref<1x64x128xf32, #tpu.memory_space<vmem>>
      %dma_wait3A_1385 = tpu.memref_squeeze %dma_wait3A_1384 : memref<1x64x128xf32, #tpu.memory_space<vmem>> -> memref<64x128xf32, #tpu.memory_space<vmem>>
      %dma_wait3A_1386 = arith.constant 0 : i32
      %dma_wait3A_1387 = arith.constant 0 : i32
      %dma_wait3A_1388 = tpu.memref_slice %arg2[%add3A, %dma_wait3A_1369, %dma_wait3A_1386, %dma_wait3A_1387] : memref<32x3x512x512xf32, #tpu.memory_space<hbm>> -> memref<1x1x64x128xf32, #tpu.memory_space<hbm>>
      %dma_wait3A_1389 = tpu.memref_squeeze %dma_wait3A_1388 : memref<1x1x64x128xf32, #tpu.memory_space<hbm>> -> memref<64x128xf32, #tpu.memory_space<hbm>>
      tpu.wait_dma2 semaphore(%dma_wait3A_1381 : memref<!tpu.dma_semaphore, #tpu.memory_space<semaphore_mem>>) src(%dma_wait3A_1389 : memref<64x128xf32, #tpu.memory_space<hbm>>) dst(%dma_wait3A_1385 : memref<64x128xf32, #tpu.memory_space<vmem>>)
      %add3A_1390 = arith.constant 7 : i32
      %add3A_1391 = arith.addi %mul3A_962, %add3A_1390 : i32
      %shift_right_arithmetic3A_1392 = arith.constant 5 : i32
      %shift_right_arithmetic3A_1393 = arith.shrsi %add3A_1391, %shift_right_arithmetic3A_1392 : i32
      %shift_right_arithmetic3A_1394 = arith.constant 1 : i32
      %shift_right_arithmetic3A_1395 = arith.shrsi %add3A_1391, %shift_right_arithmetic3A_1394 : i32
      %and3A_1396 = arith.constant 15 : i32
      %and3A_1397 = arith.andi %shift_right_arithmetic3A_1395, %and3A_1396 : i32
      %and3A_1398 = arith.constant 1 : i32
      %and3A_1399 = arith.andi %add3A_1391, %and3A_1398 : i32
      %shift_right_arithmetic3A_1400 = arith.constant 2 : i32
      %shift_right_arithmetic3A_1401 = arith.shrsi %and3A_1397, %shift_right_arithmetic3A_1400 : i32
      %and3A_1402 = arith.constant 3 : i32
      %and3A_1403 = arith.andi %and3A_1397, %and3A_1402 : i32
      %mul3A_1404 = arith.constant 128 : i32
      %mul3A_1405 = arith.muli %shift_right_arithmetic3A_1401, %mul3A_1404 : i32
      %mul3A_1406 = arith.constant 64 : i32
      %mul3A_1407 = arith.muli %and3A_1399, %mul3A_1406 : i32
      %add3A_1408 = arith.addi %mul3A_1405, %mul3A_1407 : i32
      %mul3A_1409 = arith.constant 128 : i32
      %mul3A_1410 = arith.muli %and3A_1403, %mul3A_1409 : i32
      %dma_start3A_1411 = arith.constant 7 : i32
      %dma_start3A_1412 = arith.constant 7 : i32
      %dma_start3A_1413 = arith.constant 0 : i32
      %dma_start3A_1414 = arith.constant 0 : i32
      %dma_start3A_1415 = tpu.memref_slice %arg7[%dma_start3A_1411, %dma_start3A_1413, %dma_start3A_1414] : memref<12x64x128xf32, #tpu.memory_space<vmem>> -> memref<1x64x128xf32, #tpu.memory_space<vmem>>
      %dma_start3A_1416 = tpu.memref_squeeze %dma_start3A_1415 : memref<1x64x128xf32, #tpu.memory_space<vmem>> -> memref<64x128xf32, #tpu.memory_space<vmem>>
      %dma_start3A_1417 = tpu.memref_slice %arg4[%add3A, %shift_right_arithmetic3A_1393, %add3A_1408, %mul3A_1410] : memref<32x3x512x512xf32, #tpu.memory_space<hbm>> -> memref<1x1x64x128xf32, #tpu.memory_space<hbm>>
      %dma_start3A_1418 = tpu.memref_squeeze %dma_start3A_1417 : memref<1x1x64x128xf32, #tpu.memory_space<hbm>> -> memref<64x128xf32, #tpu.memory_space<hbm>>
      %dma_start3A_1419 = tpu.memref_slice %arg9[%dma_start3A_1412] : memref<12x!tpu.dma_semaphore, #tpu.memory_space<semaphore_mem>> -> memref<1x!tpu.dma_semaphore, #tpu.memory_space<semaphore_mem>>
      %dma_start3A_1420 = tpu.memref_squeeze %dma_start3A_1419 : memref<1x!tpu.dma_semaphore, #tpu.memory_space<semaphore_mem>> -> memref<!tpu.dma_semaphore, #tpu.memory_space<semaphore_mem>>
      %dma_start3A_1421 = tpu.memref_slice %arg4[%add3A, %shift_right_arithmetic3A_1393, %add3A_1408, %mul3A_1410] : memref<32x3x512x512xf32, #tpu.memory_space<hbm>> -> memref<1x1x64x128xf32, #tpu.memory_space<hbm>>
      %dma_start3A_1422 = tpu.memref_squeeze %dma_start3A_1421 : memref<1x1x64x128xf32, #tpu.memory_space<hbm>> -> memref<64x128xf32, #tpu.memory_space<hbm>>
      %dma_start3A_1423 = arith.constant 0 : i32
      %dma_start3A_1424 = arith.constant 0 : i32
      %dma_start3A_1425 = tpu.memref_slice %arg7[%dma_start3A_1411, %dma_start3A_1423, %dma_start3A_1424] : memref<12x64x128xf32, #tpu.memory_space<vmem>> -> memref<1x64x128xf32, #tpu.memory_space<vmem>>
      %dma_start3A_1426 = tpu.memref_squeeze %dma_start3A_1425 : memref<1x64x128xf32, #tpu.memory_space<vmem>> -> memref<64x128xf32, #tpu.memory_space<vmem>>
      tpu.enqueue_dma source(%dma_start3A_1426 : memref<64x128xf32, #tpu.memory_space<vmem>>) target(%dma_start3A_1422 : memref<64x128xf32, #tpu.memory_space<hbm>>) target_semaphore(%dma_start3A_1420 : memref<!tpu.dma_semaphore, #tpu.memory_space<semaphore_mem>>)
      %dma_wait3A_1427 = arith.constant 0 : i32
      %dma_wait3A_1428 = arith.constant 8 : i32
      %dma_wait3A_1429 = arith.constant 8 : i32
      %dma_wait3A_1430 = arith.constant 0 : i32
      %dma_wait3A_1431 = arith.constant 0 : i32
      %dma_wait3A_1432 = tpu.memref_slice %arg7[%dma_wait3A_1428, %dma_wait3A_1430, %dma_wait3A_1431] : memref<12x64x128xf32, #tpu.memory_space<vmem>> -> memref<1x64x128xf32, #tpu.memory_space<vmem>>
      %dma_wait3A_1433 = tpu.memref_squeeze %dma_wait3A_1432 : memref<1x64x128xf32, #tpu.memory_space<vmem>> -> memref<64x128xf32, #tpu.memory_space<vmem>>
      %dma_wait3A_1434 = arith.constant 0 : i32
      %dma_wait3A_1435 = arith.constant 0 : i32
      %dma_wait3A_1436 = tpu.memref_slice %arg2[%add3A, %dma_wait3A_1427, %dma_wait3A_1434, %dma_wait3A_1435] : memref<32x3x512x512xf32, #tpu.memory_space<hbm>> -> memref<1x1x64x128xf32, #tpu.memory_space<hbm>>
      %dma_wait3A_1437 = tpu.memref_squeeze %dma_wait3A_1436 : memref<1x1x64x128xf32, #tpu.memory_space<hbm>> -> memref<64x128xf32, #tpu.memory_space<hbm>>
      %dma_wait3A_1438 = tpu.memref_slice %arg8[%dma_wait3A_1429] : memref<12x!tpu.dma_semaphore, #tpu.memory_space<semaphore_mem>> -> memref<1x!tpu.dma_semaphore, #tpu.memory_space<semaphore_mem>>
      %dma_wait3A_1439 = tpu.memref_squeeze %dma_wait3A_1438 : memref<1x!tpu.dma_semaphore, #tpu.memory_space<semaphore_mem>> -> memref<!tpu.dma_semaphore, #tpu.memory_space<semaphore_mem>>
      %dma_wait3A_1440 = arith.constant 0 : i32
      %dma_wait3A_1441 = arith.constant 0 : i32
      %dma_wait3A_1442 = tpu.memref_slice %arg7[%dma_wait3A_1428, %dma_wait3A_1440, %dma_wait3A_1441] : memref<12x64x128xf32, #tpu.memory_space<vmem>> -> memref<1x64x128xf32, #tpu.memory_space<vmem>>
      %dma_wait3A_1443 = tpu.memref_squeeze %dma_wait3A_1442 : memref<1x64x128xf32, #tpu.memory_space<vmem>> -> memref<64x128xf32, #tpu.memory_space<vmem>>
      %dma_wait3A_1444 = arith.constant 0 : i32
      %dma_wait3A_1445 = arith.constant 0 : i32
      %dma_wait3A_1446 = tpu.memref_slice %arg2[%add3A, %dma_wait3A_1427, %dma_wait3A_1444, %dma_wait3A_1445] : memref<32x3x512x512xf32, #tpu.memory_space<hbm>> -> memref<1x1x64x128xf32, #tpu.memory_space<hbm>>
      %dma_wait3A_1447 = tpu.memref_squeeze %dma_wait3A_1446 : memref<1x1x64x128xf32, #tpu.memory_space<hbm>> -> memref<64x128xf32, #tpu.memory_space<hbm>>
      tpu.wait_dma2 semaphore(%dma_wait3A_1439 : memref<!tpu.dma_semaphore, #tpu.memory_space<semaphore_mem>>) src(%dma_wait3A_1447 : memref<64x128xf32, #tpu.memory_space<hbm>>) dst(%dma_wait3A_1443 : memref<64x128xf32, #tpu.memory_space<vmem>>)
      %add3A_1448 = arith.constant 8 : i32
      %add3A_1449 = arith.addi %mul3A_962, %add3A_1448 : i32
      %shift_right_arithmetic3A_1450 = arith.constant 5 : i32
      %shift_right_arithmetic3A_1451 = arith.shrsi %add3A_1449, %shift_right_arithmetic3A_1450 : i32
      %shift_right_arithmetic3A_1452 = arith.constant 1 : i32
      %shift_right_arithmetic3A_1453 = arith.shrsi %add3A_1449, %shift_right_arithmetic3A_1452 : i32
      %and3A_1454 = arith.constant 15 : i32
      %and3A_1455 = arith.andi %shift_right_arithmetic3A_1453, %and3A_1454 : i32
      %and3A_1456 = arith.constant 1 : i32
      %and3A_1457 = arith.andi %add3A_1449, %and3A_1456 : i32
      %shift_right_arithmetic3A_1458 = arith.constant 2 : i32
      %shift_right_arithmetic3A_1459 = arith.shrsi %and3A_1455, %shift_right_arithmetic3A_1458 : i32
      %and3A_1460 = arith.constant 3 : i32
      %and3A_1461 = arith.andi %and3A_1455, %and3A_1460 : i32
      %mul3A_1462 = arith.constant 128 : i32
      %mul3A_1463 = arith.muli %shift_right_arithmetic3A_1459, %mul3A_1462 : i32
      %mul3A_1464 = arith.constant 64 : i32
      %mul3A_1465 = arith.muli %and3A_1457, %mul3A_1464 : i32
      %add3A_1466 = arith.addi %mul3A_1463, %mul3A_1465 : i32
      %mul3A_1467 = arith.constant 128 : i32
      %mul3A_1468 = arith.muli %and3A_1461, %mul3A_1467 : i32
      %dma_start3A_1469 = arith.constant 8 : i32
      %dma_start3A_1470 = arith.constant 8 : i32
      %dma_start3A_1471 = arith.constant 0 : i32
      %dma_start3A_1472 = arith.constant 0 : i32
      %dma_start3A_1473 = tpu.memref_slice %arg7[%dma_start3A_1469, %dma_start3A_1471, %dma_start3A_1472] : memref<12x64x128xf32, #tpu.memory_space<vmem>> -> memref<1x64x128xf32, #tpu.memory_space<vmem>>
      %dma_start3A_1474 = tpu.memref_squeeze %dma_start3A_1473 : memref<1x64x128xf32, #tpu.memory_space<vmem>> -> memref<64x128xf32, #tpu.memory_space<vmem>>
      %dma_start3A_1475 = tpu.memref_slice %arg4[%add3A, %shift_right_arithmetic3A_1451, %add3A_1466, %mul3A_1468] : memref<32x3x512x512xf32, #tpu.memory_space<hbm>> -> memref<1x1x64x128xf32, #tpu.memory_space<hbm>>
      %dma_start3A_1476 = tpu.memref_squeeze %dma_start3A_1475 : memref<1x1x64x128xf32, #tpu.memory_space<hbm>> -> memref<64x128xf32, #tpu.memory_space<hbm>>
      %dma_start3A_1477 = tpu.memref_slice %arg9[%dma_start3A_1470] : memref<12x!tpu.dma_semaphore, #tpu.memory_space<semaphore_mem>> -> memref<1x!tpu.dma_semaphore, #tpu.memory_space<semaphore_mem>>
      %dma_start3A_1478 = tpu.memref_squeeze %dma_start3A_1477 : memref<1x!tpu.dma_semaphore, #tpu.memory_space<semaphore_mem>> -> memref<!tpu.dma_semaphore, #tpu.memory_space<semaphore_mem>>
      %dma_start3A_1479 = tpu.memref_slice %arg4[%add3A, %shift_right_arithmetic3A_1451, %add3A_1466, %mul3A_1468] : memref<32x3x512x512xf32, #tpu.memory_space<hbm>> -> memref<1x1x64x128xf32, #tpu.memory_space<hbm>>
      %dma_start3A_1480 = tpu.memref_squeeze %dma_start3A_1479 : memref<1x1x64x128xf32, #tpu.memory_space<hbm>> -> memref<64x128xf32, #tpu.memory_space<hbm>>
      %dma_start3A_1481 = arith.constant 0 : i32
      %dma_start3A_1482 = arith.constant 0 : i32
      %dma_start3A_1483 = tpu.memref_slice %arg7[%dma_start3A_1469, %dma_start3A_1481, %dma_start3A_1482] : memref<12x64x128xf32, #tpu.memory_space<vmem>> -> memref<1x64x128xf32, #tpu.memory_space<vmem>>
      %dma_start3A_1484 = tpu.memref_squeeze %dma_start3A_1483 : memref<1x64x128xf32, #tpu.memory_space<vmem>> -> memref<64x128xf32, #tpu.memory_space<vmem>>
      tpu.enqueue_dma source(%dma_start3A_1484 : memref<64x128xf32, #tpu.memory_space<vmem>>) target(%dma_start3A_1480 : memref<64x128xf32, #tpu.memory_space<hbm>>) target_semaphore(%dma_start3A_1478 : memref<!tpu.dma_semaphore, #tpu.memory_space<semaphore_mem>>)
      %dma_wait3A_1485 = arith.constant 0 : i32
      %dma_wait3A_1486 = arith.constant 9 : i32
      %dma_wait3A_1487 = arith.constant 9 : i32
      %dma_wait3A_1488 = arith.constant 0 : i32
      %dma_wait3A_1489 = arith.constant 0 : i32
      %dma_wait3A_1490 = tpu.memref_slice %arg7[%dma_wait3A_1486, %dma_wait3A_1488, %dma_wait3A_1489] : memref<12x64x128xf32, #tpu.memory_space<vmem>> -> memref<1x64x128xf32, #tpu.memory_space<vmem>>
      %dma_wait3A_1491 = tpu.memref_squeeze %dma_wait3A_1490 : memref<1x64x128xf32, #tpu.memory_space<vmem>> -> memref<64x128xf32, #tpu.memory_space<vmem>>
      %dma_wait3A_1492 = arith.constant 0 : i32
      %dma_wait3A_1493 = arith.constant 0 : i32
      %dma_wait3A_1494 = tpu.memref_slice %arg2[%add3A, %dma_wait3A_1485, %dma_wait3A_1492, %dma_wait3A_1493] : memref<32x3x512x512xf32, #tpu.memory_space<hbm>> -> memref<1x1x64x128xf32, #tpu.memory_space<hbm>>
      %dma_wait3A_1495 = tpu.memref_squeeze %dma_wait3A_1494 : memref<1x1x64x128xf32, #tpu.memory_space<hbm>> -> memref<64x128xf32, #tpu.memory_space<hbm>>
      %dma_wait3A_1496 = tpu.memref_slice %arg8[%dma_wait3A_1487] : memref<12x!tpu.dma_semaphore, #tpu.memory_space<semaphore_mem>> -> memref<1x!tpu.dma_semaphore, #tpu.memory_space<semaphore_mem>>
      %dma_wait3A_1497 = tpu.memref_squeeze %dma_wait3A_1496 : memref<1x!tpu.dma_semaphore, #tpu.memory_space<semaphore_mem>> -> memref<!tpu.dma_semaphore, #tpu.memory_space<semaphore_mem>>
      %dma_wait3A_1498 = arith.constant 0 : i32
      %dma_wait3A_1499 = arith.constant 0 : i32
      %dma_wait3A_1500 = tpu.memref_slice %arg7[%dma_wait3A_1486, %dma_wait3A_1498, %dma_wait3A_1499] : memref<12x64x128xf32, #tpu.memory_space<vmem>> -> memref<1x64x128xf32, #tpu.memory_space<vmem>>
      %dma_wait3A_1501 = tpu.memref_squeeze %dma_wait3A_1500 : memref<1x64x128xf32, #tpu.memory_space<vmem>> -> memref<64x128xf32, #tpu.memory_space<vmem>>
      %dma_wait3A_1502 = arith.constant 0 : i32
      %dma_wait3A_1503 = arith.constant 0 : i32
      %dma_wait3A_1504 = tpu.memref_slice %arg2[%add3A, %dma_wait3A_1485, %dma_wait3A_1502, %dma_wait3A_1503] : memref<32x3x512x512xf32, #tpu.memory_space<hbm>> -> memref<1x1x64x128xf32, #tpu.memory_space<hbm>>
      %dma_wait3A_1505 = tpu.memref_squeeze %dma_wait3A_1504 : memref<1x1x64x128xf32, #tpu.memory_space<hbm>> -> memref<64x128xf32, #tpu.memory_space<hbm>>
      tpu.wait_dma2 semaphore(%dma_wait3A_1497 : memref<!tpu.dma_semaphore, #tpu.memory_space<semaphore_mem>>) src(%dma_wait3A_1505 : memref<64x128xf32, #tpu.memory_space<hbm>>) dst(%dma_wait3A_1501 : memref<64x128xf32, #tpu.memory_space<vmem>>)
      %add3A_1506 = arith.constant 9 : i32
      %add3A_1507 = arith.addi %mul3A_962, %add3A_1506 : i32
      %shift_right_arithmetic3A_1508 = arith.constant 5 : i32
      %shift_right_arithmetic3A_1509 = arith.shrsi %add3A_1507, %shift_right_arithmetic3A_1508 : i32
      %shift_right_arithmetic3A_1510 = arith.constant 1 : i32
      %shift_right_arithmetic3A_1511 = arith.shrsi %add3A_1507, %shift_right_arithmetic3A_1510 : i32
      %and3A_1512 = arith.constant 15 : i32
      %and3A_1513 = arith.andi %shift_right_arithmetic3A_1511, %and3A_1512 : i32
      %and3A_1514 = arith.constant 1 : i32
      %and3A_1515 = arith.andi %add3A_1507, %and3A_1514 : i32
      %shift_right_arithmetic3A_1516 = arith.constant 2 : i32
      %shift_right_arithmetic3A_1517 = arith.shrsi %and3A_1513, %shift_right_arithmetic3A_1516 : i32
      %and3A_1518 = arith.constant 3 : i32
      %and3A_1519 = arith.andi %and3A_1513, %and3A_1518 : i32
      %mul3A_1520 = arith.constant 128 : i32
      %mul3A_1521 = arith.muli %shift_right_arithmetic3A_1517, %mul3A_1520 : i32
      %mul3A_1522 = arith.constant 64 : i32
      %mul3A_1523 = arith.muli %and3A_1515, %mul3A_1522 : i32
      %add3A_1524 = arith.addi %mul3A_1521, %mul3A_1523 : i32
      %mul3A_1525 = arith.constant 128 : i32
      %mul3A_1526 = arith.muli %and3A_1519, %mul3A_1525 : i32
      %dma_start3A_1527 = arith.constant 9 : i32
      %dma_start3A_1528 = arith.constant 9 : i32
      %dma_start3A_1529 = arith.constant 0 : i32
      %dma_start3A_1530 = arith.constant 0 : i32
      %dma_start3A_1531 = tpu.memref_slice %arg7[%dma_start3A_1527, %dma_start3A_1529, %dma_start3A_1530] : memref<12x64x128xf32, #tpu.memory_space<vmem>> -> memref<1x64x128xf32, #tpu.memory_space<vmem>>
      %dma_start3A_1532 = tpu.memref_squeeze %dma_start3A_1531 : memref<1x64x128xf32, #tpu.memory_space<vmem>> -> memref<64x128xf32, #tpu.memory_space<vmem>>
      %dma_start3A_1533 = tpu.memref_slice %arg4[%add3A, %shift_right_arithmetic3A_1509, %add3A_1524, %mul3A_1526] : memref<32x3x512x512xf32, #tpu.memory_space<hbm>> -> memref<1x1x64x128xf32, #tpu.memory_space<hbm>>
      %dma_start3A_1534 = tpu.memref_squeeze %dma_start3A_1533 : memref<1x1x64x128xf32, #tpu.memory_space<hbm>> -> memref<64x128xf32, #tpu.memory_space<hbm>>
      %dma_start3A_1535 = tpu.memref_slice %arg9[%dma_start3A_1528] : memref<12x!tpu.dma_semaphore, #tpu.memory_space<semaphore_mem>> -> memref<1x!tpu.dma_semaphore, #tpu.memory_space<semaphore_mem>>
      %dma_start3A_1536 = tpu.memref_squeeze %dma_start3A_1535 : memref<1x!tpu.dma_semaphore, #tpu.memory_space<semaphore_mem>> -> memref<!tpu.dma_semaphore, #tpu.memory_space<semaphore_mem>>
      %dma_start3A_1537 = tpu.memref_slice %arg4[%add3A, %shift_right_arithmetic3A_1509, %add3A_1524, %mul3A_1526] : memref<32x3x512x512xf32, #tpu.memory_space<hbm>> -> memref<1x1x64x128xf32, #tpu.memory_space<hbm>>
      %dma_start3A_1538 = tpu.memref_squeeze %dma_start3A_1537 : memref<1x1x64x128xf32, #tpu.memory_space<hbm>> -> memref<64x128xf32, #tpu.memory_space<hbm>>
      %dma_start3A_1539 = arith.constant 0 : i32
      %dma_start3A_1540 = arith.constant 0 : i32
      %dma_start3A_1541 = tpu.memref_slice %arg7[%dma_start3A_1527, %dma_start3A_1539, %dma_start3A_1540] : memref<12x64x128xf32, #tpu.memory_space<vmem>> -> memref<1x64x128xf32, #tpu.memory_space<vmem>>
      %dma_start3A_1542 = tpu.memref_squeeze %dma_start3A_1541 : memref<1x64x128xf32, #tpu.memory_space<vmem>> -> memref<64x128xf32, #tpu.memory_space<vmem>>
      tpu.enqueue_dma source(%dma_start3A_1542 : memref<64x128xf32, #tpu.memory_space<vmem>>) target(%dma_start3A_1538 : memref<64x128xf32, #tpu.memory_space<hbm>>) target_semaphore(%dma_start3A_1536 : memref<!tpu.dma_semaphore, #tpu.memory_space<semaphore_mem>>)
      %dma_wait3A_1543 = arith.constant 0 : i32
      %dma_wait3A_1544 = arith.constant 10 : i32
      %dma_wait3A_1545 = arith.constant 10 : i32
      %dma_wait3A_1546 = arith.constant 0 : i32
      %dma_wait3A_1547 = arith.constant 0 : i32
      %dma_wait3A_1548 = tpu.memref_slice %arg7[%dma_wait3A_1544, %dma_wait3A_1546, %dma_wait3A_1547] : memref<12x64x128xf32, #tpu.memory_space<vmem>> -> memref<1x64x128xf32, #tpu.memory_space<vmem>>
      %dma_wait3A_1549 = tpu.memref_squeeze %dma_wait3A_1548 : memref<1x64x128xf32, #tpu.memory_space<vmem>> -> memref<64x128xf32, #tpu.memory_space<vmem>>
      %dma_wait3A_1550 = arith.constant 0 : i32
      %dma_wait3A_1551 = arith.constant 0 : i32
      %dma_wait3A_1552 = tpu.memref_slice %arg2[%add3A, %dma_wait3A_1543, %dma_wait3A_1550, %dma_wait3A_1551] : memref<32x3x512x512xf32, #tpu.memory_space<hbm>> -> memref<1x1x64x128xf32, #tpu.memory_space<hbm>>
      %dma_wait3A_1553 = tpu.memref_squeeze %dma_wait3A_1552 : memref<1x1x64x128xf32, #tpu.memory_space<hbm>> -> memref<64x128xf32, #tpu.memory_space<hbm>>
      %dma_wait3A_1554 = tpu.memref_slice %arg8[%dma_wait3A_1545] : memref<12x!tpu.dma_semaphore, #tpu.memory_space<semaphore_mem>> -> memref<1x!tpu.dma_semaphore, #tpu.memory_space<semaphore_mem>>
      %dma_wait3A_1555 = tpu.memref_squeeze %dma_wait3A_1554 : memref<1x!tpu.dma_semaphore, #tpu.memory_space<semaphore_mem>> -> memref<!tpu.dma_semaphore, #tpu.memory_space<semaphore_mem>>
      %dma_wait3A_1556 = arith.constant 0 : i32
      %dma_wait3A_1557 = arith.constant 0 : i32
      %dma_wait3A_1558 = tpu.memref_slice %arg7[%dma_wait3A_1544, %dma_wait3A_1556, %dma_wait3A_1557] : memref<12x64x128xf32, #tpu.memory_space<vmem>> -> memref<1x64x128xf32, #tpu.memory_space<vmem>>
      %dma_wait3A_1559 = tpu.memref_squeeze %dma_wait3A_1558 : memref<1x64x128xf32, #tpu.memory_space<vmem>> -> memref<64x128xf32, #tpu.memory_space<vmem>>
      %dma_wait3A_1560 = arith.constant 0 : i32
      %dma_wait3A_1561 = arith.constant 0 : i32
      %dma_wait3A_1562 = tpu.memref_slice %arg2[%add3A, %dma_wait3A_1543, %dma_wait3A_1560, %dma_wait3A_1561] : memref<32x3x512x512xf32, #tpu.memory_space<hbm>> -> memref<1x1x64x128xf32, #tpu.memory_space<hbm>>
      %dma_wait3A_1563 = tpu.memref_squeeze %dma_wait3A_1562 : memref<1x1x64x128xf32, #tpu.memory_space<hbm>> -> memref<64x128xf32, #tpu.memory_space<hbm>>
      tpu.wait_dma2 semaphore(%dma_wait3A_1555 : memref<!tpu.dma_semaphore, #tpu.memory_space<semaphore_mem>>) src(%dma_wait3A_1563 : memref<64x128xf32, #tpu.memory_space<hbm>>) dst(%dma_wait3A_1559 : memref<64x128xf32, #tpu.memory_space<vmem>>)
      %add3A_1564 = arith.constant 10 : i32
      %add3A_1565 = arith.addi %mul3A_962, %add3A_1564 : i32
      %shift_right_arithmetic3A_1566 = arith.constant 5 : i32
      %shift_right_arithmetic3A_1567 = arith.shrsi %add3A_1565, %shift_right_arithmetic3A_1566 : i32
      %shift_right_arithmetic3A_1568 = arith.constant 1 : i32
      %shift_right_arithmetic3A_1569 = arith.shrsi %add3A_1565, %shift_right_arithmetic3A_1568 : i32
      %and3A_1570 = arith.constant 15 : i32
      %and3A_1571 = arith.andi %shift_right_arithmetic3A_1569, %and3A_1570 : i32
      %and3A_1572 = arith.constant 1 : i32
      %and3A_1573 = arith.andi %add3A_1565, %and3A_1572 : i32
      %shift_right_arithmetic3A_1574 = arith.constant 2 : i32
      %shift_right_arithmetic3A_1575 = arith.shrsi %and3A_1571, %shift_right_arithmetic3A_1574 : i32
      %and3A_1576 = arith.constant 3 : i32
      %and3A_1577 = arith.andi %and3A_1571, %and3A_1576 : i32
      %mul3A_1578 = arith.constant 128 : i32
      %mul3A_1579 = arith.muli %shift_right_arithmetic3A_1575, %mul3A_1578 : i32
      %mul3A_1580 = arith.constant 64 : i32
      %mul3A_1581 = arith.muli %and3A_1573, %mul3A_1580 : i32
      %add3A_1582 = arith.addi %mul3A_1579, %mul3A_1581 : i32
      %mul3A_1583 = arith.constant 128 : i32
      %mul3A_1584 = arith.muli %and3A_1577, %mul3A_1583 : i32
      %dma_start3A_1585 = arith.constant 10 : i32
      %dma_start3A_1586 = arith.constant 10 : i32
      %dma_start3A_1587 = arith.constant 0 : i32
      %dma_start3A_1588 = arith.constant 0 : i32
      %dma_start3A_1589 = tpu.memref_slice %arg7[%dma_start3A_1585, %dma_start3A_1587, %dma_start3A_1588] : memref<12x64x128xf32, #tpu.memory_space<vmem>> -> memref<1x64x128xf32, #tpu.memory_space<vmem>>
      %dma_start3A_1590 = tpu.memref_squeeze %dma_start3A_1589 : memref<1x64x128xf32, #tpu.memory_space<vmem>> -> memref<64x128xf32, #tpu.memory_space<vmem>>
      %dma_start3A_1591 = tpu.memref_slice %arg4[%add3A, %shift_right_arithmetic3A_1567, %add3A_1582, %mul3A_1584] : memref<32x3x512x512xf32, #tpu.memory_space<hbm>> -> memref<1x1x64x128xf32, #tpu.memory_space<hbm>>
      %dma_start3A_1592 = tpu.memref_squeeze %dma_start3A_1591 : memref<1x1x64x128xf32, #tpu.memory_space<hbm>> -> memref<64x128xf32, #tpu.memory_space<hbm>>
      %dma_start3A_1593 = tpu.memref_slice %arg9[%dma_start3A_1586] : memref<12x!tpu.dma_semaphore, #tpu.memory_space<semaphore_mem>> -> memref<1x!tpu.dma_semaphore, #tpu.memory_space<semaphore_mem>>
      %dma_start3A_1594 = tpu.memref_squeeze %dma_start3A_1593 : memref<1x!tpu.dma_semaphore, #tpu.memory_space<semaphore_mem>> -> memref<!tpu.dma_semaphore, #tpu.memory_space<semaphore_mem>>
      %dma_start3A_1595 = tpu.memref_slice %arg4[%add3A, %shift_right_arithmetic3A_1567, %add3A_1582, %mul3A_1584] : memref<32x3x512x512xf32, #tpu.memory_space<hbm>> -> memref<1x1x64x128xf32, #tpu.memory_space<hbm>>
      %dma_start3A_1596 = tpu.memref_squeeze %dma_start3A_1595 : memref<1x1x64x128xf32, #tpu.memory_space<hbm>> -> memref<64x128xf32, #tpu.memory_space<hbm>>
      %dma_start3A_1597 = arith.constant 0 : i32
      %dma_start3A_1598 = arith.constant 0 : i32
      %dma_start3A_1599 = tpu.memref_slice %arg7[%dma_start3A_1585, %dma_start3A_1597, %dma_start3A_1598] : memref<12x64x128xf32, #tpu.memory_space<vmem>> -> memref<1x64x128xf32, #tpu.memory_space<vmem>>
      %dma_start3A_1600 = tpu.memref_squeeze %dma_start3A_1599 : memref<1x64x128xf32, #tpu.memory_space<vmem>> -> memref<64x128xf32, #tpu.memory_space<vmem>>
      tpu.enqueue_dma source(%dma_start3A_1600 : memref<64x128xf32, #tpu.memory_space<vmem>>) target(%dma_start3A_1596 : memref<64x128xf32, #tpu.memory_space<hbm>>) target_semaphore(%dma_start3A_1594 : memref<!tpu.dma_semaphore, #tpu.memory_space<semaphore_mem>>)
      %dma_wait3A_1601 = arith.constant 0 : i32
      %dma_wait3A_1602 = arith.constant 11 : i32
      %dma_wait3A_1603 = arith.constant 11 : i32
      %dma_wait3A_1604 = arith.constant 0 : i32
      %dma_wait3A_1605 = arith.constant 0 : i32
      %dma_wait3A_1606 = tpu.memref_slice %arg7[%dma_wait3A_1602, %dma_wait3A_1604, %dma_wait3A_1605] : memref<12x64x128xf32, #tpu.memory_space<vmem>> -> memref<1x64x128xf32, #tpu.memory_space<vmem>>
      %dma_wait3A_1607 = tpu.memref_squeeze %dma_wait3A_1606 : memref<1x64x128xf32, #tpu.memory_space<vmem>> -> memref<64x128xf32, #tpu.memory_space<vmem>>
      %dma_wait3A_1608 = arith.constant 0 : i32
      %dma_wait3A_1609 = arith.constant 0 : i32
      %dma_wait3A_1610 = tpu.memref_slice %arg2[%add3A, %dma_wait3A_1601, %dma_wait3A_1608, %dma_wait3A_1609] : memref<32x3x512x512xf32, #tpu.memory_space<hbm>> -> memref<1x1x64x128xf32, #tpu.memory_space<hbm>>
      %dma_wait3A_1611 = tpu.memref_squeeze %dma_wait3A_1610 : memref<1x1x64x128xf32, #tpu.memory_space<hbm>> -> memref<64x128xf32, #tpu.memory_space<hbm>>
      %dma_wait3A_1612 = tpu.memref_slice %arg8[%dma_wait3A_1603] : memref<12x!tpu.dma_semaphore, #tpu.memory_space<semaphore_mem>> -> memref<1x!tpu.dma_semaphore, #tpu.memory_space<semaphore_mem>>
      %dma_wait3A_1613 = tpu.memref_squeeze %dma_wait3A_1612 : memref<1x!tpu.dma_semaphore, #tpu.memory_space<semaphore_mem>> -> memref<!tpu.dma_semaphore, #tpu.memory_space<semaphore_mem>>
      %dma_wait3A_1614 = arith.constant 0 : i32
      %dma_wait3A_1615 = arith.constant 0 : i32
      %dma_wait3A_1616 = tpu.memref_slice %arg7[%dma_wait3A_1602, %dma_wait3A_1614, %dma_wait3A_1615] : memref<12x64x128xf32, #tpu.memory_space<vmem>> -> memref<1x64x128xf32, #tpu.memory_space<vmem>>
      %dma_wait3A_1617 = tpu.memref_squeeze %dma_wait3A_1616 : memref<1x64x128xf32, #tpu.memory_space<vmem>> -> memref<64x128xf32, #tpu.memory_space<vmem>>
      %dma_wait3A_1618 = arith.constant 0 : i32
      %dma_wait3A_1619 = arith.constant 0 : i32
      %dma_wait3A_1620 = tpu.memref_slice %arg2[%add3A, %dma_wait3A_1601, %dma_wait3A_1618, %dma_wait3A_1619] : memref<32x3x512x512xf32, #tpu.memory_space<hbm>> -> memref<1x1x64x128xf32, #tpu.memory_space<hbm>>
      %dma_wait3A_1621 = tpu.memref_squeeze %dma_wait3A_1620 : memref<1x1x64x128xf32, #tpu.memory_space<hbm>> -> memref<64x128xf32, #tpu.memory_space<hbm>>
      tpu.wait_dma2 semaphore(%dma_wait3A_1613 : memref<!tpu.dma_semaphore, #tpu.memory_space<semaphore_mem>>) src(%dma_wait3A_1621 : memref<64x128xf32, #tpu.memory_space<hbm>>) dst(%dma_wait3A_1617 : memref<64x128xf32, #tpu.memory_space<vmem>>)
      %add3A_1622 = arith.constant 11 : i32
      %add3A_1623 = arith.addi %mul3A_962, %add3A_1622 : i32
      %shift_right_arithmetic3A_1624 = arith.constant 5 : i32
      %shift_right_arithmetic3A_1625 = arith.shrsi %add3A_1623, %shift_right_arithmetic3A_1624 : i32
      %shift_right_arithmetic3A_1626 = arith.constant 1 : i32
      %shift_right_arithmetic3A_1627 = arith.shrsi %add3A_1623, %shift_right_arithmetic3A_1626 : i32
      %and3A_1628 = arith.constant 15 : i32
      %and3A_1629 = arith.andi %shift_right_arithmetic3A_1627, %and3A_1628 : i32
      %and3A_1630 = arith.constant 1 : i32
      %and3A_1631 = arith.andi %add3A_1623, %and3A_1630 : i32
      %shift_right_arithmetic3A_1632 = arith.constant 2 : i32
      %shift_right_arithmetic3A_1633 = arith.shrsi %and3A_1629, %shift_right_arithmetic3A_1632 : i32
      %and3A_1634 = arith.constant 3 : i32
      %and3A_1635 = arith.andi %and3A_1629, %and3A_1634 : i32
      %mul3A_1636 = arith.constant 128 : i32
      %mul3A_1637 = arith.muli %shift_right_arithmetic3A_1633, %mul3A_1636 : i32
      %mul3A_1638 = arith.constant 64 : i32
      %mul3A_1639 = arith.muli %and3A_1631, %mul3A_1638 : i32
      %add3A_1640 = arith.addi %mul3A_1637, %mul3A_1639 : i32
      %mul3A_1641 = arith.constant 128 : i32
      %mul3A_1642 = arith.muli %and3A_1635, %mul3A_1641 : i32
      %dma_start3A_1643 = arith.constant 11 : i32
      %dma_start3A_1644 = arith.constant 11 : i32
      %dma_start3A_1645 = arith.constant 0 : i32
      %dma_start3A_1646 = arith.constant 0 : i32
      %dma_start3A_1647 = tpu.memref_slice %arg7[%dma_start3A_1643, %dma_start3A_1645, %dma_start3A_1646] : memref<12x64x128xf32, #tpu.memory_space<vmem>> -> memref<1x64x128xf32, #tpu.memory_space<vmem>>
      %dma_start3A_1648 = tpu.memref_squeeze %dma_start3A_1647 : memref<1x64x128xf32, #tpu.memory_space<vmem>> -> memref<64x128xf32, #tpu.memory_space<vmem>>
      %dma_start3A_1649 = tpu.memref_slice %arg4[%add3A, %shift_right_arithmetic3A_1625, %add3A_1640, %mul3A_1642] : memref<32x3x512x512xf32, #tpu.memory_space<hbm>> -> memref<1x1x64x128xf32, #tpu.memory_space<hbm>>
      %dma_start3A_1650 = tpu.memref_squeeze %dma_start3A_1649 : memref<1x1x64x128xf32, #tpu.memory_space<hbm>> -> memref<64x128xf32, #tpu.memory_space<hbm>>
      %dma_start3A_1651 = tpu.memref_slice %arg9[%dma_start3A_1644] : memref<12x!tpu.dma_semaphore, #tpu.memory_space<semaphore_mem>> -> memref<1x!tpu.dma_semaphore, #tpu.memory_space<semaphore_mem>>
      %dma_start3A_1652 = tpu.memref_squeeze %dma_start3A_1651 : memref<1x!tpu.dma_semaphore, #tpu.memory_space<semaphore_mem>> -> memref<!tpu.dma_semaphore, #tpu.memory_space<semaphore_mem>>
      %dma_start3A_1653 = tpu.memref_slice %arg4[%add3A, %shift_right_arithmetic3A_1625, %add3A_1640, %mul3A_1642] : memref<32x3x512x512xf32, #tpu.memory_space<hbm>> -> memref<1x1x64x128xf32, #tpu.memory_space<hbm>>
      %dma_start3A_1654 = tpu.memref_squeeze %dma_start3A_1653 : memref<1x1x64x128xf32, #tpu.memory_space<hbm>> -> memref<64x128xf32, #tpu.memory_space<hbm>>
      %dma_start3A_1655 = arith.constant 0 : i32
      %dma_start3A_1656 = arith.constant 0 : i32
      %dma_start3A_1657 = tpu.memref_slice %arg7[%dma_start3A_1643, %dma_start3A_1655, %dma_start3A_1656] : memref<12x64x128xf32, #tpu.memory_space<vmem>> -> memref<1x64x128xf32, #tpu.memory_space<vmem>>
      %dma_start3A_1658 = tpu.memref_squeeze %dma_start3A_1657 : memref<1x64x128xf32, #tpu.memory_space<vmem>> -> memref<64x128xf32, #tpu.memory_space<vmem>>
      tpu.enqueue_dma source(%dma_start3A_1658 : memref<64x128xf32, #tpu.memory_space<vmem>>) target(%dma_start3A_1654 : memref<64x128xf32, #tpu.memory_space<hbm>>) target_semaphore(%dma_start3A_1652 : memref<!tpu.dma_semaphore, #tpu.memory_space<semaphore_mem>>)
      %lt3A_1659 = arith.constant 7 : i32
      %lt3A_1660 = arith.cmpi slt, %scan3A_960, %lt3A_1659 : i32
      %convert_element_type3A = arith.extui %lt3A_1660 : i1 to i32
      %cond3A = arith.constant 0 : i32
      %cond3A_1661 = arith.cmpi ne, %convert_element_type3A, %cond3A : i32
      scf.if %cond3A_1661 {
        %dma_wait3A_1662 = arith.constant 0 : i32
        %dma_wait3A_1663 = arith.constant 0 : i32
        %dma_wait3A_1664 = arith.constant 0 : i32
        %dma_wait3A_1665 = arith.constant 0 : i32
        %dma_wait3A_1666 = arith.constant 0 : i32
        %dma_wait3A_1667 = tpu.memref_slice %arg7[%dma_wait3A_1662, %dma_wait3A_1665, %dma_wait3A_1666] : memref<12x64x128xf32, #tpu.memory_space<vmem>> -> memref<1x64x128xf32, #tpu.memory_space<vmem>>
        %dma_wait3A_1668 = tpu.memref_squeeze %dma_wait3A_1667 : memref<1x64x128xf32, #tpu.memory_space<vmem>> -> memref<64x128xf32, #tpu.memory_space<vmem>>
        %dma_wait3A_1669 = arith.constant 0 : i32
        %dma_wait3A_1670 = arith.constant 0 : i32
        %dma_wait3A_1671 = tpu.memref_slice %arg4[%add3A, %dma_wait3A_1663, %dma_wait3A_1669, %dma_wait3A_1670] : memref<32x3x512x512xf32, #tpu.memory_space<hbm>> -> memref<1x1x64x128xf32, #tpu.memory_space<hbm>>
        %dma_wait3A_1672 = tpu.memref_squeeze %dma_wait3A_1671 : memref<1x1x64x128xf32, #tpu.memory_space<hbm>> -> memref<64x128xf32, #tpu.memory_space<hbm>>
        %dma_wait3A_1673 = tpu.memref_slice %arg9[%dma_wait3A_1664] : memref<12x!tpu.dma_semaphore, #tpu.memory_space<semaphore_mem>> -> memref<1x!tpu.dma_semaphore, #tpu.memory_space<semaphore_mem>>
        %dma_wait3A_1674 = tpu.memref_squeeze %dma_wait3A_1673 : memref<1x!tpu.dma_semaphore, #tpu.memory_space<semaphore_mem>> -> memref<!tpu.dma_semaphore, #tpu.memory_space<semaphore_mem>>
        %dma_wait3A_1675 = arith.constant 0 : i32
        %dma_wait3A_1676 = arith.constant 0 : i32
        %dma_wait3A_1677 = tpu.memref_slice %arg4[%add3A, %dma_wait3A_1663, %dma_wait3A_1675, %dma_wait3A_1676] : memref<32x3x512x512xf32, #tpu.memory_space<hbm>> -> memref<1x1x64x128xf32, #tpu.memory_space<hbm>>
        %dma_wait3A_1678 = tpu.memref_squeeze %dma_wait3A_1677 : memref<1x1x64x128xf32, #tpu.memory_space<hbm>> -> memref<64x128xf32, #tpu.memory_space<hbm>>
        %dma_wait3A_1679 = arith.constant 0 : i32
        %dma_wait3A_1680 = arith.constant 0 : i32
        %dma_wait3A_1681 = tpu.memref_slice %arg7[%dma_wait3A_1662, %dma_wait3A_1679, %dma_wait3A_1680] : memref<12x64x128xf32, #tpu.memory_space<vmem>> -> memref<1x64x128xf32, #tpu.memory_space<vmem>>
        %dma_wait3A_1682 = tpu.memref_squeeze %dma_wait3A_1681 : memref<1x64x128xf32, #tpu.memory_space<vmem>> -> memref<64x128xf32, #tpu.memory_space<vmem>>
        tpu.wait_dma2 semaphore(%dma_wait3A_1674 : memref<!tpu.dma_semaphore, #tpu.memory_space<semaphore_mem>>) src(%dma_wait3A_1682 : memref<64x128xf32, #tpu.memory_space<vmem>>) dst(%dma_wait3A_1678 : memref<64x128xf32, #tpu.memory_space<hbm>>)
        %add3A_1683 = arith.constant 12 : i32
        %add3A_1684 = arith.addi %mul3A_962, %add3A_1683 : i32
        %add3A_1685 = arith.constant 0 : i32
        %add3A_1686 = arith.addi %add3A_1684, %add3A_1685 : i32
        %shift_right_arithmetic3A_1687 = arith.constant 5 : i32
        %shift_right_arithmetic3A_1688 = arith.shrsi %add3A_1686, %shift_right_arithmetic3A_1687 : i32
        %shift_right_arithmetic3A_1689 = arith.constant 1 : i32
        %shift_right_arithmetic3A_1690 = arith.shrsi %add3A_1686, %shift_right_arithmetic3A_1689 : i32
        %and3A_1691 = arith.constant 15 : i32
        %and3A_1692 = arith.andi %shift_right_arithmetic3A_1690, %and3A_1691 : i32
        %and3A_1693 = arith.constant 1 : i32
        %and3A_1694 = arith.andi %add3A_1686, %and3A_1693 : i32
        %get3A_1695 = arith.index_cast %and3A_1692 : i32 to index
        %get3A_1696 = memref.load %arg6[%get3A_1695] : memref<16xi32, #tpu.memory_space<smem>>
        %shift_right_arithmetic3A_1697 = arith.constant 2 : i32
        %shift_right_arithmetic3A_1698 = arith.shrsi %get3A_1696, %shift_right_arithmetic3A_1697 : i32
        %and3A_1699 = arith.constant 3 : i32
        %and3A_1700 = arith.andi %get3A_1696, %and3A_1699 : i32
        %mul3A_1701 = arith.constant 128 : i32
        %mul3A_1702 = arith.muli %shift_right_arithmetic3A_1698, %mul3A_1701 : i32
        %mul3A_1703 = arith.constant 64 : i32
        %mul3A_1704 = arith.muli %and3A_1694, %mul3A_1703 : i32
        %add3A_1705 = arith.addi %mul3A_1702, %mul3A_1704 : i32
        %mul3A_1706 = arith.constant 128 : i32
        %mul3A_1707 = arith.muli %and3A_1700, %mul3A_1706 : i32
        %dma_start3A_1708 = arith.constant 0 : i32
        %dma_start3A_1709 = arith.constant 0 : i32
        %dma_start3A_1710 = arith.constant 0 : i32
        %dma_start3A_1711 = arith.constant 0 : i32
        %dma_start3A_1712 = tpu.memref_slice %arg7[%dma_start3A_1708, %dma_start3A_1710, %dma_start3A_1711] : memref<12x64x128xf32, #tpu.memory_space<vmem>> -> memref<1x64x128xf32, #tpu.memory_space<vmem>>
        %dma_start3A_1713 = tpu.memref_squeeze %dma_start3A_1712 : memref<1x64x128xf32, #tpu.memory_space<vmem>> -> memref<64x128xf32, #tpu.memory_space<vmem>>
        %dma_start3A_1714 = tpu.memref_slice %arg2[%add3A, %shift_right_arithmetic3A_1688, %add3A_1705, %mul3A_1707] : memref<32x3x512x512xf32, #tpu.memory_space<hbm>> -> memref<1x1x64x128xf32, #tpu.memory_space<hbm>>
        %dma_start3A_1715 = tpu.memref_squeeze %dma_start3A_1714 : memref<1x1x64x128xf32, #tpu.memory_space<hbm>> -> memref<64x128xf32, #tpu.memory_space<hbm>>
        %dma_start3A_1716 = tpu.memref_slice %arg8[%dma_start3A_1709] : memref<12x!tpu.dma_semaphore, #tpu.memory_space<semaphore_mem>> -> memref<1x!tpu.dma_semaphore, #tpu.memory_space<semaphore_mem>>
        %dma_start3A_1717 = tpu.memref_squeeze %dma_start3A_1716 : memref<1x!tpu.dma_semaphore, #tpu.memory_space<semaphore_mem>> -> memref<!tpu.dma_semaphore, #tpu.memory_space<semaphore_mem>>
        %dma_start3A_1718 = arith.constant 0 : i32
        %dma_start3A_1719 = arith.constant 0 : i32
        %dma_start3A_1720 = tpu.memref_slice %arg7[%dma_start3A_1708, %dma_start3A_1718, %dma_start3A_1719] : memref<12x64x128xf32, #tpu.memory_space<vmem>> -> memref<1x64x128xf32, #tpu.memory_space<vmem>>
        %dma_start3A_1721 = tpu.memref_squeeze %dma_start3A_1720 : memref<1x64x128xf32, #tpu.memory_space<vmem>> -> memref<64x128xf32, #tpu.memory_space<vmem>>
        %dma_start3A_1722 = tpu.memref_slice %arg2[%add3A, %shift_right_arithmetic3A_1688, %add3A_1705, %mul3A_1707] : memref<32x3x512x512xf32, #tpu.memory_space<hbm>> -> memref<1x1x64x128xf32, #tpu.memory_space<hbm>>
        %dma_start3A_1723 = tpu.memref_squeeze %dma_start3A_1722 : memref<1x1x64x128xf32, #tpu.memory_space<hbm>> -> memref<64x128xf32, #tpu.memory_space<hbm>>
        tpu.enqueue_dma source(%dma_start3A_1723 : memref<64x128xf32, #tpu.memory_space<hbm>>) target(%dma_start3A_1721 : memref<64x128xf32, #tpu.memory_space<vmem>>) target_semaphore(%dma_start3A_1717 : memref<!tpu.dma_semaphore, #tpu.memory_space<semaphore_mem>>)
        %dma_wait3A_1724 = arith.constant 1 : i32
        %dma_wait3A_1725 = arith.constant 0 : i32
        %dma_wait3A_1726 = arith.constant 1 : i32
        %dma_wait3A_1727 = arith.constant 0 : i32
        %dma_wait3A_1728 = arith.constant 0 : i32
        %dma_wait3A_1729 = tpu.memref_slice %arg7[%dma_wait3A_1724, %dma_wait3A_1727, %dma_wait3A_1728] : memref<12x64x128xf32, #tpu.memory_space<vmem>> -> memref<1x64x128xf32, #tpu.memory_space<vmem>>
        %dma_wait3A_1730 = tpu.memref_squeeze %dma_wait3A_1729 : memref<1x64x128xf32, #tpu.memory_space<vmem>> -> memref<64x128xf32, #tpu.memory_space<vmem>>
        %dma_wait3A_1731 = arith.constant 0 : i32
        %dma_wait3A_1732 = arith.constant 0 : i32
        %dma_wait3A_1733 = tpu.memref_slice %arg4[%add3A, %dma_wait3A_1725, %dma_wait3A_1731, %dma_wait3A_1732] : memref<32x3x512x512xf32, #tpu.memory_space<hbm>> -> memref<1x1x64x128xf32, #tpu.memory_space<hbm>>
        %dma_wait3A_1734 = tpu.memref_squeeze %dma_wait3A_1733 : memref<1x1x64x128xf32, #tpu.memory_space<hbm>> -> memref<64x128xf32, #tpu.memory_space<hbm>>
        %dma_wait3A_1735 = tpu.memref_slice %arg9[%dma_wait3A_1726] : memref<12x!tpu.dma_semaphore, #tpu.memory_space<semaphore_mem>> -> memref<1x!tpu.dma_semaphore, #tpu.memory_space<semaphore_mem>>
        %dma_wait3A_1736 = tpu.memref_squeeze %dma_wait3A_1735 : memref<1x!tpu.dma_semaphore, #tpu.memory_space<semaphore_mem>> -> memref<!tpu.dma_semaphore, #tpu.memory_space<semaphore_mem>>
        %dma_wait3A_1737 = arith.constant 0 : i32
        %dma_wait3A_1738 = arith.constant 0 : i32
        %dma_wait3A_1739 = tpu.memref_slice %arg4[%add3A, %dma_wait3A_1725, %dma_wait3A_1737, %dma_wait3A_1738] : memref<32x3x512x512xf32, #tpu.memory_space<hbm>> -> memref<1x1x64x128xf32, #tpu.memory_space<hbm>>
        %dma_wait3A_1740 = tpu.memref_squeeze %dma_wait3A_1739 : memref<1x1x64x128xf32, #tpu.memory_space<hbm>> -> memref<64x128xf32, #tpu.memory_space<hbm>>
        %dma_wait3A_1741 = arith.constant 0 : i32
        %dma_wait3A_1742 = arith.constant 0 : i32
        %dma_wait3A_1743 = tpu.memref_slice %arg7[%dma_wait3A_1724, %dma_wait3A_1741, %dma_wait3A_1742] : memref<12x64x128xf32, #tpu.memory_space<vmem>> -> memref<1x64x128xf32, #tpu.memory_space<vmem>>
        %dma_wait3A_1744 = tpu.memref_squeeze %dma_wait3A_1743 : memref<1x64x128xf32, #tpu.memory_space<vmem>> -> memref<64x128xf32, #tpu.memory_space<vmem>>
        tpu.wait_dma2 semaphore(%dma_wait3A_1736 : memref<!tpu.dma_semaphore, #tpu.memory_space<semaphore_mem>>) src(%dma_wait3A_1744 : memref<64x128xf32, #tpu.memory_space<vmem>>) dst(%dma_wait3A_1740 : memref<64x128xf32, #tpu.memory_space<hbm>>)
        %add3A_1745 = arith.constant 12 : i32
        %add3A_1746 = arith.addi %mul3A_962, %add3A_1745 : i32
        %add3A_1747 = arith.constant 1 : i32
        %add3A_1748 = arith.addi %add3A_1746, %add3A_1747 : i32
        %shift_right_arithmetic3A_1749 = arith.constant 5 : i32
        %shift_right_arithmetic3A_1750 = arith.shrsi %add3A_1748, %shift_right_arithmetic3A_1749 : i32
        %shift_right_arithmetic3A_1751 = arith.constant 1 : i32
        %shift_right_arithmetic3A_1752 = arith.shrsi %add3A_1748, %shift_right_arithmetic3A_1751 : i32
        %and3A_1753 = arith.constant 15 : i32
        %and3A_1754 = arith.andi %shift_right_arithmetic3A_1752, %and3A_1753 : i32
        %and3A_1755 = arith.constant 1 : i32
        %and3A_1756 = arith.andi %add3A_1748, %and3A_1755 : i32
        %get3A_1757 = arith.index_cast %and3A_1754 : i32 to index
        %get3A_1758 = memref.load %arg6[%get3A_1757] : memref<16xi32, #tpu.memory_space<smem>>
        %shift_right_arithmetic3A_1759 = arith.constant 2 : i32
        %shift_right_arithmetic3A_1760 = arith.shrsi %get3A_1758, %shift_right_arithmetic3A_1759 : i32
        %and3A_1761 = arith.constant 3 : i32
        %and3A_1762 = arith.andi %get3A_1758, %and3A_1761 : i32
        %mul3A_1763 = arith.constant 128 : i32
        %mul3A_1764 = arith.muli %shift_right_arithmetic3A_1760, %mul3A_1763 : i32
        %mul3A_1765 = arith.constant 64 : i32
        %mul3A_1766 = arith.muli %and3A_1756, %mul3A_1765 : i32
        %add3A_1767 = arith.addi %mul3A_1764, %mul3A_1766 : i32
        %mul3A_1768 = arith.constant 128 : i32
        %mul3A_1769 = arith.muli %and3A_1762, %mul3A_1768 : i32
        %dma_start3A_1770 = arith.constant 1 : i32
        %dma_start3A_1771 = arith.constant 1 : i32
        %dma_start3A_1772 = arith.constant 0 : i32
        %dma_start3A_1773 = arith.constant 0 : i32
        %dma_start3A_1774 = tpu.memref_slice %arg7[%dma_start3A_1770, %dma_start3A_1772, %dma_start3A_1773] : memref<12x64x128xf32, #tpu.memory_space<vmem>> -> memref<1x64x128xf32, #tpu.memory_space<vmem>>
        %dma_start3A_1775 = tpu.memref_squeeze %dma_start3A_1774 : memref<1x64x128xf32, #tpu.memory_space<vmem>> -> memref<64x128xf32, #tpu.memory_space<vmem>>
        %dma_start3A_1776 = tpu.memref_slice %arg2[%add3A, %shift_right_arithmetic3A_1750, %add3A_1767, %mul3A_1769] : memref<32x3x512x512xf32, #tpu.memory_space<hbm>> -> memref<1x1x64x128xf32, #tpu.memory_space<hbm>>
        %dma_start3A_1777 = tpu.memref_squeeze %dma_start3A_1776 : memref<1x1x64x128xf32, #tpu.memory_space<hbm>> -> memref<64x128xf32, #tpu.memory_space<hbm>>
        %dma_start3A_1778 = tpu.memref_slice %arg8[%dma_start3A_1771] : memref<12x!tpu.dma_semaphore, #tpu.memory_space<semaphore_mem>> -> memref<1x!tpu.dma_semaphore, #tpu.memory_space<semaphore_mem>>
        %dma_start3A_1779 = tpu.memref_squeeze %dma_start3A_1778 : memref<1x!tpu.dma_semaphore, #tpu.memory_space<semaphore_mem>> -> memref<!tpu.dma_semaphore, #tpu.memory_space<semaphore_mem>>
        %dma_start3A_1780 = arith.constant 0 : i32
        %dma_start3A_1781 = arith.constant 0 : i32
        %dma_start3A_1782 = tpu.memref_slice %arg7[%dma_start3A_1770, %dma_start3A_1780, %dma_start3A_1781] : memref<12x64x128xf32, #tpu.memory_space<vmem>> -> memref<1x64x128xf32, #tpu.memory_space<vmem>>
        %dma_start3A_1783 = tpu.memref_squeeze %dma_start3A_1782 : memref<1x64x128xf32, #tpu.memory_space<vmem>> -> memref<64x128xf32, #tpu.memory_space<vmem>>
        %dma_start3A_1784 = tpu.memref_slice %arg2[%add3A, %shift_right_arithmetic3A_1750, %add3A_1767, %mul3A_1769] : memref<32x3x512x512xf32, #tpu.memory_space<hbm>> -> memref<1x1x64x128xf32, #tpu.memory_space<hbm>>
        %dma_start3A_1785 = tpu.memref_squeeze %dma_start3A_1784 : memref<1x1x64x128xf32, #tpu.memory_space<hbm>> -> memref<64x128xf32, #tpu.memory_space<hbm>>
        tpu.enqueue_dma source(%dma_start3A_1785 : memref<64x128xf32, #tpu.memory_space<hbm>>) target(%dma_start3A_1783 : memref<64x128xf32, #tpu.memory_space<vmem>>) target_semaphore(%dma_start3A_1779 : memref<!tpu.dma_semaphore, #tpu.memory_space<semaphore_mem>>)
        %dma_wait3A_1786 = arith.constant 2 : i32
        %dma_wait3A_1787 = arith.constant 0 : i32
        %dma_wait3A_1788 = arith.constant 2 : i32
        %dma_wait3A_1789 = arith.constant 0 : i32
        %dma_wait3A_1790 = arith.constant 0 : i32
        %dma_wait3A_1791 = tpu.memref_slice %arg7[%dma_wait3A_1786, %dma_wait3A_1789, %dma_wait3A_1790] : memref<12x64x128xf32, #tpu.memory_space<vmem>> -> memref<1x64x128xf32, #tpu.memory_space<vmem>>
        %dma_wait3A_1792 = tpu.memref_squeeze %dma_wait3A_1791 : memref<1x64x128xf32, #tpu.memory_space<vmem>> -> memref<64x128xf32, #tpu.memory_space<vmem>>
        %dma_wait3A_1793 = arith.constant 0 : i32
        %dma_wait3A_1794 = arith.constant 0 : i32
        %dma_wait3A_1795 = tpu.memref_slice %arg4[%add3A, %dma_wait3A_1787, %dma_wait3A_1793, %dma_wait3A_1794] : memref<32x3x512x512xf32, #tpu.memory_space<hbm>> -> memref<1x1x64x128xf32, #tpu.memory_space<hbm>>
        %dma_wait3A_1796 = tpu.memref_squeeze %dma_wait3A_1795 : memref<1x1x64x128xf32, #tpu.memory_space<hbm>> -> memref<64x128xf32, #tpu.memory_space<hbm>>
        %dma_wait3A_1797 = tpu.memref_slice %arg9[%dma_wait3A_1788] : memref<12x!tpu.dma_semaphore, #tpu.memory_space<semaphore_mem>> -> memref<1x!tpu.dma_semaphore, #tpu.memory_space<semaphore_mem>>
        %dma_wait3A_1798 = tpu.memref_squeeze %dma_wait3A_1797 : memref<1x!tpu.dma_semaphore, #tpu.memory_space<semaphore_mem>> -> memref<!tpu.dma_semaphore, #tpu.memory_space<semaphore_mem>>
        %dma_wait3A_1799 = arith.constant 0 : i32
        %dma_wait3A_1800 = arith.constant 0 : i32
        %dma_wait3A_1801 = tpu.memref_slice %arg4[%add3A, %dma_wait3A_1787, %dma_wait3A_1799, %dma_wait3A_1800] : memref<32x3x512x512xf32, #tpu.memory_space<hbm>> -> memref<1x1x64x128xf32, #tpu.memory_space<hbm>>
        %dma_wait3A_1802 = tpu.memref_squeeze %dma_wait3A_1801 : memref<1x1x64x128xf32, #tpu.memory_space<hbm>> -> memref<64x128xf32, #tpu.memory_space<hbm>>
        %dma_wait3A_1803 = arith.constant 0 : i32
        %dma_wait3A_1804 = arith.constant 0 : i32
        %dma_wait3A_1805 = tpu.memref_slice %arg7[%dma_wait3A_1786, %dma_wait3A_1803, %dma_wait3A_1804] : memref<12x64x128xf32, #tpu.memory_space<vmem>> -> memref<1x64x128xf32, #tpu.memory_space<vmem>>
        %dma_wait3A_1806 = tpu.memref_squeeze %dma_wait3A_1805 : memref<1x64x128xf32, #tpu.memory_space<vmem>> -> memref<64x128xf32, #tpu.memory_space<vmem>>
        tpu.wait_dma2 semaphore(%dma_wait3A_1798 : memref<!tpu.dma_semaphore, #tpu.memory_space<semaphore_mem>>) src(%dma_wait3A_1806 : memref<64x128xf32, #tpu.memory_space<vmem>>) dst(%dma_wait3A_1802 : memref<64x128xf32, #tpu.memory_space<hbm>>)
        %add3A_1807 = arith.constant 12 : i32
        %add3A_1808 = arith.addi %mul3A_962, %add3A_1807 : i32
        %add3A_1809 = arith.constant 2 : i32
        %add3A_1810 = arith.addi %add3A_1808, %add3A_1809 : i32
        %shift_right_arithmetic3A_1811 = arith.constant 5 : i32
        %shift_right_arithmetic3A_1812 = arith.shrsi %add3A_1810, %shift_right_arithmetic3A_1811 : i32
        %shift_right_arithmetic3A_1813 = arith.constant 1 : i32
        %shift_right_arithmetic3A_1814 = arith.shrsi %add3A_1810, %shift_right_arithmetic3A_1813 : i32
        %and3A_1815 = arith.constant 15 : i32
        %and3A_1816 = arith.andi %shift_right_arithmetic3A_1814, %and3A_1815 : i32
        %and3A_1817 = arith.constant 1 : i32
        %and3A_1818 = arith.andi %add3A_1810, %and3A_1817 : i32
        %get3A_1819 = arith.index_cast %and3A_1816 : i32 to index
        %get3A_1820 = memref.load %arg6[%get3A_1819] : memref<16xi32, #tpu.memory_space<smem>>
        %shift_right_arithmetic3A_1821 = arith.constant 2 : i32
        %shift_right_arithmetic3A_1822 = arith.shrsi %get3A_1820, %shift_right_arithmetic3A_1821 : i32
        %and3A_1823 = arith.constant 3 : i32
        %and3A_1824 = arith.andi %get3A_1820, %and3A_1823 : i32
        %mul3A_1825 = arith.constant 128 : i32
        %mul3A_1826 = arith.muli %shift_right_arithmetic3A_1822, %mul3A_1825 : i32
        %mul3A_1827 = arith.constant 64 : i32
        %mul3A_1828 = arith.muli %and3A_1818, %mul3A_1827 : i32
        %add3A_1829 = arith.addi %mul3A_1826, %mul3A_1828 : i32
        %mul3A_1830 = arith.constant 128 : i32
        %mul3A_1831 = arith.muli %and3A_1824, %mul3A_1830 : i32
        %dma_start3A_1832 = arith.constant 2 : i32
        %dma_start3A_1833 = arith.constant 2 : i32
        %dma_start3A_1834 = arith.constant 0 : i32
        %dma_start3A_1835 = arith.constant 0 : i32
        %dma_start3A_1836 = tpu.memref_slice %arg7[%dma_start3A_1832, %dma_start3A_1834, %dma_start3A_1835] : memref<12x64x128xf32, #tpu.memory_space<vmem>> -> memref<1x64x128xf32, #tpu.memory_space<vmem>>
        %dma_start3A_1837 = tpu.memref_squeeze %dma_start3A_1836 : memref<1x64x128xf32, #tpu.memory_space<vmem>> -> memref<64x128xf32, #tpu.memory_space<vmem>>
        %dma_start3A_1838 = tpu.memref_slice %arg2[%add3A, %shift_right_arithmetic3A_1812, %add3A_1829, %mul3A_1831] : memref<32x3x512x512xf32, #tpu.memory_space<hbm>> -> memref<1x1x64x128xf32, #tpu.memory_space<hbm>>
        %dma_start3A_1839 = tpu.memref_squeeze %dma_start3A_1838 : memref<1x1x64x128xf32, #tpu.memory_space<hbm>> -> memref<64x128xf32, #tpu.memory_space<hbm>>
        %dma_start3A_1840 = tpu.memref_slice %arg8[%dma_start3A_1833] : memref<12x!tpu.dma_semaphore, #tpu.memory_space<semaphore_mem>> -> memref<1x!tpu.dma_semaphore, #tpu.memory_space<semaphore_mem>>
        %dma_start3A_1841 = tpu.memref_squeeze %dma_start3A_1840 : memref<1x!tpu.dma_semaphore, #tpu.memory_space<semaphore_mem>> -> memref<!tpu.dma_semaphore, #tpu.memory_space<semaphore_mem>>
        %dma_start3A_1842 = arith.constant 0 : i32
        %dma_start3A_1843 = arith.constant 0 : i32
        %dma_start3A_1844 = tpu.memref_slice %arg7[%dma_start3A_1832, %dma_start3A_1842, %dma_start3A_1843] : memref<12x64x128xf32, #tpu.memory_space<vmem>> -> memref<1x64x128xf32, #tpu.memory_space<vmem>>
        %dma_start3A_1845 = tpu.memref_squeeze %dma_start3A_1844 : memref<1x64x128xf32, #tpu.memory_space<vmem>> -> memref<64x128xf32, #tpu.memory_space<vmem>>
        %dma_start3A_1846 = tpu.memref_slice %arg2[%add3A, %shift_right_arithmetic3A_1812, %add3A_1829, %mul3A_1831] : memref<32x3x512x512xf32, #tpu.memory_space<hbm>> -> memref<1x1x64x128xf32, #tpu.memory_space<hbm>>
        %dma_start3A_1847 = tpu.memref_squeeze %dma_start3A_1846 : memref<1x1x64x128xf32, #tpu.memory_space<hbm>> -> memref<64x128xf32, #tpu.memory_space<hbm>>
        tpu.enqueue_dma source(%dma_start3A_1847 : memref<64x128xf32, #tpu.memory_space<hbm>>) target(%dma_start3A_1845 : memref<64x128xf32, #tpu.memory_space<vmem>>) target_semaphore(%dma_start3A_1841 : memref<!tpu.dma_semaphore, #tpu.memory_space<semaphore_mem>>)
        %dma_wait3A_1848 = arith.constant 3 : i32
        %dma_wait3A_1849 = arith.constant 0 : i32
        %dma_wait3A_1850 = arith.constant 3 : i32
        %dma_wait3A_1851 = arith.constant 0 : i32
        %dma_wait3A_1852 = arith.constant 0 : i32
        %dma_wait3A_1853 = tpu.memref_slice %arg7[%dma_wait3A_1848, %dma_wait3A_1851, %dma_wait3A_1852] : memref<12x64x128xf32, #tpu.memory_space<vmem>> -> memref<1x64x128xf32, #tpu.memory_space<vmem>>
        %dma_wait3A_1854 = tpu.memref_squeeze %dma_wait3A_1853 : memref<1x64x128xf32, #tpu.memory_space<vmem>> -> memref<64x128xf32, #tpu.memory_space<vmem>>
        %dma_wait3A_1855 = arith.constant 0 : i32
        %dma_wait3A_1856 = arith.constant 0 : i32
        %dma_wait3A_1857 = tpu.memref_slice %arg4[%add3A, %dma_wait3A_1849, %dma_wait3A_1855, %dma_wait3A_1856] : memref<32x3x512x512xf32, #tpu.memory_space<hbm>> -> memref<1x1x64x128xf32, #tpu.memory_space<hbm>>
        %dma_wait3A_1858 = tpu.memref_squeeze %dma_wait3A_1857 : memref<1x1x64x128xf32, #tpu.memory_space<hbm>> -> memref<64x128xf32, #tpu.memory_space<hbm>>
        %dma_wait3A_1859 = tpu.memref_slice %arg9[%dma_wait3A_1850] : memref<12x!tpu.dma_semaphore, #tpu.memory_space<semaphore_mem>> -> memref<1x!tpu.dma_semaphore, #tpu.memory_space<semaphore_mem>>
        %dma_wait3A_1860 = tpu.memref_squeeze %dma_wait3A_1859 : memref<1x!tpu.dma_semaphore, #tpu.memory_space<semaphore_mem>> -> memref<!tpu.dma_semaphore, #tpu.memory_space<semaphore_mem>>
        %dma_wait3A_1861 = arith.constant 0 : i32
        %dma_wait3A_1862 = arith.constant 0 : i32
        %dma_wait3A_1863 = tpu.memref_slice %arg4[%add3A, %dma_wait3A_1849, %dma_wait3A_1861, %dma_wait3A_1862] : memref<32x3x512x512xf32, #tpu.memory_space<hbm>> -> memref<1x1x64x128xf32, #tpu.memory_space<hbm>>
        %dma_wait3A_1864 = tpu.memref_squeeze %dma_wait3A_1863 : memref<1x1x64x128xf32, #tpu.memory_space<hbm>> -> memref<64x128xf32, #tpu.memory_space<hbm>>
        %dma_wait3A_1865 = arith.constant 0 : i32
        %dma_wait3A_1866 = arith.constant 0 : i32
        %dma_wait3A_1867 = tpu.memref_slice %arg7[%dma_wait3A_1848, %dma_wait3A_1865, %dma_wait3A_1866] : memref<12x64x128xf32, #tpu.memory_space<vmem>> -> memref<1x64x128xf32, #tpu.memory_space<vmem>>
        %dma_wait3A_1868 = tpu.memref_squeeze %dma_wait3A_1867 : memref<1x64x128xf32, #tpu.memory_space<vmem>> -> memref<64x128xf32, #tpu.memory_space<vmem>>
        tpu.wait_dma2 semaphore(%dma_wait3A_1860 : memref<!tpu.dma_semaphore, #tpu.memory_space<semaphore_mem>>) src(%dma_wait3A_1868 : memref<64x128xf32, #tpu.memory_space<vmem>>) dst(%dma_wait3A_1864 : memref<64x128xf32, #tpu.memory_space<hbm>>)
        %add3A_1869 = arith.constant 12 : i32
        %add3A_1870 = arith.addi %mul3A_962, %add3A_1869 : i32
        %add3A_1871 = arith.constant 3 : i32
        %add3A_1872 = arith.addi %add3A_1870, %add3A_1871 : i32
        %shift_right_arithmetic3A_1873 = arith.constant 5 : i32
        %shift_right_arithmetic3A_1874 = arith.shrsi %add3A_1872, %shift_right_arithmetic3A_1873 : i32
        %shift_right_arithmetic3A_1875 = arith.constant 1 : i32
        %shift_right_arithmetic3A_1876 = arith.shrsi %add3A_1872, %shift_right_arithmetic3A_1875 : i32
        %and3A_1877 = arith.constant 15 : i32
        %and3A_1878 = arith.andi %shift_right_arithmetic3A_1876, %and3A_1877 : i32
        %and3A_1879 = arith.constant 1 : i32
        %and3A_1880 = arith.andi %add3A_1872, %and3A_1879 : i32
        %get3A_1881 = arith.index_cast %and3A_1878 : i32 to index
        %get3A_1882 = memref.load %arg6[%get3A_1881] : memref<16xi32, #tpu.memory_space<smem>>
        %shift_right_arithmetic3A_1883 = arith.constant 2 : i32
        %shift_right_arithmetic3A_1884 = arith.shrsi %get3A_1882, %shift_right_arithmetic3A_1883 : i32
        %and3A_1885 = arith.constant 3 : i32
        %and3A_1886 = arith.andi %get3A_1882, %and3A_1885 : i32
        %mul3A_1887 = arith.constant 128 : i32
        %mul3A_1888 = arith.muli %shift_right_arithmetic3A_1884, %mul3A_1887 : i32
        %mul3A_1889 = arith.constant 64 : i32
        %mul3A_1890 = arith.muli %and3A_1880, %mul3A_1889 : i32
        %add3A_1891 = arith.addi %mul3A_1888, %mul3A_1890 : i32
        %mul3A_1892 = arith.constant 128 : i32
        %mul3A_1893 = arith.muli %and3A_1886, %mul3A_1892 : i32
        %dma_start3A_1894 = arith.constant 3 : i32
        %dma_start3A_1895 = arith.constant 3 : i32
        %dma_start3A_1896 = arith.constant 0 : i32
        %dma_start3A_1897 = arith.constant 0 : i32
        %dma_start3A_1898 = tpu.memref_slice %arg7[%dma_start3A_1894, %dma_start3A_1896, %dma_start3A_1897] : memref<12x64x128xf32, #tpu.memory_space<vmem>> -> memref<1x64x128xf32, #tpu.memory_space<vmem>>
        %dma_start3A_1899 = tpu.memref_squeeze %dma_start3A_1898 : memref<1x64x128xf32, #tpu.memory_space<vmem>> -> memref<64x128xf32, #tpu.memory_space<vmem>>
        %dma_start3A_1900 = tpu.memref_slice %arg2[%add3A, %shift_right_arithmetic3A_1874, %add3A_1891, %mul3A_1893] : memref<32x3x512x512xf32, #tpu.memory_space<hbm>> -> memref<1x1x64x128xf32, #tpu.memory_space<hbm>>
        %dma_start3A_1901 = tpu.memref_squeeze %dma_start3A_1900 : memref<1x1x64x128xf32, #tpu.memory_space<hbm>> -> memref<64x128xf32, #tpu.memory_space<hbm>>
        %dma_start3A_1902 = tpu.memref_slice %arg8[%dma_start3A_1895] : memref<12x!tpu.dma_semaphore, #tpu.memory_space<semaphore_mem>> -> memref<1x!tpu.dma_semaphore, #tpu.memory_space<semaphore_mem>>
        %dma_start3A_1903 = tpu.memref_squeeze %dma_start3A_1902 : memref<1x!tpu.dma_semaphore, #tpu.memory_space<semaphore_mem>> -> memref<!tpu.dma_semaphore, #tpu.memory_space<semaphore_mem>>
        %dma_start3A_1904 = arith.constant 0 : i32
        %dma_start3A_1905 = arith.constant 0 : i32
        %dma_start3A_1906 = tpu.memref_slice %arg7[%dma_start3A_1894, %dma_start3A_1904, %dma_start3A_1905] : memref<12x64x128xf32, #tpu.memory_space<vmem>> -> memref<1x64x128xf32, #tpu.memory_space<vmem>>
        %dma_start3A_1907 = tpu.memref_squeeze %dma_start3A_1906 : memref<1x64x128xf32, #tpu.memory_space<vmem>> -> memref<64x128xf32, #tpu.memory_space<vmem>>
        %dma_start3A_1908 = tpu.memref_slice %arg2[%add3A, %shift_right_arithmetic3A_1874, %add3A_1891, %mul3A_1893] : memref<32x3x512x512xf32, #tpu.memory_space<hbm>> -> memref<1x1x64x128xf32, #tpu.memory_space<hbm>>
        %dma_start3A_1909 = tpu.memref_squeeze %dma_start3A_1908 : memref<1x1x64x128xf32, #tpu.memory_space<hbm>> -> memref<64x128xf32, #tpu.memory_space<hbm>>
        tpu.enqueue_dma source(%dma_start3A_1909 : memref<64x128xf32, #tpu.memory_space<hbm>>) target(%dma_start3A_1907 : memref<64x128xf32, #tpu.memory_space<vmem>>) target_semaphore(%dma_start3A_1903 : memref<!tpu.dma_semaphore, #tpu.memory_space<semaphore_mem>>)
        %dma_wait3A_1910 = arith.constant 4 : i32
        %dma_wait3A_1911 = arith.constant 0 : i32
        %dma_wait3A_1912 = arith.constant 4 : i32
        %dma_wait3A_1913 = arith.constant 0 : i32
        %dma_wait3A_1914 = arith.constant 0 : i32
        %dma_wait3A_1915 = tpu.memref_slice %arg7[%dma_wait3A_1910, %dma_wait3A_1913, %dma_wait3A_1914] : memref<12x64x128xf32, #tpu.memory_space<vmem>> -> memref<1x64x128xf32, #tpu.memory_space<vmem>>
        %dma_wait3A_1916 = tpu.memref_squeeze %dma_wait3A_1915 : memref<1x64x128xf32, #tpu.memory_space<vmem>> -> memref<64x128xf32, #tpu.memory_space<vmem>>
        %dma_wait3A_1917 = arith.constant 0 : i32
        %dma_wait3A_1918 = arith.constant 0 : i32
        %dma_wait3A_1919 = tpu.memref_slice %arg4[%add3A, %dma_wait3A_1911, %dma_wait3A_1917, %dma_wait3A_1918] : memref<32x3x512x512xf32, #tpu.memory_space<hbm>> -> memref<1x1x64x128xf32, #tpu.memory_space<hbm>>
        %dma_wait3A_1920 = tpu.memref_squeeze %dma_wait3A_1919 : memref<1x1x64x128xf32, #tpu.memory_space<hbm>> -> memref<64x128xf32, #tpu.memory_space<hbm>>
        %dma_wait3A_1921 = tpu.memref_slice %arg9[%dma_wait3A_1912] : memref<12x!tpu.dma_semaphore, #tpu.memory_space<semaphore_mem>> -> memref<1x!tpu.dma_semaphore, #tpu.memory_space<semaphore_mem>>
        %dma_wait3A_1922 = tpu.memref_squeeze %dma_wait3A_1921 : memref<1x!tpu.dma_semaphore, #tpu.memory_space<semaphore_mem>> -> memref<!tpu.dma_semaphore, #tpu.memory_space<semaphore_mem>>
        %dma_wait3A_1923 = arith.constant 0 : i32
        %dma_wait3A_1924 = arith.constant 0 : i32
        %dma_wait3A_1925 = tpu.memref_slice %arg4[%add3A, %dma_wait3A_1911, %dma_wait3A_1923, %dma_wait3A_1924] : memref<32x3x512x512xf32, #tpu.memory_space<hbm>> -> memref<1x1x64x128xf32, #tpu.memory_space<hbm>>
        %dma_wait3A_1926 = tpu.memref_squeeze %dma_wait3A_1925 : memref<1x1x64x128xf32, #tpu.memory_space<hbm>> -> memref<64x128xf32, #tpu.memory_space<hbm>>
        %dma_wait3A_1927 = arith.constant 0 : i32
        %dma_wait3A_1928 = arith.constant 0 : i32
        %dma_wait3A_1929 = tpu.memref_slice %arg7[%dma_wait3A_1910, %dma_wait3A_1927, %dma_wait3A_1928] : memref<12x64x128xf32, #tpu.memory_space<vmem>> -> memref<1x64x128xf32, #tpu.memory_space<vmem>>
        %dma_wait3A_1930 = tpu.memref_squeeze %dma_wait3A_1929 : memref<1x64x128xf32, #tpu.memory_space<vmem>> -> memref<64x128xf32, #tpu.memory_space<vmem>>
        tpu.wait_dma2 semaphore(%dma_wait3A_1922 : memref<!tpu.dma_semaphore, #tpu.memory_space<semaphore_mem>>) src(%dma_wait3A_1930 : memref<64x128xf32, #tpu.memory_space<vmem>>) dst(%dma_wait3A_1926 : memref<64x128xf32, #tpu.memory_space<hbm>>)
        %add3A_1931 = arith.constant 12 : i32
        %add3A_1932 = arith.addi %mul3A_962, %add3A_1931 : i32
        %add3A_1933 = arith.constant 4 : i32
        %add3A_1934 = arith.addi %add3A_1932, %add3A_1933 : i32
        %shift_right_arithmetic3A_1935 = arith.constant 5 : i32
        %shift_right_arithmetic3A_1936 = arith.shrsi %add3A_1934, %shift_right_arithmetic3A_1935 : i32
        %shift_right_arithmetic3A_1937 = arith.constant 1 : i32
        %shift_right_arithmetic3A_1938 = arith.shrsi %add3A_1934, %shift_right_arithmetic3A_1937 : i32
        %and3A_1939 = arith.constant 15 : i32
        %and3A_1940 = arith.andi %shift_right_arithmetic3A_1938, %and3A_1939 : i32
        %and3A_1941 = arith.constant 1 : i32
        %and3A_1942 = arith.andi %add3A_1934, %and3A_1941 : i32
        %get3A_1943 = arith.index_cast %and3A_1940 : i32 to index
        %get3A_1944 = memref.load %arg6[%get3A_1943] : memref<16xi32, #tpu.memory_space<smem>>
        %shift_right_arithmetic3A_1945 = arith.constant 2 : i32
        %shift_right_arithmetic3A_1946 = arith.shrsi %get3A_1944, %shift_right_arithmetic3A_1945 : i32
        %and3A_1947 = arith.constant 3 : i32
        %and3A_1948 = arith.andi %get3A_1944, %and3A_1947 : i32
        %mul3A_1949 = arith.constant 128 : i32
        %mul3A_1950 = arith.muli %shift_right_arithmetic3A_1946, %mul3A_1949 : i32
        %mul3A_1951 = arith.constant 64 : i32
        %mul3A_1952 = arith.muli %and3A_1942, %mul3A_1951 : i32
        %add3A_1953 = arith.addi %mul3A_1950, %mul3A_1952 : i32
        %mul3A_1954 = arith.constant 128 : i32
        %mul3A_1955 = arith.muli %and3A_1948, %mul3A_1954 : i32
        %dma_start3A_1956 = arith.constant 4 : i32
        %dma_start3A_1957 = arith.constant 4 : i32
        %dma_start3A_1958 = arith.constant 0 : i32
        %dma_start3A_1959 = arith.constant 0 : i32
        %dma_start3A_1960 = tpu.memref_slice %arg7[%dma_start3A_1956, %dma_start3A_1958, %dma_start3A_1959] : memref<12x64x128xf32, #tpu.memory_space<vmem>> -> memref<1x64x128xf32, #tpu.memory_space<vmem>>
        %dma_start3A_1961 = tpu.memref_squeeze %dma_start3A_1960 : memref<1x64x128xf32, #tpu.memory_space<vmem>> -> memref<64x128xf32, #tpu.memory_space<vmem>>
        %dma_start3A_1962 = tpu.memref_slice %arg2[%add3A, %shift_right_arithmetic3A_1936, %add3A_1953, %mul3A_1955] : memref<32x3x512x512xf32, #tpu.memory_space<hbm>> -> memref<1x1x64x128xf32, #tpu.memory_space<hbm>>
        %dma_start3A_1963 = tpu.memref_squeeze %dma_start3A_1962 : memref<1x1x64x128xf32, #tpu.memory_space<hbm>> -> memref<64x128xf32, #tpu.memory_space<hbm>>
        %dma_start3A_1964 = tpu.memref_slice %arg8[%dma_start3A_1957] : memref<12x!tpu.dma_semaphore, #tpu.memory_space<semaphore_mem>> -> memref<1x!tpu.dma_semaphore, #tpu.memory_space<semaphore_mem>>
        %dma_start3A_1965 = tpu.memref_squeeze %dma_start3A_1964 : memref<1x!tpu.dma_semaphore, #tpu.memory_space<semaphore_mem>> -> memref<!tpu.dma_semaphore, #tpu.memory_space<semaphore_mem>>
        %dma_start3A_1966 = arith.constant 0 : i32
        %dma_start3A_1967 = arith.constant 0 : i32
        %dma_start3A_1968 = tpu.memref_slice %arg7[%dma_start3A_1956, %dma_start3A_1966, %dma_start3A_1967] : memref<12x64x128xf32, #tpu.memory_space<vmem>> -> memref<1x64x128xf32, #tpu.memory_space<vmem>>
        %dma_start3A_1969 = tpu.memref_squeeze %dma_start3A_1968 : memref<1x64x128xf32, #tpu.memory_space<vmem>> -> memref<64x128xf32, #tpu.memory_space<vmem>>
        %dma_start3A_1970 = tpu.memref_slice %arg2[%add3A, %shift_right_arithmetic3A_1936, %add3A_1953, %mul3A_1955] : memref<32x3x512x512xf32, #tpu.memory_space<hbm>> -> memref<1x1x64x128xf32, #tpu.memory_space<hbm>>
        %dma_start3A_1971 = tpu.memref_squeeze %dma_start3A_1970 : memref<1x1x64x128xf32, #tpu.memory_space<hbm>> -> memref<64x128xf32, #tpu.memory_space<hbm>>
        tpu.enqueue_dma source(%dma_start3A_1971 : memref<64x128xf32, #tpu.memory_space<hbm>>) target(%dma_start3A_1969 : memref<64x128xf32, #tpu.memory_space<vmem>>) target_semaphore(%dma_start3A_1965 : memref<!tpu.dma_semaphore, #tpu.memory_space<semaphore_mem>>)
        %dma_wait3A_1972 = arith.constant 5 : i32
        %dma_wait3A_1973 = arith.constant 0 : i32
        %dma_wait3A_1974 = arith.constant 5 : i32
        %dma_wait3A_1975 = arith.constant 0 : i32
        %dma_wait3A_1976 = arith.constant 0 : i32
        %dma_wait3A_1977 = tpu.memref_slice %arg7[%dma_wait3A_1972, %dma_wait3A_1975, %dma_wait3A_1976] : memref<12x64x128xf32, #tpu.memory_space<vmem>> -> memref<1x64x128xf32, #tpu.memory_space<vmem>>
        %dma_wait3A_1978 = tpu.memref_squeeze %dma_wait3A_1977 : memref<1x64x128xf32, #tpu.memory_space<vmem>> -> memref<64x128xf32, #tpu.memory_space<vmem>>
        %dma_wait3A_1979 = arith.constant 0 : i32
        %dma_wait3A_1980 = arith.constant 0 : i32
        %dma_wait3A_1981 = tpu.memref_slice %arg4[%add3A, %dma_wait3A_1973, %dma_wait3A_1979, %dma_wait3A_1980] : memref<32x3x512x512xf32, #tpu.memory_space<hbm>> -> memref<1x1x64x128xf32, #tpu.memory_space<hbm>>
        %dma_wait3A_1982 = tpu.memref_squeeze %dma_wait3A_1981 : memref<1x1x64x128xf32, #tpu.memory_space<hbm>> -> memref<64x128xf32, #tpu.memory_space<hbm>>
        %dma_wait3A_1983 = tpu.memref_slice %arg9[%dma_wait3A_1974] : memref<12x!tpu.dma_semaphore, #tpu.memory_space<semaphore_mem>> -> memref<1x!tpu.dma_semaphore, #tpu.memory_space<semaphore_mem>>
        %dma_wait3A_1984 = tpu.memref_squeeze %dma_wait3A_1983 : memref<1x!tpu.dma_semaphore, #tpu.memory_space<semaphore_mem>> -> memref<!tpu.dma_semaphore, #tpu.memory_space<semaphore_mem>>
        %dma_wait3A_1985 = arith.constant 0 : i32
        %dma_wait3A_1986 = arith.constant 0 : i32
        %dma_wait3A_1987 = tpu.memref_slice %arg4[%add3A, %dma_wait3A_1973, %dma_wait3A_1985, %dma_wait3A_1986] : memref<32x3x512x512xf32, #tpu.memory_space<hbm>> -> memref<1x1x64x128xf32, #tpu.memory_space<hbm>>
        %dma_wait3A_1988 = tpu.memref_squeeze %dma_wait3A_1987 : memref<1x1x64x128xf32, #tpu.memory_space<hbm>> -> memref<64x128xf32, #tpu.memory_space<hbm>>
        %dma_wait3A_1989 = arith.constant 0 : i32
        %dma_wait3A_1990 = arith.constant 0 : i32
        %dma_wait3A_1991 = tpu.memref_slice %arg7[%dma_wait3A_1972, %dma_wait3A_1989, %dma_wait3A_1990] : memref<12x64x128xf32, #tpu.memory_space<vmem>> -> memref<1x64x128xf32, #tpu.memory_space<vmem>>
        %dma_wait3A_1992 = tpu.memref_squeeze %dma_wait3A_1991 : memref<1x64x128xf32, #tpu.memory_space<vmem>> -> memref<64x128xf32, #tpu.memory_space<vmem>>
        tpu.wait_dma2 semaphore(%dma_wait3A_1984 : memref<!tpu.dma_semaphore, #tpu.memory_space<semaphore_mem>>) src(%dma_wait3A_1992 : memref<64x128xf32, #tpu.memory_space<vmem>>) dst(%dma_wait3A_1988 : memref<64x128xf32, #tpu.memory_space<hbm>>)
        %add3A_1993 = arith.constant 12 : i32
        %add3A_1994 = arith.addi %mul3A_962, %add3A_1993 : i32
        %add3A_1995 = arith.constant 5 : i32
        %add3A_1996 = arith.addi %add3A_1994, %add3A_1995 : i32
        %shift_right_arithmetic3A_1997 = arith.constant 5 : i32
        %shift_right_arithmetic3A_1998 = arith.shrsi %add3A_1996, %shift_right_arithmetic3A_1997 : i32
        %shift_right_arithmetic3A_1999 = arith.constant 1 : i32
        %shift_right_arithmetic3A_2000 = arith.shrsi %add3A_1996, %shift_right_arithmetic3A_1999 : i32
        %and3A_2001 = arith.constant 15 : i32
        %and3A_2002 = arith.andi %shift_right_arithmetic3A_2000, %and3A_2001 : i32
        %and3A_2003 = arith.constant 1 : i32
        %and3A_2004 = arith.andi %add3A_1996, %and3A_2003 : i32
        %get3A_2005 = arith.index_cast %and3A_2002 : i32 to index
        %get3A_2006 = memref.load %arg6[%get3A_2005] : memref<16xi32, #tpu.memory_space<smem>>
        %shift_right_arithmetic3A_2007 = arith.constant 2 : i32
        %shift_right_arithmetic3A_2008 = arith.shrsi %get3A_2006, %shift_right_arithmetic3A_2007 : i32
        %and3A_2009 = arith.constant 3 : i32
        %and3A_2010 = arith.andi %get3A_2006, %and3A_2009 : i32
        %mul3A_2011 = arith.constant 128 : i32
        %mul3A_2012 = arith.muli %shift_right_arithmetic3A_2008, %mul3A_2011 : i32
        %mul3A_2013 = arith.constant 64 : i32
        %mul3A_2014 = arith.muli %and3A_2004, %mul3A_2013 : i32
        %add3A_2015 = arith.addi %mul3A_2012, %mul3A_2014 : i32
        %mul3A_2016 = arith.constant 128 : i32
        %mul3A_2017 = arith.muli %and3A_2010, %mul3A_2016 : i32
        %dma_start3A_2018 = arith.constant 5 : i32
        %dma_start3A_2019 = arith.constant 5 : i32
        %dma_start3A_2020 = arith.constant 0 : i32
        %dma_start3A_2021 = arith.constant 0 : i32
        %dma_start3A_2022 = tpu.memref_slice %arg7[%dma_start3A_2018, %dma_start3A_2020, %dma_start3A_2021] : memref<12x64x128xf32, #tpu.memory_space<vmem>> -> memref<1x64x128xf32, #tpu.memory_space<vmem>>
        %dma_start3A_2023 = tpu.memref_squeeze %dma_start3A_2022 : memref<1x64x128xf32, #tpu.memory_space<vmem>> -> memref<64x128xf32, #tpu.memory_space<vmem>>
        %dma_start3A_2024 = tpu.memref_slice %arg2[%add3A, %shift_right_arithmetic3A_1998, %add3A_2015, %mul3A_2017] : memref<32x3x512x512xf32, #tpu.memory_space<hbm>> -> memref<1x1x64x128xf32, #tpu.memory_space<hbm>>
        %dma_start3A_2025 = tpu.memref_squeeze %dma_start3A_2024 : memref<1x1x64x128xf32, #tpu.memory_space<hbm>> -> memref<64x128xf32, #tpu.memory_space<hbm>>
        %dma_start3A_2026 = tpu.memref_slice %arg8[%dma_start3A_2019] : memref<12x!tpu.dma_semaphore, #tpu.memory_space<semaphore_mem>> -> memref<1x!tpu.dma_semaphore, #tpu.memory_space<semaphore_mem>>
        %dma_start3A_2027 = tpu.memref_squeeze %dma_start3A_2026 : memref<1x!tpu.dma_semaphore, #tpu.memory_space<semaphore_mem>> -> memref<!tpu.dma_semaphore, #tpu.memory_space<semaphore_mem>>
        %dma_start3A_2028 = arith.constant 0 : i32
        %dma_start3A_2029 = arith.constant 0 : i32
        %dma_start3A_2030 = tpu.memref_slice %arg7[%dma_start3A_2018, %dma_start3A_2028, %dma_start3A_2029] : memref<12x64x128xf32, #tpu.memory_space<vmem>> -> memref<1x64x128xf32, #tpu.memory_space<vmem>>
        %dma_start3A_2031 = tpu.memref_squeeze %dma_start3A_2030 : memref<1x64x128xf32, #tpu.memory_space<vmem>> -> memref<64x128xf32, #tpu.memory_space<vmem>>
        %dma_start3A_2032 = tpu.memref_slice %arg2[%add3A, %shift_right_arithmetic3A_1998, %add3A_2015, %mul3A_2017] : memref<32x3x512x512xf32, #tpu.memory_space<hbm>> -> memref<1x1x64x128xf32, #tpu.memory_space<hbm>>
        %dma_start3A_2033 = tpu.memref_squeeze %dma_start3A_2032 : memref<1x1x64x128xf32, #tpu.memory_space<hbm>> -> memref<64x128xf32, #tpu.memory_space<hbm>>
        tpu.enqueue_dma source(%dma_start3A_2033 : memref<64x128xf32, #tpu.memory_space<hbm>>) target(%dma_start3A_2031 : memref<64x128xf32, #tpu.memory_space<vmem>>) target_semaphore(%dma_start3A_2027 : memref<!tpu.dma_semaphore, #tpu.memory_space<semaphore_mem>>)
        %dma_wait3A_2034 = arith.constant 6 : i32
        %dma_wait3A_2035 = arith.constant 0 : i32
        %dma_wait3A_2036 = arith.constant 6 : i32
        %dma_wait3A_2037 = arith.constant 0 : i32
        %dma_wait3A_2038 = arith.constant 0 : i32
        %dma_wait3A_2039 = tpu.memref_slice %arg7[%dma_wait3A_2034, %dma_wait3A_2037, %dma_wait3A_2038] : memref<12x64x128xf32, #tpu.memory_space<vmem>> -> memref<1x64x128xf32, #tpu.memory_space<vmem>>
        %dma_wait3A_2040 = tpu.memref_squeeze %dma_wait3A_2039 : memref<1x64x128xf32, #tpu.memory_space<vmem>> -> memref<64x128xf32, #tpu.memory_space<vmem>>
        %dma_wait3A_2041 = arith.constant 0 : i32
        %dma_wait3A_2042 = arith.constant 0 : i32
        %dma_wait3A_2043 = tpu.memref_slice %arg4[%add3A, %dma_wait3A_2035, %dma_wait3A_2041, %dma_wait3A_2042] : memref<32x3x512x512xf32, #tpu.memory_space<hbm>> -> memref<1x1x64x128xf32, #tpu.memory_space<hbm>>
        %dma_wait3A_2044 = tpu.memref_squeeze %dma_wait3A_2043 : memref<1x1x64x128xf32, #tpu.memory_space<hbm>> -> memref<64x128xf32, #tpu.memory_space<hbm>>
        %dma_wait3A_2045 = tpu.memref_slice %arg9[%dma_wait3A_2036] : memref<12x!tpu.dma_semaphore, #tpu.memory_space<semaphore_mem>> -> memref<1x!tpu.dma_semaphore, #tpu.memory_space<semaphore_mem>>
        %dma_wait3A_2046 = tpu.memref_squeeze %dma_wait3A_2045 : memref<1x!tpu.dma_semaphore, #tpu.memory_space<semaphore_mem>> -> memref<!tpu.dma_semaphore, #tpu.memory_space<semaphore_mem>>
        %dma_wait3A_2047 = arith.constant 0 : i32
        %dma_wait3A_2048 = arith.constant 0 : i32
        %dma_wait3A_2049 = tpu.memref_slice %arg4[%add3A, %dma_wait3A_2035, %dma_wait3A_2047, %dma_wait3A_2048] : memref<32x3x512x512xf32, #tpu.memory_space<hbm>> -> memref<1x1x64x128xf32, #tpu.memory_space<hbm>>
        %dma_wait3A_2050 = tpu.memref_squeeze %dma_wait3A_2049 : memref<1x1x64x128xf32, #tpu.memory_space<hbm>> -> memref<64x128xf32, #tpu.memory_space<hbm>>
        %dma_wait3A_2051 = arith.constant 0 : i32
        %dma_wait3A_2052 = arith.constant 0 : i32
        %dma_wait3A_2053 = tpu.memref_slice %arg7[%dma_wait3A_2034, %dma_wait3A_2051, %dma_wait3A_2052] : memref<12x64x128xf32, #tpu.memory_space<vmem>> -> memref<1x64x128xf32, #tpu.memory_space<vmem>>
        %dma_wait3A_2054 = tpu.memref_squeeze %dma_wait3A_2053 : memref<1x64x128xf32, #tpu.memory_space<vmem>> -> memref<64x128xf32, #tpu.memory_space<vmem>>
        tpu.wait_dma2 semaphore(%dma_wait3A_2046 : memref<!tpu.dma_semaphore, #tpu.memory_space<semaphore_mem>>) src(%dma_wait3A_2054 : memref<64x128xf32, #tpu.memory_space<vmem>>) dst(%dma_wait3A_2050 : memref<64x128xf32, #tpu.memory_space<hbm>>)
        %add3A_2055 = arith.constant 12 : i32
        %add3A_2056 = arith.addi %mul3A_962, %add3A_2055 : i32
        %add3A_2057 = arith.constant 6 : i32
        %add3A_2058 = arith.addi %add3A_2056, %add3A_2057 : i32
        %shift_right_arithmetic3A_2059 = arith.constant 5 : i32
        %shift_right_arithmetic3A_2060 = arith.shrsi %add3A_2058, %shift_right_arithmetic3A_2059 : i32
        %shift_right_arithmetic3A_2061 = arith.constant 1 : i32
        %shift_right_arithmetic3A_2062 = arith.shrsi %add3A_2058, %shift_right_arithmetic3A_2061 : i32
        %and3A_2063 = arith.constant 15 : i32
        %and3A_2064 = arith.andi %shift_right_arithmetic3A_2062, %and3A_2063 : i32
        %and3A_2065 = arith.constant 1 : i32
        %and3A_2066 = arith.andi %add3A_2058, %and3A_2065 : i32
        %get3A_2067 = arith.index_cast %and3A_2064 : i32 to index
        %get3A_2068 = memref.load %arg6[%get3A_2067] : memref<16xi32, #tpu.memory_space<smem>>
        %shift_right_arithmetic3A_2069 = arith.constant 2 : i32
        %shift_right_arithmetic3A_2070 = arith.shrsi %get3A_2068, %shift_right_arithmetic3A_2069 : i32
        %and3A_2071 = arith.constant 3 : i32
        %and3A_2072 = arith.andi %get3A_2068, %and3A_2071 : i32
        %mul3A_2073 = arith.constant 128 : i32
        %mul3A_2074 = arith.muli %shift_right_arithmetic3A_2070, %mul3A_2073 : i32
        %mul3A_2075 = arith.constant 64 : i32
        %mul3A_2076 = arith.muli %and3A_2066, %mul3A_2075 : i32
        %add3A_2077 = arith.addi %mul3A_2074, %mul3A_2076 : i32
        %mul3A_2078 = arith.constant 128 : i32
        %mul3A_2079 = arith.muli %and3A_2072, %mul3A_2078 : i32
        %dma_start3A_2080 = arith.constant 6 : i32
        %dma_start3A_2081 = arith.constant 6 : i32
        %dma_start3A_2082 = arith.constant 0 : i32
        %dma_start3A_2083 = arith.constant 0 : i32
        %dma_start3A_2084 = tpu.memref_slice %arg7[%dma_start3A_2080, %dma_start3A_2082, %dma_start3A_2083] : memref<12x64x128xf32, #tpu.memory_space<vmem>> -> memref<1x64x128xf32, #tpu.memory_space<vmem>>
        %dma_start3A_2085 = tpu.memref_squeeze %dma_start3A_2084 : memref<1x64x128xf32, #tpu.memory_space<vmem>> -> memref<64x128xf32, #tpu.memory_space<vmem>>
        %dma_start3A_2086 = tpu.memref_slice %arg2[%add3A, %shift_right_arithmetic3A_2060, %add3A_2077, %mul3A_2079] : memref<32x3x512x512xf32, #tpu.memory_space<hbm>> -> memref<1x1x64x128xf32, #tpu.memory_space<hbm>>
        %dma_start3A_2087 = tpu.memref_squeeze %dma_start3A_2086 : memref<1x1x64x128xf32, #tpu.memory_space<hbm>> -> memref<64x128xf32, #tpu.memory_space<hbm>>
        %dma_start3A_2088 = tpu.memref_slice %arg8[%dma_start3A_2081] : memref<12x!tpu.dma_semaphore, #tpu.memory_space<semaphore_mem>> -> memref<1x!tpu.dma_semaphore, #tpu.memory_space<semaphore_mem>>
        %dma_start3A_2089 = tpu.memref_squeeze %dma_start3A_2088 : memref<1x!tpu.dma_semaphore, #tpu.memory_space<semaphore_mem>> -> memref<!tpu.dma_semaphore, #tpu.memory_space<semaphore_mem>>
        %dma_start3A_2090 = arith.constant 0 : i32
        %dma_start3A_2091 = arith.constant 0 : i32
        %dma_start3A_2092 = tpu.memref_slice %arg7[%dma_start3A_2080, %dma_start3A_2090, %dma_start3A_2091] : memref<12x64x128xf32, #tpu.memory_space<vmem>> -> memref<1x64x128xf32, #tpu.memory_space<vmem>>
        %dma_start3A_2093 = tpu.memref_squeeze %dma_start3A_2092 : memref<1x64x128xf32, #tpu.memory_space<vmem>> -> memref<64x128xf32, #tpu.memory_space<vmem>>
        %dma_start3A_2094 = tpu.memref_slice %arg2[%add3A, %shift_right_arithmetic3A_2060, %add3A_2077, %mul3A_2079] : memref<32x3x512x512xf32, #tpu.memory_space<hbm>> -> memref<1x1x64x128xf32, #tpu.memory_space<hbm>>
        %dma_start3A_2095 = tpu.memref_squeeze %dma_start3A_2094 : memref<1x1x64x128xf32, #tpu.memory_space<hbm>> -> memref<64x128xf32, #tpu.memory_space<hbm>>
        tpu.enqueue_dma source(%dma_start3A_2095 : memref<64x128xf32, #tpu.memory_space<hbm>>) target(%dma_start3A_2093 : memref<64x128xf32, #tpu.memory_space<vmem>>) target_semaphore(%dma_start3A_2089 : memref<!tpu.dma_semaphore, #tpu.memory_space<semaphore_mem>>)
        %dma_wait3A_2096 = arith.constant 7 : i32
        %dma_wait3A_2097 = arith.constant 0 : i32
        %dma_wait3A_2098 = arith.constant 7 : i32
        %dma_wait3A_2099 = arith.constant 0 : i32
        %dma_wait3A_2100 = arith.constant 0 : i32
        %dma_wait3A_2101 = tpu.memref_slice %arg7[%dma_wait3A_2096, %dma_wait3A_2099, %dma_wait3A_2100] : memref<12x64x128xf32, #tpu.memory_space<vmem>> -> memref<1x64x128xf32, #tpu.memory_space<vmem>>
        %dma_wait3A_2102 = tpu.memref_squeeze %dma_wait3A_2101 : memref<1x64x128xf32, #tpu.memory_space<vmem>> -> memref<64x128xf32, #tpu.memory_space<vmem>>
        %dma_wait3A_2103 = arith.constant 0 : i32
        %dma_wait3A_2104 = arith.constant 0 : i32
        %dma_wait3A_2105 = tpu.memref_slice %arg4[%add3A, %dma_wait3A_2097, %dma_wait3A_2103, %dma_wait3A_2104] : memref<32x3x512x512xf32, #tpu.memory_space<hbm>> -> memref<1x1x64x128xf32, #tpu.memory_space<hbm>>
        %dma_wait3A_2106 = tpu.memref_squeeze %dma_wait3A_2105 : memref<1x1x64x128xf32, #tpu.memory_space<hbm>> -> memref<64x128xf32, #tpu.memory_space<hbm>>
        %dma_wait3A_2107 = tpu.memref_slice %arg9[%dma_wait3A_2098] : memref<12x!tpu.dma_semaphore, #tpu.memory_space<semaphore_mem>> -> memref<1x!tpu.dma_semaphore, #tpu.memory_space<semaphore_mem>>
        %dma_wait3A_2108 = tpu.memref_squeeze %dma_wait3A_2107 : memref<1x!tpu.dma_semaphore, #tpu.memory_space<semaphore_mem>> -> memref<!tpu.dma_semaphore, #tpu.memory_space<semaphore_mem>>
        %dma_wait3A_2109 = arith.constant 0 : i32
        %dma_wait3A_2110 = arith.constant 0 : i32
        %dma_wait3A_2111 = tpu.memref_slice %arg4[%add3A, %dma_wait3A_2097, %dma_wait3A_2109, %dma_wait3A_2110] : memref<32x3x512x512xf32, #tpu.memory_space<hbm>> -> memref<1x1x64x128xf32, #tpu.memory_space<hbm>>
        %dma_wait3A_2112 = tpu.memref_squeeze %dma_wait3A_2111 : memref<1x1x64x128xf32, #tpu.memory_space<hbm>> -> memref<64x128xf32, #tpu.memory_space<hbm>>
        %dma_wait3A_2113 = arith.constant 0 : i32
        %dma_wait3A_2114 = arith.constant 0 : i32
        %dma_wait3A_2115 = tpu.memref_slice %arg7[%dma_wait3A_2096, %dma_wait3A_2113, %dma_wait3A_2114] : memref<12x64x128xf32, #tpu.memory_space<vmem>> -> memref<1x64x128xf32, #tpu.memory_space<vmem>>
        %dma_wait3A_2116 = tpu.memref_squeeze %dma_wait3A_2115 : memref<1x64x128xf32, #tpu.memory_space<vmem>> -> memref<64x128xf32, #tpu.memory_space<vmem>>
        tpu.wait_dma2 semaphore(%dma_wait3A_2108 : memref<!tpu.dma_semaphore, #tpu.memory_space<semaphore_mem>>) src(%dma_wait3A_2116 : memref<64x128xf32, #tpu.memory_space<vmem>>) dst(%dma_wait3A_2112 : memref<64x128xf32, #tpu.memory_space<hbm>>)
        %add3A_2117 = arith.constant 12 : i32
        %add3A_2118 = arith.addi %mul3A_962, %add3A_2117 : i32
        %add3A_2119 = arith.constant 7 : i32
        %add3A_2120 = arith.addi %add3A_2118, %add3A_2119 : i32
        %shift_right_arithmetic3A_2121 = arith.constant 5 : i32
        %shift_right_arithmetic3A_2122 = arith.shrsi %add3A_2120, %shift_right_arithmetic3A_2121 : i32
        %shift_right_arithmetic3A_2123 = arith.constant 1 : i32
        %shift_right_arithmetic3A_2124 = arith.shrsi %add3A_2120, %shift_right_arithmetic3A_2123 : i32
        %and3A_2125 = arith.constant 15 : i32
        %and3A_2126 = arith.andi %shift_right_arithmetic3A_2124, %and3A_2125 : i32
        %and3A_2127 = arith.constant 1 : i32
        %and3A_2128 = arith.andi %add3A_2120, %and3A_2127 : i32
        %get3A_2129 = arith.index_cast %and3A_2126 : i32 to index
        %get3A_2130 = memref.load %arg6[%get3A_2129] : memref<16xi32, #tpu.memory_space<smem>>
        %shift_right_arithmetic3A_2131 = arith.constant 2 : i32
        %shift_right_arithmetic3A_2132 = arith.shrsi %get3A_2130, %shift_right_arithmetic3A_2131 : i32
        %and3A_2133 = arith.constant 3 : i32
        %and3A_2134 = arith.andi %get3A_2130, %and3A_2133 : i32
        %mul3A_2135 = arith.constant 128 : i32
        %mul3A_2136 = arith.muli %shift_right_arithmetic3A_2132, %mul3A_2135 : i32
        %mul3A_2137 = arith.constant 64 : i32
        %mul3A_2138 = arith.muli %and3A_2128, %mul3A_2137 : i32
        %add3A_2139 = arith.addi %mul3A_2136, %mul3A_2138 : i32
        %mul3A_2140 = arith.constant 128 : i32
        %mul3A_2141 = arith.muli %and3A_2134, %mul3A_2140 : i32
        %dma_start3A_2142 = arith.constant 7 : i32
        %dma_start3A_2143 = arith.constant 7 : i32
        %dma_start3A_2144 = arith.constant 0 : i32
        %dma_start3A_2145 = arith.constant 0 : i32
        %dma_start3A_2146 = tpu.memref_slice %arg7[%dma_start3A_2142, %dma_start3A_2144, %dma_start3A_2145] : memref<12x64x128xf32, #tpu.memory_space<vmem>> -> memref<1x64x128xf32, #tpu.memory_space<vmem>>
        %dma_start3A_2147 = tpu.memref_squeeze %dma_start3A_2146 : memref<1x64x128xf32, #tpu.memory_space<vmem>> -> memref<64x128xf32, #tpu.memory_space<vmem>>
        %dma_start3A_2148 = tpu.memref_slice %arg2[%add3A, %shift_right_arithmetic3A_2122, %add3A_2139, %mul3A_2141] : memref<32x3x512x512xf32, #tpu.memory_space<hbm>> -> memref<1x1x64x128xf32, #tpu.memory_space<hbm>>
        %dma_start3A_2149 = tpu.memref_squeeze %dma_start3A_2148 : memref<1x1x64x128xf32, #tpu.memory_space<hbm>> -> memref<64x128xf32, #tpu.memory_space<hbm>>
        %dma_start3A_2150 = tpu.memref_slice %arg8[%dma_start3A_2143] : memref<12x!tpu.dma_semaphore, #tpu.memory_space<semaphore_mem>> -> memref<1x!tpu.dma_semaphore, #tpu.memory_space<semaphore_mem>>
        %dma_start3A_2151 = tpu.memref_squeeze %dma_start3A_2150 : memref<1x!tpu.dma_semaphore, #tpu.memory_space<semaphore_mem>> -> memref<!tpu.dma_semaphore, #tpu.memory_space<semaphore_mem>>
        %dma_start3A_2152 = arith.constant 0 : i32
        %dma_start3A_2153 = arith.constant 0 : i32
        %dma_start3A_2154 = tpu.memref_slice %arg7[%dma_start3A_2142, %dma_start3A_2152, %dma_start3A_2153] : memref<12x64x128xf32, #tpu.memory_space<vmem>> -> memref<1x64x128xf32, #tpu.memory_space<vmem>>
        %dma_start3A_2155 = tpu.memref_squeeze %dma_start3A_2154 : memref<1x64x128xf32, #tpu.memory_space<vmem>> -> memref<64x128xf32, #tpu.memory_space<vmem>>
        %dma_start3A_2156 = tpu.memref_slice %arg2[%add3A, %shift_right_arithmetic3A_2122, %add3A_2139, %mul3A_2141] : memref<32x3x512x512xf32, #tpu.memory_space<hbm>> -> memref<1x1x64x128xf32, #tpu.memory_space<hbm>>
        %dma_start3A_2157 = tpu.memref_squeeze %dma_start3A_2156 : memref<1x1x64x128xf32, #tpu.memory_space<hbm>> -> memref<64x128xf32, #tpu.memory_space<hbm>>
        tpu.enqueue_dma source(%dma_start3A_2157 : memref<64x128xf32, #tpu.memory_space<hbm>>) target(%dma_start3A_2155 : memref<64x128xf32, #tpu.memory_space<vmem>>) target_semaphore(%dma_start3A_2151 : memref<!tpu.dma_semaphore, #tpu.memory_space<semaphore_mem>>)
        %dma_wait3A_2158 = arith.constant 8 : i32
        %dma_wait3A_2159 = arith.constant 0 : i32
        %dma_wait3A_2160 = arith.constant 8 : i32
        %dma_wait3A_2161 = arith.constant 0 : i32
        %dma_wait3A_2162 = arith.constant 0 : i32
        %dma_wait3A_2163 = tpu.memref_slice %arg7[%dma_wait3A_2158, %dma_wait3A_2161, %dma_wait3A_2162] : memref<12x64x128xf32, #tpu.memory_space<vmem>> -> memref<1x64x128xf32, #tpu.memory_space<vmem>>
        %dma_wait3A_2164 = tpu.memref_squeeze %dma_wait3A_2163 : memref<1x64x128xf32, #tpu.memory_space<vmem>> -> memref<64x128xf32, #tpu.memory_space<vmem>>
        %dma_wait3A_2165 = arith.constant 0 : i32
        %dma_wait3A_2166 = arith.constant 0 : i32
        %dma_wait3A_2167 = tpu.memref_slice %arg4[%add3A, %dma_wait3A_2159, %dma_wait3A_2165, %dma_wait3A_2166] : memref<32x3x512x512xf32, #tpu.memory_space<hbm>> -> memref<1x1x64x128xf32, #tpu.memory_space<hbm>>
        %dma_wait3A_2168 = tpu.memref_squeeze %dma_wait3A_2167 : memref<1x1x64x128xf32, #tpu.memory_space<hbm>> -> memref<64x128xf32, #tpu.memory_space<hbm>>
        %dma_wait3A_2169 = tpu.memref_slice %arg9[%dma_wait3A_2160] : memref<12x!tpu.dma_semaphore, #tpu.memory_space<semaphore_mem>> -> memref<1x!tpu.dma_semaphore, #tpu.memory_space<semaphore_mem>>
        %dma_wait3A_2170 = tpu.memref_squeeze %dma_wait3A_2169 : memref<1x!tpu.dma_semaphore, #tpu.memory_space<semaphore_mem>> -> memref<!tpu.dma_semaphore, #tpu.memory_space<semaphore_mem>>
        %dma_wait3A_2171 = arith.constant 0 : i32
        %dma_wait3A_2172 = arith.constant 0 : i32
        %dma_wait3A_2173 = tpu.memref_slice %arg4[%add3A, %dma_wait3A_2159, %dma_wait3A_2171, %dma_wait3A_2172] : memref<32x3x512x512xf32, #tpu.memory_space<hbm>> -> memref<1x1x64x128xf32, #tpu.memory_space<hbm>>
        %dma_wait3A_2174 = tpu.memref_squeeze %dma_wait3A_2173 : memref<1x1x64x128xf32, #tpu.memory_space<hbm>> -> memref<64x128xf32, #tpu.memory_space<hbm>>
        %dma_wait3A_2175 = arith.constant 0 : i32
        %dma_wait3A_2176 = arith.constant 0 : i32
        %dma_wait3A_2177 = tpu.memref_slice %arg7[%dma_wait3A_2158, %dma_wait3A_2175, %dma_wait3A_2176] : memref<12x64x128xf32, #tpu.memory_space<vmem>> -> memref<1x64x128xf32, #tpu.memory_space<vmem>>
        %dma_wait3A_2178 = tpu.memref_squeeze %dma_wait3A_2177 : memref<1x64x128xf32, #tpu.memory_space<vmem>> -> memref<64x128xf32, #tpu.memory_space<vmem>>
        tpu.wait_dma2 semaphore(%dma_wait3A_2170 : memref<!tpu.dma_semaphore, #tpu.memory_space<semaphore_mem>>) src(%dma_wait3A_2178 : memref<64x128xf32, #tpu.memory_space<vmem>>) dst(%dma_wait3A_2174 : memref<64x128xf32, #tpu.memory_space<hbm>>)
        %add3A_2179 = arith.constant 12 : i32
        %add3A_2180 = arith.addi %mul3A_962, %add3A_2179 : i32
        %add3A_2181 = arith.constant 8 : i32
        %add3A_2182 = arith.addi %add3A_2180, %add3A_2181 : i32
        %shift_right_arithmetic3A_2183 = arith.constant 5 : i32
        %shift_right_arithmetic3A_2184 = arith.shrsi %add3A_2182, %shift_right_arithmetic3A_2183 : i32
        %shift_right_arithmetic3A_2185 = arith.constant 1 : i32
        %shift_right_arithmetic3A_2186 = arith.shrsi %add3A_2182, %shift_right_arithmetic3A_2185 : i32
        %and3A_2187 = arith.constant 15 : i32
        %and3A_2188 = arith.andi %shift_right_arithmetic3A_2186, %and3A_2187 : i32
        %and3A_2189 = arith.constant 1 : i32
        %and3A_2190 = arith.andi %add3A_2182, %and3A_2189 : i32
        %get3A_2191 = arith.index_cast %and3A_2188 : i32 to index
        %get3A_2192 = memref.load %arg6[%get3A_2191] : memref<16xi32, #tpu.memory_space<smem>>
        %shift_right_arithmetic3A_2193 = arith.constant 2 : i32
        %shift_right_arithmetic3A_2194 = arith.shrsi %get3A_2192, %shift_right_arithmetic3A_2193 : i32
        %and3A_2195 = arith.constant 3 : i32
        %and3A_2196 = arith.andi %get3A_2192, %and3A_2195 : i32
        %mul3A_2197 = arith.constant 128 : i32
        %mul3A_2198 = arith.muli %shift_right_arithmetic3A_2194, %mul3A_2197 : i32
        %mul3A_2199 = arith.constant 64 : i32
        %mul3A_2200 = arith.muli %and3A_2190, %mul3A_2199 : i32
        %add3A_2201 = arith.addi %mul3A_2198, %mul3A_2200 : i32
        %mul3A_2202 = arith.constant 128 : i32
        %mul3A_2203 = arith.muli %and3A_2196, %mul3A_2202 : i32
        %dma_start3A_2204 = arith.constant 8 : i32
        %dma_start3A_2205 = arith.constant 8 : i32
        %dma_start3A_2206 = arith.constant 0 : i32
        %dma_start3A_2207 = arith.constant 0 : i32
        %dma_start3A_2208 = tpu.memref_slice %arg7[%dma_start3A_2204, %dma_start3A_2206, %dma_start3A_2207] : memref<12x64x128xf32, #tpu.memory_space<vmem>> -> memref<1x64x128xf32, #tpu.memory_space<vmem>>
        %dma_start3A_2209 = tpu.memref_squeeze %dma_start3A_2208 : memref<1x64x128xf32, #tpu.memory_space<vmem>> -> memref<64x128xf32, #tpu.memory_space<vmem>>
        %dma_start3A_2210 = tpu.memref_slice %arg2[%add3A, %shift_right_arithmetic3A_2184, %add3A_2201, %mul3A_2203] : memref<32x3x512x512xf32, #tpu.memory_space<hbm>> -> memref<1x1x64x128xf32, #tpu.memory_space<hbm>>
        %dma_start3A_2211 = tpu.memref_squeeze %dma_start3A_2210 : memref<1x1x64x128xf32, #tpu.memory_space<hbm>> -> memref<64x128xf32, #tpu.memory_space<hbm>>
        %dma_start3A_2212 = tpu.memref_slice %arg8[%dma_start3A_2205] : memref<12x!tpu.dma_semaphore, #tpu.memory_space<semaphore_mem>> -> memref<1x!tpu.dma_semaphore, #tpu.memory_space<semaphore_mem>>
        %dma_start3A_2213 = tpu.memref_squeeze %dma_start3A_2212 : memref<1x!tpu.dma_semaphore, #tpu.memory_space<semaphore_mem>> -> memref<!tpu.dma_semaphore, #tpu.memory_space<semaphore_mem>>
        %dma_start3A_2214 = arith.constant 0 : i32
        %dma_start3A_2215 = arith.constant 0 : i32
        %dma_start3A_2216 = tpu.memref_slice %arg7[%dma_start3A_2204, %dma_start3A_2214, %dma_start3A_2215] : memref<12x64x128xf32, #tpu.memory_space<vmem>> -> memref<1x64x128xf32, #tpu.memory_space<vmem>>
        %dma_start3A_2217 = tpu.memref_squeeze %dma_start3A_2216 : memref<1x64x128xf32, #tpu.memory_space<vmem>> -> memref<64x128xf32, #tpu.memory_space<vmem>>
        %dma_start3A_2218 = tpu.memref_slice %arg2[%add3A, %shift_right_arithmetic3A_2184, %add3A_2201, %mul3A_2203] : memref<32x3x512x512xf32, #tpu.memory_space<hbm>> -> memref<1x1x64x128xf32, #tpu.memory_space<hbm>>
        %dma_start3A_2219 = tpu.memref_squeeze %dma_start3A_2218 : memref<1x1x64x128xf32, #tpu.memory_space<hbm>> -> memref<64x128xf32, #tpu.memory_space<hbm>>
        tpu.enqueue_dma source(%dma_start3A_2219 : memref<64x128xf32, #tpu.memory_space<hbm>>) target(%dma_start3A_2217 : memref<64x128xf32, #tpu.memory_space<vmem>>) target_semaphore(%dma_start3A_2213 : memref<!tpu.dma_semaphore, #tpu.memory_space<semaphore_mem>>)
        %dma_wait3A_2220 = arith.constant 9 : i32
        %dma_wait3A_2221 = arith.constant 0 : i32
        %dma_wait3A_2222 = arith.constant 9 : i32
        %dma_wait3A_2223 = arith.constant 0 : i32
        %dma_wait3A_2224 = arith.constant 0 : i32
        %dma_wait3A_2225 = tpu.memref_slice %arg7[%dma_wait3A_2220, %dma_wait3A_2223, %dma_wait3A_2224] : memref<12x64x128xf32, #tpu.memory_space<vmem>> -> memref<1x64x128xf32, #tpu.memory_space<vmem>>
        %dma_wait3A_2226 = tpu.memref_squeeze %dma_wait3A_2225 : memref<1x64x128xf32, #tpu.memory_space<vmem>> -> memref<64x128xf32, #tpu.memory_space<vmem>>
        %dma_wait3A_2227 = arith.constant 0 : i32
        %dma_wait3A_2228 = arith.constant 0 : i32
        %dma_wait3A_2229 = tpu.memref_slice %arg4[%add3A, %dma_wait3A_2221, %dma_wait3A_2227, %dma_wait3A_2228] : memref<32x3x512x512xf32, #tpu.memory_space<hbm>> -> memref<1x1x64x128xf32, #tpu.memory_space<hbm>>
        %dma_wait3A_2230 = tpu.memref_squeeze %dma_wait3A_2229 : memref<1x1x64x128xf32, #tpu.memory_space<hbm>> -> memref<64x128xf32, #tpu.memory_space<hbm>>
        %dma_wait3A_2231 = tpu.memref_slice %arg9[%dma_wait3A_2222] : memref<12x!tpu.dma_semaphore, #tpu.memory_space<semaphore_mem>> -> memref<1x!tpu.dma_semaphore, #tpu.memory_space<semaphore_mem>>
        %dma_wait3A_2232 = tpu.memref_squeeze %dma_wait3A_2231 : memref<1x!tpu.dma_semaphore, #tpu.memory_space<semaphore_mem>> -> memref<!tpu.dma_semaphore, #tpu.memory_space<semaphore_mem>>
        %dma_wait3A_2233 = arith.constant 0 : i32
        %dma_wait3A_2234 = arith.constant 0 : i32
        %dma_wait3A_2235 = tpu.memref_slice %arg4[%add3A, %dma_wait3A_2221, %dma_wait3A_2233, %dma_wait3A_2234] : memref<32x3x512x512xf32, #tpu.memory_space<hbm>> -> memref<1x1x64x128xf32, #tpu.memory_space<hbm>>
        %dma_wait3A_2236 = tpu.memref_squeeze %dma_wait3A_2235 : memref<1x1x64x128xf32, #tpu.memory_space<hbm>> -> memref<64x128xf32, #tpu.memory_space<hbm>>
        %dma_wait3A_2237 = arith.constant 0 : i32
        %dma_wait3A_2238 = arith.constant 0 : i32
        %dma_wait3A_2239 = tpu.memref_slice %arg7[%dma_wait3A_2220, %dma_wait3A_2237, %dma_wait3A_2238] : memref<12x64x128xf32, #tpu.memory_space<vmem>> -> memref<1x64x128xf32, #tpu.memory_space<vmem>>
        %dma_wait3A_2240 = tpu.memref_squeeze %dma_wait3A_2239 : memref<1x64x128xf32, #tpu.memory_space<vmem>> -> memref<64x128xf32, #tpu.memory_space<vmem>>
        tpu.wait_dma2 semaphore(%dma_wait3A_2232 : memref<!tpu.dma_semaphore, #tpu.memory_space<semaphore_mem>>) src(%dma_wait3A_2240 : memref<64x128xf32, #tpu.memory_space<vmem>>) dst(%dma_wait3A_2236 : memref<64x128xf32, #tpu.memory_space<hbm>>)
        %add3A_2241 = arith.constant 12 : i32
        %add3A_2242 = arith.addi %mul3A_962, %add3A_2241 : i32
        %add3A_2243 = arith.constant 9 : i32
        %add3A_2244 = arith.addi %add3A_2242, %add3A_2243 : i32
        %shift_right_arithmetic3A_2245 = arith.constant 5 : i32
        %shift_right_arithmetic3A_2246 = arith.shrsi %add3A_2244, %shift_right_arithmetic3A_2245 : i32
        %shift_right_arithmetic3A_2247 = arith.constant 1 : i32
        %shift_right_arithmetic3A_2248 = arith.shrsi %add3A_2244, %shift_right_arithmetic3A_2247 : i32
        %and3A_2249 = arith.constant 15 : i32
        %and3A_2250 = arith.andi %shift_right_arithmetic3A_2248, %and3A_2249 : i32
        %and3A_2251 = arith.constant 1 : i32
        %and3A_2252 = arith.andi %add3A_2244, %and3A_2251 : i32
        %get3A_2253 = arith.index_cast %and3A_2250 : i32 to index
        %get3A_2254 = memref.load %arg6[%get3A_2253] : memref<16xi32, #tpu.memory_space<smem>>
        %shift_right_arithmetic3A_2255 = arith.constant 2 : i32
        %shift_right_arithmetic3A_2256 = arith.shrsi %get3A_2254, %shift_right_arithmetic3A_2255 : i32
        %and3A_2257 = arith.constant 3 : i32
        %and3A_2258 = arith.andi %get3A_2254, %and3A_2257 : i32
        %mul3A_2259 = arith.constant 128 : i32
        %mul3A_2260 = arith.muli %shift_right_arithmetic3A_2256, %mul3A_2259 : i32
        %mul3A_2261 = arith.constant 64 : i32
        %mul3A_2262 = arith.muli %and3A_2252, %mul3A_2261 : i32
        %add3A_2263 = arith.addi %mul3A_2260, %mul3A_2262 : i32
        %mul3A_2264 = arith.constant 128 : i32
        %mul3A_2265 = arith.muli %and3A_2258, %mul3A_2264 : i32
        %dma_start3A_2266 = arith.constant 9 : i32
        %dma_start3A_2267 = arith.constant 9 : i32
        %dma_start3A_2268 = arith.constant 0 : i32
        %dma_start3A_2269 = arith.constant 0 : i32
        %dma_start3A_2270 = tpu.memref_slice %arg7[%dma_start3A_2266, %dma_start3A_2268, %dma_start3A_2269] : memref<12x64x128xf32, #tpu.memory_space<vmem>> -> memref<1x64x128xf32, #tpu.memory_space<vmem>>
        %dma_start3A_2271 = tpu.memref_squeeze %dma_start3A_2270 : memref<1x64x128xf32, #tpu.memory_space<vmem>> -> memref<64x128xf32, #tpu.memory_space<vmem>>
        %dma_start3A_2272 = tpu.memref_slice %arg2[%add3A, %shift_right_arithmetic3A_2246, %add3A_2263, %mul3A_2265] : memref<32x3x512x512xf32, #tpu.memory_space<hbm>> -> memref<1x1x64x128xf32, #tpu.memory_space<hbm>>
        %dma_start3A_2273 = tpu.memref_squeeze %dma_start3A_2272 : memref<1x1x64x128xf32, #tpu.memory_space<hbm>> -> memref<64x128xf32, #tpu.memory_space<hbm>>
        %dma_start3A_2274 = tpu.memref_slice %arg8[%dma_start3A_2267] : memref<12x!tpu.dma_semaphore, #tpu.memory_space<semaphore_mem>> -> memref<1x!tpu.dma_semaphore, #tpu.memory_space<semaphore_mem>>
        %dma_start3A_2275 = tpu.memref_squeeze %dma_start3A_2274 : memref<1x!tpu.dma_semaphore, #tpu.memory_space<semaphore_mem>> -> memref<!tpu.dma_semaphore, #tpu.memory_space<semaphore_mem>>
        %dma_start3A_2276 = arith.constant 0 : i32
        %dma_start3A_2277 = arith.constant 0 : i32
        %dma_start3A_2278 = tpu.memref_slice %arg7[%dma_start3A_2266, %dma_start3A_2276, %dma_start3A_2277] : memref<12x64x128xf32, #tpu.memory_space<vmem>> -> memref<1x64x128xf32, #tpu.memory_space<vmem>>
        %dma_start3A_2279 = tpu.memref_squeeze %dma_start3A_2278 : memref<1x64x128xf32, #tpu.memory_space<vmem>> -> memref<64x128xf32, #tpu.memory_space<vmem>>
        %dma_start3A_2280 = tpu.memref_slice %arg2[%add3A, %shift_right_arithmetic3A_2246, %add3A_2263, %mul3A_2265] : memref<32x3x512x512xf32, #tpu.memory_space<hbm>> -> memref<1x1x64x128xf32, #tpu.memory_space<hbm>>
        %dma_start3A_2281 = tpu.memref_squeeze %dma_start3A_2280 : memref<1x1x64x128xf32, #tpu.memory_space<hbm>> -> memref<64x128xf32, #tpu.memory_space<hbm>>
        tpu.enqueue_dma source(%dma_start3A_2281 : memref<64x128xf32, #tpu.memory_space<hbm>>) target(%dma_start3A_2279 : memref<64x128xf32, #tpu.memory_space<vmem>>) target_semaphore(%dma_start3A_2275 : memref<!tpu.dma_semaphore, #tpu.memory_space<semaphore_mem>>)
        %dma_wait3A_2282 = arith.constant 10 : i32
        %dma_wait3A_2283 = arith.constant 0 : i32
        %dma_wait3A_2284 = arith.constant 10 : i32
        %dma_wait3A_2285 = arith.constant 0 : i32
        %dma_wait3A_2286 = arith.constant 0 : i32
        %dma_wait3A_2287 = tpu.memref_slice %arg7[%dma_wait3A_2282, %dma_wait3A_2285, %dma_wait3A_2286] : memref<12x64x128xf32, #tpu.memory_space<vmem>> -> memref<1x64x128xf32, #tpu.memory_space<vmem>>
        %dma_wait3A_2288 = tpu.memref_squeeze %dma_wait3A_2287 : memref<1x64x128xf32, #tpu.memory_space<vmem>> -> memref<64x128xf32, #tpu.memory_space<vmem>>
        %dma_wait3A_2289 = arith.constant 0 : i32
        %dma_wait3A_2290 = arith.constant 0 : i32
        %dma_wait3A_2291 = tpu.memref_slice %arg4[%add3A, %dma_wait3A_2283, %dma_wait3A_2289, %dma_wait3A_2290] : memref<32x3x512x512xf32, #tpu.memory_space<hbm>> -> memref<1x1x64x128xf32, #tpu.memory_space<hbm>>
        %dma_wait3A_2292 = tpu.memref_squeeze %dma_wait3A_2291 : memref<1x1x64x128xf32, #tpu.memory_space<hbm>> -> memref<64x128xf32, #tpu.memory_space<hbm>>
        %dma_wait3A_2293 = tpu.memref_slice %arg9[%dma_wait3A_2284] : memref<12x!tpu.dma_semaphore, #tpu.memory_space<semaphore_mem>> -> memref<1x!tpu.dma_semaphore, #tpu.memory_space<semaphore_mem>>
        %dma_wait3A_2294 = tpu.memref_squeeze %dma_wait3A_2293 : memref<1x!tpu.dma_semaphore, #tpu.memory_space<semaphore_mem>> -> memref<!tpu.dma_semaphore, #tpu.memory_space<semaphore_mem>>
        %dma_wait3A_2295 = arith.constant 0 : i32
        %dma_wait3A_2296 = arith.constant 0 : i32
        %dma_wait3A_2297 = tpu.memref_slice %arg4[%add3A, %dma_wait3A_2283, %dma_wait3A_2295, %dma_wait3A_2296] : memref<32x3x512x512xf32, #tpu.memory_space<hbm>> -> memref<1x1x64x128xf32, #tpu.memory_space<hbm>>
        %dma_wait3A_2298 = tpu.memref_squeeze %dma_wait3A_2297 : memref<1x1x64x128xf32, #tpu.memory_space<hbm>> -> memref<64x128xf32, #tpu.memory_space<hbm>>
        %dma_wait3A_2299 = arith.constant 0 : i32
        %dma_wait3A_2300 = arith.constant 0 : i32
        %dma_wait3A_2301 = tpu.memref_slice %arg7[%dma_wait3A_2282, %dma_wait3A_2299, %dma_wait3A_2300] : memref<12x64x128xf32, #tpu.memory_space<vmem>> -> memref<1x64x128xf32, #tpu.memory_space<vmem>>
        %dma_wait3A_2302 = tpu.memref_squeeze %dma_wait3A_2301 : memref<1x64x128xf32, #tpu.memory_space<vmem>> -> memref<64x128xf32, #tpu.memory_space<vmem>>
        tpu.wait_dma2 semaphore(%dma_wait3A_2294 : memref<!tpu.dma_semaphore, #tpu.memory_space<semaphore_mem>>) src(%dma_wait3A_2302 : memref<64x128xf32, #tpu.memory_space<vmem>>) dst(%dma_wait3A_2298 : memref<64x128xf32, #tpu.memory_space<hbm>>)
        %add3A_2303 = arith.constant 12 : i32
        %add3A_2304 = arith.addi %mul3A_962, %add3A_2303 : i32
        %add3A_2305 = arith.constant 10 : i32
        %add3A_2306 = arith.addi %add3A_2304, %add3A_2305 : i32
        %shift_right_arithmetic3A_2307 = arith.constant 5 : i32
        %shift_right_arithmetic3A_2308 = arith.shrsi %add3A_2306, %shift_right_arithmetic3A_2307 : i32
        %shift_right_arithmetic3A_2309 = arith.constant 1 : i32
        %shift_right_arithmetic3A_2310 = arith.shrsi %add3A_2306, %shift_right_arithmetic3A_2309 : i32
        %and3A_2311 = arith.constant 15 : i32
        %and3A_2312 = arith.andi %shift_right_arithmetic3A_2310, %and3A_2311 : i32
        %and3A_2313 = arith.constant 1 : i32
        %and3A_2314 = arith.andi %add3A_2306, %and3A_2313 : i32
        %get3A_2315 = arith.index_cast %and3A_2312 : i32 to index
        %get3A_2316 = memref.load %arg6[%get3A_2315] : memref<16xi32, #tpu.memory_space<smem>>
        %shift_right_arithmetic3A_2317 = arith.constant 2 : i32
        %shift_right_arithmetic3A_2318 = arith.shrsi %get3A_2316, %shift_right_arithmetic3A_2317 : i32
        %and3A_2319 = arith.constant 3 : i32
        %and3A_2320 = arith.andi %get3A_2316, %and3A_2319 : i32
        %mul3A_2321 = arith.constant 128 : i32
        %mul3A_2322 = arith.muli %shift_right_arithmetic3A_2318, %mul3A_2321 : i32
        %mul3A_2323 = arith.constant 64 : i32
        %mul3A_2324 = arith.muli %and3A_2314, %mul3A_2323 : i32
        %add3A_2325 = arith.addi %mul3A_2322, %mul3A_2324 : i32
        %mul3A_2326 = arith.constant 128 : i32
        %mul3A_2327 = arith.muli %and3A_2320, %mul3A_2326 : i32
        %dma_start3A_2328 = arith.constant 10 : i32
        %dma_start3A_2329 = arith.constant 10 : i32
        %dma_start3A_2330 = arith.constant 0 : i32
        %dma_start3A_2331 = arith.constant 0 : i32
        %dma_start3A_2332 = tpu.memref_slice %arg7[%dma_start3A_2328, %dma_start3A_2330, %dma_start3A_2331] : memref<12x64x128xf32, #tpu.memory_space<vmem>> -> memref<1x64x128xf32, #tpu.memory_space<vmem>>
        %dma_start3A_2333 = tpu.memref_squeeze %dma_start3A_2332 : memref<1x64x128xf32, #tpu.memory_space<vmem>> -> memref<64x128xf32, #tpu.memory_space<vmem>>
        %dma_start3A_2334 = tpu.memref_slice %arg2[%add3A, %shift_right_arithmetic3A_2308, %add3A_2325, %mul3A_2327] : memref<32x3x512x512xf32, #tpu.memory_space<hbm>> -> memref<1x1x64x128xf32, #tpu.memory_space<hbm>>
        %dma_start3A_2335 = tpu.memref_squeeze %dma_start3A_2334 : memref<1x1x64x128xf32, #tpu.memory_space<hbm>> -> memref<64x128xf32, #tpu.memory_space<hbm>>
        %dma_start3A_2336 = tpu.memref_slice %arg8[%dma_start3A_2329] : memref<12x!tpu.dma_semaphore, #tpu.memory_space<semaphore_mem>> -> memref<1x!tpu.dma_semaphore, #tpu.memory_space<semaphore_mem>>
        %dma_start3A_2337 = tpu.memref_squeeze %dma_start3A_2336 : memref<1x!tpu.dma_semaphore, #tpu.memory_space<semaphore_mem>> -> memref<!tpu.dma_semaphore, #tpu.memory_space<semaphore_mem>>
        %dma_start3A_2338 = arith.constant 0 : i32
        %dma_start3A_2339 = arith.constant 0 : i32
        %dma_start3A_2340 = tpu.memref_slice %arg7[%dma_start3A_2328, %dma_start3A_2338, %dma_start3A_2339] : memref<12x64x128xf32, #tpu.memory_space<vmem>> -> memref<1x64x128xf32, #tpu.memory_space<vmem>>
        %dma_start3A_2341 = tpu.memref_squeeze %dma_start3A_2340 : memref<1x64x128xf32, #tpu.memory_space<vmem>> -> memref<64x128xf32, #tpu.memory_space<vmem>>
        %dma_start3A_2342 = tpu.memref_slice %arg2[%add3A, %shift_right_arithmetic3A_2308, %add3A_2325, %mul3A_2327] : memref<32x3x512x512xf32, #tpu.memory_space<hbm>> -> memref<1x1x64x128xf32, #tpu.memory_space<hbm>>
        %dma_start3A_2343 = tpu.memref_squeeze %dma_start3A_2342 : memref<1x1x64x128xf32, #tpu.memory_space<hbm>> -> memref<64x128xf32, #tpu.memory_space<hbm>>
        tpu.enqueue_dma source(%dma_start3A_2343 : memref<64x128xf32, #tpu.memory_space<hbm>>) target(%dma_start3A_2341 : memref<64x128xf32, #tpu.memory_space<vmem>>) target_semaphore(%dma_start3A_2337 : memref<!tpu.dma_semaphore, #tpu.memory_space<semaphore_mem>>)
        %dma_wait3A_2344 = arith.constant 11 : i32
        %dma_wait3A_2345 = arith.constant 0 : i32
        %dma_wait3A_2346 = arith.constant 11 : i32
        %dma_wait3A_2347 = arith.constant 0 : i32
        %dma_wait3A_2348 = arith.constant 0 : i32
        %dma_wait3A_2349 = tpu.memref_slice %arg7[%dma_wait3A_2344, %dma_wait3A_2347, %dma_wait3A_2348] : memref<12x64x128xf32, #tpu.memory_space<vmem>> -> memref<1x64x128xf32, #tpu.memory_space<vmem>>
        %dma_wait3A_2350 = tpu.memref_squeeze %dma_wait3A_2349 : memref<1x64x128xf32, #tpu.memory_space<vmem>> -> memref<64x128xf32, #tpu.memory_space<vmem>>
        %dma_wait3A_2351 = arith.constant 0 : i32
        %dma_wait3A_2352 = arith.constant 0 : i32
        %dma_wait3A_2353 = tpu.memref_slice %arg4[%add3A, %dma_wait3A_2345, %dma_wait3A_2351, %dma_wait3A_2352] : memref<32x3x512x512xf32, #tpu.memory_space<hbm>> -> memref<1x1x64x128xf32, #tpu.memory_space<hbm>>
        %dma_wait3A_2354 = tpu.memref_squeeze %dma_wait3A_2353 : memref<1x1x64x128xf32, #tpu.memory_space<hbm>> -> memref<64x128xf32, #tpu.memory_space<hbm>>
        %dma_wait3A_2355 = tpu.memref_slice %arg9[%dma_wait3A_2346] : memref<12x!tpu.dma_semaphore, #tpu.memory_space<semaphore_mem>> -> memref<1x!tpu.dma_semaphore, #tpu.memory_space<semaphore_mem>>
        %dma_wait3A_2356 = tpu.memref_squeeze %dma_wait3A_2355 : memref<1x!tpu.dma_semaphore, #tpu.memory_space<semaphore_mem>> -> memref<!tpu.dma_semaphore, #tpu.memory_space<semaphore_mem>>
        %dma_wait3A_2357 = arith.constant 0 : i32
        %dma_wait3A_2358 = arith.constant 0 : i32
        %dma_wait3A_2359 = tpu.memref_slice %arg4[%add3A, %dma_wait3A_2345, %dma_wait3A_2357, %dma_wait3A_2358] : memref<32x3x512x512xf32, #tpu.memory_space<hbm>> -> memref<1x1x64x128xf32, #tpu.memory_space<hbm>>
        %dma_wait3A_2360 = tpu.memref_squeeze %dma_wait3A_2359 : memref<1x1x64x128xf32, #tpu.memory_space<hbm>> -> memref<64x128xf32, #tpu.memory_space<hbm>>
        %dma_wait3A_2361 = arith.constant 0 : i32
        %dma_wait3A_2362 = arith.constant 0 : i32
        %dma_wait3A_2363 = tpu.memref_slice %arg7[%dma_wait3A_2344, %dma_wait3A_2361, %dma_wait3A_2362] : memref<12x64x128xf32, #tpu.memory_space<vmem>> -> memref<1x64x128xf32, #tpu.memory_space<vmem>>
        %dma_wait3A_2364 = tpu.memref_squeeze %dma_wait3A_2363 : memref<1x64x128xf32, #tpu.memory_space<vmem>> -> memref<64x128xf32, #tpu.memory_space<vmem>>
        tpu.wait_dma2 semaphore(%dma_wait3A_2356 : memref<!tpu.dma_semaphore, #tpu.memory_space<semaphore_mem>>) src(%dma_wait3A_2364 : memref<64x128xf32, #tpu.memory_space<vmem>>) dst(%dma_wait3A_2360 : memref<64x128xf32, #tpu.memory_space<hbm>>)
        %add3A_2365 = arith.constant 12 : i32
        %add3A_2366 = arith.addi %mul3A_962, %add3A_2365 : i32
        %add3A_2367 = arith.constant 11 : i32
        %add3A_2368 = arith.addi %add3A_2366, %add3A_2367 : i32
        %shift_right_arithmetic3A_2369 = arith.constant 5 : i32
        %shift_right_arithmetic3A_2370 = arith.shrsi %add3A_2368, %shift_right_arithmetic3A_2369 : i32
        %shift_right_arithmetic3A_2371 = arith.constant 1 : i32
        %shift_right_arithmetic3A_2372 = arith.shrsi %add3A_2368, %shift_right_arithmetic3A_2371 : i32
        %and3A_2373 = arith.constant 15 : i32
        %and3A_2374 = arith.andi %shift_right_arithmetic3A_2372, %and3A_2373 : i32
        %and3A_2375 = arith.constant 1 : i32
        %and3A_2376 = arith.andi %add3A_2368, %and3A_2375 : i32
        %get3A_2377 = arith.index_cast %and3A_2374 : i32 to index
        %get3A_2378 = memref.load %arg6[%get3A_2377] : memref<16xi32, #tpu.memory_space<smem>>
        %shift_right_arithmetic3A_2379 = arith.constant 2 : i32
        %shift_right_arithmetic3A_2380 = arith.shrsi %get3A_2378, %shift_right_arithmetic3A_2379 : i32
        %and3A_2381 = arith.constant 3 : i32
        %and3A_2382 = arith.andi %get3A_2378, %and3A_2381 : i32
        %mul3A_2383 = arith.constant 128 : i32
        %mul3A_2384 = arith.muli %shift_right_arithmetic3A_2380, %mul3A_2383 : i32
        %mul3A_2385 = arith.constant 64 : i32
        %mul3A_2386 = arith.muli %and3A_2376, %mul3A_2385 : i32
        %add3A_2387 = arith.addi %mul3A_2384, %mul3A_2386 : i32
        %mul3A_2388 = arith.constant 128 : i32
        %mul3A_2389 = arith.muli %and3A_2382, %mul3A_2388 : i32
        %dma_start3A_2390 = arith.constant 11 : i32
        %dma_start3A_2391 = arith.constant 11 : i32
        %dma_start3A_2392 = arith.constant 0 : i32
        %dma_start3A_2393 = arith.constant 0 : i32
        %dma_start3A_2394 = tpu.memref_slice %arg7[%dma_start3A_2390, %dma_start3A_2392, %dma_start3A_2393] : memref<12x64x128xf32, #tpu.memory_space<vmem>> -> memref<1x64x128xf32, #tpu.memory_space<vmem>>
        %dma_start3A_2395 = tpu.memref_squeeze %dma_start3A_2394 : memref<1x64x128xf32, #tpu.memory_space<vmem>> -> memref<64x128xf32, #tpu.memory_space<vmem>>
        %dma_start3A_2396 = tpu.memref_slice %arg2[%add3A, %shift_right_arithmetic3A_2370, %add3A_2387, %mul3A_2389] : memref<32x3x512x512xf32, #tpu.memory_space<hbm>> -> memref<1x1x64x128xf32, #tpu.memory_space<hbm>>
        %dma_start3A_2397 = tpu.memref_squeeze %dma_start3A_2396 : memref<1x1x64x128xf32, #tpu.memory_space<hbm>> -> memref<64x128xf32, #tpu.memory_space<hbm>>
        %dma_start3A_2398 = tpu.memref_slice %arg8[%dma_start3A_2391] : memref<12x!tpu.dma_semaphore, #tpu.memory_space<semaphore_mem>> -> memref<1x!tpu.dma_semaphore, #tpu.memory_space<semaphore_mem>>
        %dma_start3A_2399 = tpu.memref_squeeze %dma_start3A_2398 : memref<1x!tpu.dma_semaphore, #tpu.memory_space<semaphore_mem>> -> memref<!tpu.dma_semaphore, #tpu.memory_space<semaphore_mem>>
        %dma_start3A_2400 = arith.constant 0 : i32
        %dma_start3A_2401 = arith.constant 0 : i32
        %dma_start3A_2402 = tpu.memref_slice %arg7[%dma_start3A_2390, %dma_start3A_2400, %dma_start3A_2401] : memref<12x64x128xf32, #tpu.memory_space<vmem>> -> memref<1x64x128xf32, #tpu.memory_space<vmem>>
        %dma_start3A_2403 = tpu.memref_squeeze %dma_start3A_2402 : memref<1x64x128xf32, #tpu.memory_space<vmem>> -> memref<64x128xf32, #tpu.memory_space<vmem>>
        %dma_start3A_2404 = tpu.memref_slice %arg2[%add3A, %shift_right_arithmetic3A_2370, %add3A_2387, %mul3A_2389] : memref<32x3x512x512xf32, #tpu.memory_space<hbm>> -> memref<1x1x64x128xf32, #tpu.memory_space<hbm>>
        %dma_start3A_2405 = tpu.memref_squeeze %dma_start3A_2404 : memref<1x1x64x128xf32, #tpu.memory_space<hbm>> -> memref<64x128xf32, #tpu.memory_space<hbm>>
        tpu.enqueue_dma source(%dma_start3A_2405 : memref<64x128xf32, #tpu.memory_space<hbm>>) target(%dma_start3A_2403 : memref<64x128xf32, #tpu.memory_space<vmem>>) target_semaphore(%dma_start3A_2399 : memref<!tpu.dma_semaphore, #tpu.memory_space<semaphore_mem>>)
      } else {
      }
    }
    %scan3A_708 = arith.constant 8 : i32
    %dma_wait3A = arith.constant 0 : i32
    %dma_wait3A_709 = arith.constant 0 : i32
    %dma_wait3A_710 = arith.constant 0 : i32
    %dma_wait3A_711 = arith.constant 0 : i32
    %dma_wait3A_712 = arith.constant 0 : i32
    %dma_wait3A_713 = tpu.memref_slice %arg7[%dma_wait3A, %dma_wait3A_711, %dma_wait3A_712] : memref<12x64x128xf32, #tpu.memory_space<vmem>> -> memref<1x64x128xf32, #tpu.memory_space<vmem>>
    %dma_wait3A_714 = tpu.memref_squeeze %dma_wait3A_713 : memref<1x64x128xf32, #tpu.memory_space<vmem>> -> memref<64x128xf32, #tpu.memory_space<vmem>>
    %dma_wait3A_715 = arith.constant 0 : i32
    %dma_wait3A_716 = arith.constant 0 : i32
    %dma_wait3A_717 = tpu.memref_slice %arg4[%add3A, %dma_wait3A_709, %dma_wait3A_715, %dma_wait3A_716] : memref<32x3x512x512xf32, #tpu.memory_space<hbm>> -> memref<1x1x64x128xf32, #tpu.memory_space<hbm>>
    %dma_wait3A_718 = tpu.memref_squeeze %dma_wait3A_717 : memref<1x1x64x128xf32, #tpu.memory_space<hbm>> -> memref<64x128xf32, #tpu.memory_space<hbm>>
    %dma_wait3A_719 = tpu.memref_slice %arg9[%dma_wait3A_710] : memref<12x!tpu.dma_semaphore, #tpu.memory_space<semaphore_mem>> -> memref<1x!tpu.dma_semaphore, #tpu.memory_space<semaphore_mem>>
    %dma_wait3A_720 = tpu.memref_squeeze %dma_wait3A_719 : memref<1x!tpu.dma_semaphore, #tpu.memory_space<semaphore_mem>> -> memref<!tpu.dma_semaphore, #tpu.memory_space<semaphore_mem>>
    %dma_wait3A_721 = arith.constant 0 : i32
    %dma_wait3A_722 = arith.constant 0 : i32
    %dma_wait3A_723 = tpu.memref_slice %arg4[%add3A, %dma_wait3A_709, %dma_wait3A_721, %dma_wait3A_722] : memref<32x3x512x512xf32, #tpu.memory_space<hbm>> -> memref<1x1x64x128xf32, #tpu.memory_space<hbm>>
    %dma_wait3A_724 = tpu.memref_squeeze %dma_wait3A_723 : memref<1x1x64x128xf32, #tpu.memory_space<hbm>> -> memref<64x128xf32, #tpu.memory_space<hbm>>
    %dma_wait3A_725 = arith.constant 0 : i32
    %dma_wait3A_726 = arith.constant 0 : i32
    %dma_wait3A_727 = tpu.memref_slice %arg7[%dma_wait3A, %dma_wait3A_725, %dma_wait3A_726] : memref<12x64x128xf32, #tpu.memory_space<vmem>> -> memref<1x64x128xf32, #tpu.memory_space<vmem>>
    %dma_wait3A_728 = tpu.memref_squeeze %dma_wait3A_727 : memref<1x64x128xf32, #tpu.memory_space<vmem>> -> memref<64x128xf32, #tpu.memory_space<vmem>>
    tpu.wait_dma2 semaphore(%dma_wait3A_720 : memref<!tpu.dma_semaphore, #tpu.memory_space<semaphore_mem>>) src(%dma_wait3A_728 : memref<64x128xf32, #tpu.memory_space<vmem>>) dst(%dma_wait3A_724 : memref<64x128xf32, #tpu.memory_space<hbm>>)
    %dma_wait3A_729 = arith.constant 1 : i32
    %dma_wait3A_730 = arith.constant 0 : i32
    %dma_wait3A_731 = arith.constant 1 : i32
    %dma_wait3A_732 = arith.constant 0 : i32
    %dma_wait3A_733 = arith.constant 0 : i32
    %dma_wait3A_734 = tpu.memref_slice %arg7[%dma_wait3A_729, %dma_wait3A_732, %dma_wait3A_733] : memref<12x64x128xf32, #tpu.memory_space<vmem>> -> memref<1x64x128xf32, #tpu.memory_space<vmem>>
    %dma_wait3A_735 = tpu.memref_squeeze %dma_wait3A_734 : memref<1x64x128xf32, #tpu.memory_space<vmem>> -> memref<64x128xf32, #tpu.memory_space<vmem>>
    %dma_wait3A_736 = arith.constant 0 : i32
    %dma_wait3A_737 = arith.constant 0 : i32
    %dma_wait3A_738 = tpu.memref_slice %arg4[%add3A, %dma_wait3A_730, %dma_wait3A_736, %dma_wait3A_737] : memref<32x3x512x512xf32, #tpu.memory_space<hbm>> -> memref<1x1x64x128xf32, #tpu.memory_space<hbm>>
    %dma_wait3A_739 = tpu.memref_squeeze %dma_wait3A_738 : memref<1x1x64x128xf32, #tpu.memory_space<hbm>> -> memref<64x128xf32, #tpu.memory_space<hbm>>
    %dma_wait3A_740 = tpu.memref_slice %arg9[%dma_wait3A_731] : memref<12x!tpu.dma_semaphore, #tpu.memory_space<semaphore_mem>> -> memref<1x!tpu.dma_semaphore, #tpu.memory_space<semaphore_mem>>
    %dma_wait3A_741 = tpu.memref_squeeze %dma_wait3A_740 : memref<1x!tpu.dma_semaphore, #tpu.memory_space<semaphore_mem>> -> memref<!tpu.dma_semaphore, #tpu.memory_space<semaphore_mem>>
    %dma_wait3A_742 = arith.constant 0 : i32
    %dma_wait3A_743 = arith.constant 0 : i32
    %dma_wait3A_744 = tpu.memref_slice %arg4[%add3A, %dma_wait3A_730, %dma_wait3A_742, %dma_wait3A_743] : memref<32x3x512x512xf32, #tpu.memory_space<hbm>> -> memref<1x1x64x128xf32, #tpu.memory_space<hbm>>
    %dma_wait3A_745 = tpu.memref_squeeze %dma_wait3A_744 : memref<1x1x64x128xf32, #tpu.memory_space<hbm>> -> memref<64x128xf32, #tpu.memory_space<hbm>>
    %dma_wait3A_746 = arith.constant 0 : i32
    %dma_wait3A_747 = arith.constant 0 : i32
    %dma_wait3A_748 = tpu.memref_slice %arg7[%dma_wait3A_729, %dma_wait3A_746, %dma_wait3A_747] : memref<12x64x128xf32, #tpu.memory_space<vmem>> -> memref<1x64x128xf32, #tpu.memory_space<vmem>>
    %dma_wait3A_749 = tpu.memref_squeeze %dma_wait3A_748 : memref<1x64x128xf32, #tpu.memory_space<vmem>> -> memref<64x128xf32, #tpu.memory_space<vmem>>
    tpu.wait_dma2 semaphore(%dma_wait3A_741 : memref<!tpu.dma_semaphore, #tpu.memory_space<semaphore_mem>>) src(%dma_wait3A_749 : memref<64x128xf32, #tpu.memory_space<vmem>>) dst(%dma_wait3A_745 : memref<64x128xf32, #tpu.memory_space<hbm>>)
    %dma_wait3A_750 = arith.constant 2 : i32
    %dma_wait3A_751 = arith.constant 0 : i32
    %dma_wait3A_752 = arith.constant 2 : i32
    %dma_wait3A_753 = arith.constant 0 : i32
    %dma_wait3A_754 = arith.constant 0 : i32
    %dma_wait3A_755 = tpu.memref_slice %arg7[%dma_wait3A_750, %dma_wait3A_753, %dma_wait3A_754] : memref<12x64x128xf32, #tpu.memory_space<vmem>> -> memref<1x64x128xf32, #tpu.memory_space<vmem>>
    %dma_wait3A_756 = tpu.memref_squeeze %dma_wait3A_755 : memref<1x64x128xf32, #tpu.memory_space<vmem>> -> memref<64x128xf32, #tpu.memory_space<vmem>>
    %dma_wait3A_757 = arith.constant 0 : i32
    %dma_wait3A_758 = arith.constant 0 : i32
    %dma_wait3A_759 = tpu.memref_slice %arg4[%add3A, %dma_wait3A_751, %dma_wait3A_757, %dma_wait3A_758] : memref<32x3x512x512xf32, #tpu.memory_space<hbm>> -> memref<1x1x64x128xf32, #tpu.memory_space<hbm>>
    %dma_wait3A_760 = tpu.memref_squeeze %dma_wait3A_759 : memref<1x1x64x128xf32, #tpu.memory_space<hbm>> -> memref<64x128xf32, #tpu.memory_space<hbm>>
    %dma_wait3A_761 = tpu.memref_slice %arg9[%dma_wait3A_752] : memref<12x!tpu.dma_semaphore, #tpu.memory_space<semaphore_mem>> -> memref<1x!tpu.dma_semaphore, #tpu.memory_space<semaphore_mem>>
    %dma_wait3A_762 = tpu.memref_squeeze %dma_wait3A_761 : memref<1x!tpu.dma_semaphore, #tpu.memory_space<semaphore_mem>> -> memref<!tpu.dma_semaphore, #tpu.memory_space<semaphore_mem>>
    %dma_wait3A_763 = arith.constant 0 : i32
    %dma_wait3A_764 = arith.constant 0 : i32
    %dma_wait3A_765 = tpu.memref_slice %arg4[%add3A, %dma_wait3A_751, %dma_wait3A_763, %dma_wait3A_764] : memref<32x3x512x512xf32, #tpu.memory_space<hbm>> -> memref<1x1x64x128xf32, #tpu.memory_space<hbm>>
    %dma_wait3A_766 = tpu.memref_squeeze %dma_wait3A_765 : memref<1x1x64x128xf32, #tpu.memory_space<hbm>> -> memref<64x128xf32, #tpu.memory_space<hbm>>
    %dma_wait3A_767 = arith.constant 0 : i32
    %dma_wait3A_768 = arith.constant 0 : i32
    %dma_wait3A_769 = tpu.memref_slice %arg7[%dma_wait3A_750, %dma_wait3A_767, %dma_wait3A_768] : memref<12x64x128xf32, #tpu.memory_space<vmem>> -> memref<1x64x128xf32, #tpu.memory_space<vmem>>
    %dma_wait3A_770 = tpu.memref_squeeze %dma_wait3A_769 : memref<1x64x128xf32, #tpu.memory_space<vmem>> -> memref<64x128xf32, #tpu.memory_space<vmem>>
    tpu.wait_dma2 semaphore(%dma_wait3A_762 : memref<!tpu.dma_semaphore, #tpu.memory_space<semaphore_mem>>) src(%dma_wait3A_770 : memref<64x128xf32, #tpu.memory_space<vmem>>) dst(%dma_wait3A_766 : memref<64x128xf32, #tpu.memory_space<hbm>>)
    %dma_wait3A_771 = arith.constant 3 : i32
    %dma_wait3A_772 = arith.constant 0 : i32
    %dma_wait3A_773 = arith.constant 3 : i32
    %dma_wait3A_774 = arith.constant 0 : i32
    %dma_wait3A_775 = arith.constant 0 : i32
    %dma_wait3A_776 = tpu.memref_slice %arg7[%dma_wait3A_771, %dma_wait3A_774, %dma_wait3A_775] : memref<12x64x128xf32, #tpu.memory_space<vmem>> -> memref<1x64x128xf32, #tpu.memory_space<vmem>>
    %dma_wait3A_777 = tpu.memref_squeeze %dma_wait3A_776 : memref<1x64x128xf32, #tpu.memory_space<vmem>> -> memref<64x128xf32, #tpu.memory_space<vmem>>
    %dma_wait3A_778 = arith.constant 0 : i32
    %dma_wait3A_779 = arith.constant 0 : i32
    %dma_wait3A_780 = tpu.memref_slice %arg4[%add3A, %dma_wait3A_772, %dma_wait3A_778, %dma_wait3A_779] : memref<32x3x512x512xf32, #tpu.memory_space<hbm>> -> memref<1x1x64x128xf32, #tpu.memory_space<hbm>>
    %dma_wait3A_781 = tpu.memref_squeeze %dma_wait3A_780 : memref<1x1x64x128xf32, #tpu.memory_space<hbm>> -> memref<64x128xf32, #tpu.memory_space<hbm>>
    %dma_wait3A_782 = tpu.memref_slice %arg9[%dma_wait3A_773] : memref<12x!tpu.dma_semaphore, #tpu.memory_space<semaphore_mem>> -> memref<1x!tpu.dma_semaphore, #tpu.memory_space<semaphore_mem>>
    %dma_wait3A_783 = tpu.memref_squeeze %dma_wait3A_782 : memref<1x!tpu.dma_semaphore, #tpu.memory_space<semaphore_mem>> -> memref<!tpu.dma_semaphore, #tpu.memory_space<semaphore_mem>>
    %dma_wait3A_784 = arith.constant 0 : i32
    %dma_wait3A_785 = arith.constant 0 : i32
    %dma_wait3A_786 = tpu.memref_slice %arg4[%add3A, %dma_wait3A_772, %dma_wait3A_784, %dma_wait3A_785] : memref<32x3x512x512xf32, #tpu.memory_space<hbm>> -> memref<1x1x64x128xf32, #tpu.memory_space<hbm>>
    %dma_wait3A_787 = tpu.memref_squeeze %dma_wait3A_786 : memref<1x1x64x128xf32, #tpu.memory_space<hbm>> -> memref<64x128xf32, #tpu.memory_space<hbm>>
    %dma_wait3A_788 = arith.constant 0 : i32
    %dma_wait3A_789 = arith.constant 0 : i32
    %dma_wait3A_790 = tpu.memref_slice %arg7[%dma_wait3A_771, %dma_wait3A_788, %dma_wait3A_789] : memref<12x64x128xf32, #tpu.memory_space<vmem>> -> memref<1x64x128xf32, #tpu.memory_space<vmem>>
    %dma_wait3A_791 = tpu.memref_squeeze %dma_wait3A_790 : memref<1x64x128xf32, #tpu.memory_space<vmem>> -> memref<64x128xf32, #tpu.memory_space<vmem>>
    tpu.wait_dma2 semaphore(%dma_wait3A_783 : memref<!tpu.dma_semaphore, #tpu.memory_space<semaphore_mem>>) src(%dma_wait3A_791 : memref<64x128xf32, #tpu.memory_space<vmem>>) dst(%dma_wait3A_787 : memref<64x128xf32, #tpu.memory_space<hbm>>)
    %dma_wait3A_792 = arith.constant 4 : i32
    %dma_wait3A_793 = arith.constant 0 : i32
    %dma_wait3A_794 = arith.constant 4 : i32
    %dma_wait3A_795 = arith.constant 0 : i32
    %dma_wait3A_796 = arith.constant 0 : i32
    %dma_wait3A_797 = tpu.memref_slice %arg7[%dma_wait3A_792, %dma_wait3A_795, %dma_wait3A_796] : memref<12x64x128xf32, #tpu.memory_space<vmem>> -> memref<1x64x128xf32, #tpu.memory_space<vmem>>
    %dma_wait3A_798 = tpu.memref_squeeze %dma_wait3A_797 : memref<1x64x128xf32, #tpu.memory_space<vmem>> -> memref<64x128xf32, #tpu.memory_space<vmem>>
    %dma_wait3A_799 = arith.constant 0 : i32
    %dma_wait3A_800 = arith.constant 0 : i32
    %dma_wait3A_801 = tpu.memref_slice %arg4[%add3A, %dma_wait3A_793, %dma_wait3A_799, %dma_wait3A_800] : memref<32x3x512x512xf32, #tpu.memory_space<hbm>> -> memref<1x1x64x128xf32, #tpu.memory_space<hbm>>
    %dma_wait3A_802 = tpu.memref_squeeze %dma_wait3A_801 : memref<1x1x64x128xf32, #tpu.memory_space<hbm>> -> memref<64x128xf32, #tpu.memory_space<hbm>>
    %dma_wait3A_803 = tpu.memref_slice %arg9[%dma_wait3A_794] : memref<12x!tpu.dma_semaphore, #tpu.memory_space<semaphore_mem>> -> memref<1x!tpu.dma_semaphore, #tpu.memory_space<semaphore_mem>>
    %dma_wait3A_804 = tpu.memref_squeeze %dma_wait3A_803 : memref<1x!tpu.dma_semaphore, #tpu.memory_space<semaphore_mem>> -> memref<!tpu.dma_semaphore, #tpu.memory_space<semaphore_mem>>
    %dma_wait3A_805 = arith.constant 0 : i32
    %dma_wait3A_806 = arith.constant 0 : i32
    %dma_wait3A_807 = tpu.memref_slice %arg4[%add3A, %dma_wait3A_793, %dma_wait3A_805, %dma_wait3A_806] : memref<32x3x512x512xf32, #tpu.memory_space<hbm>> -> memref<1x1x64x128xf32, #tpu.memory_space<hbm>>
    %dma_wait3A_808 = tpu.memref_squeeze %dma_wait3A_807 : memref<1x1x64x128xf32, #tpu.memory_space<hbm>> -> memref<64x128xf32, #tpu.memory_space<hbm>>
    %dma_wait3A_809 = arith.constant 0 : i32
    %dma_wait3A_810 = arith.constant 0 : i32
    %dma_wait3A_811 = tpu.memref_slice %arg7[%dma_wait3A_792, %dma_wait3A_809, %dma_wait3A_810] : memref<12x64x128xf32, #tpu.memory_space<vmem>> -> memref<1x64x128xf32, #tpu.memory_space<vmem>>
    %dma_wait3A_812 = tpu.memref_squeeze %dma_wait3A_811 : memref<1x64x128xf32, #tpu.memory_space<vmem>> -> memref<64x128xf32, #tpu.memory_space<vmem>>
    tpu.wait_dma2 semaphore(%dma_wait3A_804 : memref<!tpu.dma_semaphore, #tpu.memory_space<semaphore_mem>>) src(%dma_wait3A_812 : memref<64x128xf32, #tpu.memory_space<vmem>>) dst(%dma_wait3A_808 : memref<64x128xf32, #tpu.memory_space<hbm>>)
    %dma_wait3A_813 = arith.constant 5 : i32
    %dma_wait3A_814 = arith.constant 0 : i32
    %dma_wait3A_815 = arith.constant 5 : i32
    %dma_wait3A_816 = arith.constant 0 : i32
    %dma_wait3A_817 = arith.constant 0 : i32
    %dma_wait3A_818 = tpu.memref_slice %arg7[%dma_wait3A_813, %dma_wait3A_816, %dma_wait3A_817] : memref<12x64x128xf32, #tpu.memory_space<vmem>> -> memref<1x64x128xf32, #tpu.memory_space<vmem>>
    %dma_wait3A_819 = tpu.memref_squeeze %dma_wait3A_818 : memref<1x64x128xf32, #tpu.memory_space<vmem>> -> memref<64x128xf32, #tpu.memory_space<vmem>>
    %dma_wait3A_820 = arith.constant 0 : i32
    %dma_wait3A_821 = arith.constant 0 : i32
    %dma_wait3A_822 = tpu.memref_slice %arg4[%add3A, %dma_wait3A_814, %dma_wait3A_820, %dma_wait3A_821] : memref<32x3x512x512xf32, #tpu.memory_space<hbm>> -> memref<1x1x64x128xf32, #tpu.memory_space<hbm>>
    %dma_wait3A_823 = tpu.memref_squeeze %dma_wait3A_822 : memref<1x1x64x128xf32, #tpu.memory_space<hbm>> -> memref<64x128xf32, #tpu.memory_space<hbm>>
    %dma_wait3A_824 = tpu.memref_slice %arg9[%dma_wait3A_815] : memref<12x!tpu.dma_semaphore, #tpu.memory_space<semaphore_mem>> -> memref<1x!tpu.dma_semaphore, #tpu.memory_space<semaphore_mem>>
    %dma_wait3A_825 = tpu.memref_squeeze %dma_wait3A_824 : memref<1x!tpu.dma_semaphore, #tpu.memory_space<semaphore_mem>> -> memref<!tpu.dma_semaphore, #tpu.memory_space<semaphore_mem>>
    %dma_wait3A_826 = arith.constant 0 : i32
    %dma_wait3A_827 = arith.constant 0 : i32
    %dma_wait3A_828 = tpu.memref_slice %arg4[%add3A, %dma_wait3A_814, %dma_wait3A_826, %dma_wait3A_827] : memref<32x3x512x512xf32, #tpu.memory_space<hbm>> -> memref<1x1x64x128xf32, #tpu.memory_space<hbm>>
    %dma_wait3A_829 = tpu.memref_squeeze %dma_wait3A_828 : memref<1x1x64x128xf32, #tpu.memory_space<hbm>> -> memref<64x128xf32, #tpu.memory_space<hbm>>
    %dma_wait3A_830 = arith.constant 0 : i32
    %dma_wait3A_831 = arith.constant 0 : i32
    %dma_wait3A_832 = tpu.memref_slice %arg7[%dma_wait3A_813, %dma_wait3A_830, %dma_wait3A_831] : memref<12x64x128xf32, #tpu.memory_space<vmem>> -> memref<1x64x128xf32, #tpu.memory_space<vmem>>
    %dma_wait3A_833 = tpu.memref_squeeze %dma_wait3A_832 : memref<1x64x128xf32, #tpu.memory_space<vmem>> -> memref<64x128xf32, #tpu.memory_space<vmem>>
    tpu.wait_dma2 semaphore(%dma_wait3A_825 : memref<!tpu.dma_semaphore, #tpu.memory_space<semaphore_mem>>) src(%dma_wait3A_833 : memref<64x128xf32, #tpu.memory_space<vmem>>) dst(%dma_wait3A_829 : memref<64x128xf32, #tpu.memory_space<hbm>>)
    %dma_wait3A_834 = arith.constant 6 : i32
    %dma_wait3A_835 = arith.constant 0 : i32
    %dma_wait3A_836 = arith.constant 6 : i32
    %dma_wait3A_837 = arith.constant 0 : i32
    %dma_wait3A_838 = arith.constant 0 : i32
    %dma_wait3A_839 = tpu.memref_slice %arg7[%dma_wait3A_834, %dma_wait3A_837, %dma_wait3A_838] : memref<12x64x128xf32, #tpu.memory_space<vmem>> -> memref<1x64x128xf32, #tpu.memory_space<vmem>>
    %dma_wait3A_840 = tpu.memref_squeeze %dma_wait3A_839 : memref<1x64x128xf32, #tpu.memory_space<vmem>> -> memref<64x128xf32, #tpu.memory_space<vmem>>
    %dma_wait3A_841 = arith.constant 0 : i32
    %dma_wait3A_842 = arith.constant 0 : i32
    %dma_wait3A_843 = tpu.memref_slice %arg4[%add3A, %dma_wait3A_835, %dma_wait3A_841, %dma_wait3A_842] : memref<32x3x512x512xf32, #tpu.memory_space<hbm>> -> memref<1x1x64x128xf32, #tpu.memory_space<hbm>>
    %dma_wait3A_844 = tpu.memref_squeeze %dma_wait3A_843 : memref<1x1x64x128xf32, #tpu.memory_space<hbm>> -> memref<64x128xf32, #tpu.memory_space<hbm>>
    %dma_wait3A_845 = tpu.memref_slice %arg9[%dma_wait3A_836] : memref<12x!tpu.dma_semaphore, #tpu.memory_space<semaphore_mem>> -> memref<1x!tpu.dma_semaphore, #tpu.memory_space<semaphore_mem>>
    %dma_wait3A_846 = tpu.memref_squeeze %dma_wait3A_845 : memref<1x!tpu.dma_semaphore, #tpu.memory_space<semaphore_mem>> -> memref<!tpu.dma_semaphore, #tpu.memory_space<semaphore_mem>>
    %dma_wait3A_847 = arith.constant 0 : i32
    %dma_wait3A_848 = arith.constant 0 : i32
    %dma_wait3A_849 = tpu.memref_slice %arg4[%add3A, %dma_wait3A_835, %dma_wait3A_847, %dma_wait3A_848] : memref<32x3x512x512xf32, #tpu.memory_space<hbm>> -> memref<1x1x64x128xf32, #tpu.memory_space<hbm>>
    %dma_wait3A_850 = tpu.memref_squeeze %dma_wait3A_849 : memref<1x1x64x128xf32, #tpu.memory_space<hbm>> -> memref<64x128xf32, #tpu.memory_space<hbm>>
    %dma_wait3A_851 = arith.constant 0 : i32
    %dma_wait3A_852 = arith.constant 0 : i32
    %dma_wait3A_853 = tpu.memref_slice %arg7[%dma_wait3A_834, %dma_wait3A_851, %dma_wait3A_852] : memref<12x64x128xf32, #tpu.memory_space<vmem>> -> memref<1x64x128xf32, #tpu.memory_space<vmem>>
    %dma_wait3A_854 = tpu.memref_squeeze %dma_wait3A_853 : memref<1x64x128xf32, #tpu.memory_space<vmem>> -> memref<64x128xf32, #tpu.memory_space<vmem>>
    tpu.wait_dma2 semaphore(%dma_wait3A_846 : memref<!tpu.dma_semaphore, #tpu.memory_space<semaphore_mem>>) src(%dma_wait3A_854 : memref<64x128xf32, #tpu.memory_space<vmem>>) dst(%dma_wait3A_850 : memref<64x128xf32, #tpu.memory_space<hbm>>)
    %dma_wait3A_855 = arith.constant 7 : i32
    %dma_wait3A_856 = arith.constant 0 : i32
    %dma_wait3A_857 = arith.constant 7 : i32
    %dma_wait3A_858 = arith.constant 0 : i32
    %dma_wait3A_859 = arith.constant 0 : i32
    %dma_wait3A_860 = tpu.memref_slice %arg7[%dma_wait3A_855, %dma_wait3A_858, %dma_wait3A_859] : memref<12x64x128xf32, #tpu.memory_space<vmem>> -> memref<1x64x128xf32, #tpu.memory_space<vmem>>
    %dma_wait3A_861 = tpu.memref_squeeze %dma_wait3A_860 : memref<1x64x128xf32, #tpu.memory_space<vmem>> -> memref<64x128xf32, #tpu.memory_space<vmem>>
    %dma_wait3A_862 = arith.constant 0 : i32
    %dma_wait3A_863 = arith.constant 0 : i32
    %dma_wait3A_864 = tpu.memref_slice %arg4[%add3A, %dma_wait3A_856, %dma_wait3A_862, %dma_wait3A_863] : memref<32x3x512x512xf32, #tpu.memory_space<hbm>> -> memref<1x1x64x128xf32, #tpu.memory_space<hbm>>
    %dma_wait3A_865 = tpu.memref_squeeze %dma_wait3A_864 : memref<1x1x64x128xf32, #tpu.memory_space<hbm>> -> memref<64x128xf32, #tpu.memory_space<hbm>>
    %dma_wait3A_866 = tpu.memref_slice %arg9[%dma_wait3A_857] : memref<12x!tpu.dma_semaphore, #tpu.memory_space<semaphore_mem>> -> memref<1x!tpu.dma_semaphore, #tpu.memory_space<semaphore_mem>>
    %dma_wait3A_867 = tpu.memref_squeeze %dma_wait3A_866 : memref<1x!tpu.dma_semaphore, #tpu.memory_space<semaphore_mem>> -> memref<!tpu.dma_semaphore, #tpu.memory_space<semaphore_mem>>
    %dma_wait3A_868 = arith.constant 0 : i32
    %dma_wait3A_869 = arith.constant 0 : i32
    %dma_wait3A_870 = tpu.memref_slice %arg4[%add3A, %dma_wait3A_856, %dma_wait3A_868, %dma_wait3A_869] : memref<32x3x512x512xf32, #tpu.memory_space<hbm>> -> memref<1x1x64x128xf32, #tpu.memory_space<hbm>>
    %dma_wait3A_871 = tpu.memref_squeeze %dma_wait3A_870 : memref<1x1x64x128xf32, #tpu.memory_space<hbm>> -> memref<64x128xf32, #tpu.memory_space<hbm>>
    %dma_wait3A_872 = arith.constant 0 : i32
    %dma_wait3A_873 = arith.constant 0 : i32
    %dma_wait3A_874 = tpu.memref_slice %arg7[%dma_wait3A_855, %dma_wait3A_872, %dma_wait3A_873] : memref<12x64x128xf32, #tpu.memory_space<vmem>> -> memref<1x64x128xf32, #tpu.memory_space<vmem>>
    %dma_wait3A_875 = tpu.memref_squeeze %dma_wait3A_874 : memref<1x64x128xf32, #tpu.memory_space<vmem>> -> memref<64x128xf32, #tpu.memory_space<vmem>>
    tpu.wait_dma2 semaphore(%dma_wait3A_867 : memref<!tpu.dma_semaphore, #tpu.memory_space<semaphore_mem>>) src(%dma_wait3A_875 : memref<64x128xf32, #tpu.memory_space<vmem>>) dst(%dma_wait3A_871 : memref<64x128xf32, #tpu.memory_space<hbm>>)
    %dma_wait3A_876 = arith.constant 8 : i32
    %dma_wait3A_877 = arith.constant 0 : i32
    %dma_wait3A_878 = arith.constant 8 : i32
    %dma_wait3A_879 = arith.constant 0 : i32
    %dma_wait3A_880 = arith.constant 0 : i32
    %dma_wait3A_881 = tpu.memref_slice %arg7[%dma_wait3A_876, %dma_wait3A_879, %dma_wait3A_880] : memref<12x64x128xf32, #tpu.memory_space<vmem>> -> memref<1x64x128xf32, #tpu.memory_space<vmem>>
    %dma_wait3A_882 = tpu.memref_squeeze %dma_wait3A_881 : memref<1x64x128xf32, #tpu.memory_space<vmem>> -> memref<64x128xf32, #tpu.memory_space<vmem>>
    %dma_wait3A_883 = arith.constant 0 : i32
    %dma_wait3A_884 = arith.constant 0 : i32
    %dma_wait3A_885 = tpu.memref_slice %arg4[%add3A, %dma_wait3A_877, %dma_wait3A_883, %dma_wait3A_884] : memref<32x3x512x512xf32, #tpu.memory_space<hbm>> -> memref<1x1x64x128xf32, #tpu.memory_space<hbm>>
    %dma_wait3A_886 = tpu.memref_squeeze %dma_wait3A_885 : memref<1x1x64x128xf32, #tpu.memory_space<hbm>> -> memref<64x128xf32, #tpu.memory_space<hbm>>
    %dma_wait3A_887 = tpu.memref_slice %arg9[%dma_wait3A_878] : memref<12x!tpu.dma_semaphore, #tpu.memory_space<semaphore_mem>> -> memref<1x!tpu.dma_semaphore, #tpu.memory_space<semaphore_mem>>
    %dma_wait3A_888 = tpu.memref_squeeze %dma_wait3A_887 : memref<1x!tpu.dma_semaphore, #tpu.memory_space<semaphore_mem>> -> memref<!tpu.dma_semaphore, #tpu.memory_space<semaphore_mem>>
    %dma_wait3A_889 = arith.constant 0 : i32
    %dma_wait3A_890 = arith.constant 0 : i32
    %dma_wait3A_891 = tpu.memref_slice %arg4[%add3A, %dma_wait3A_877, %dma_wait3A_889, %dma_wait3A_890] : memref<32x3x512x512xf32, #tpu.memory_space<hbm>> -> memref<1x1x64x128xf32, #tpu.memory_space<hbm>>
    %dma_wait3A_892 = tpu.memref_squeeze %dma_wait3A_891 : memref<1x1x64x128xf32, #tpu.memory_space<hbm>> -> memref<64x128xf32, #tpu.memory_space<hbm>>
    %dma_wait3A_893 = arith.constant 0 : i32
    %dma_wait3A_894 = arith.constant 0 : i32
    %dma_wait3A_895 = tpu.memref_slice %arg7[%dma_wait3A_876, %dma_wait3A_893, %dma_wait3A_894] : memref<12x64x128xf32, #tpu.memory_space<vmem>> -> memref<1x64x128xf32, #tpu.memory_space<vmem>>
    %dma_wait3A_896 = tpu.memref_squeeze %dma_wait3A_895 : memref<1x64x128xf32, #tpu.memory_space<vmem>> -> memref<64x128xf32, #tpu.memory_space<vmem>>
    tpu.wait_dma2 semaphore(%dma_wait3A_888 : memref<!tpu.dma_semaphore, #tpu.memory_space<semaphore_mem>>) src(%dma_wait3A_896 : memref<64x128xf32, #tpu.memory_space<vmem>>) dst(%dma_wait3A_892 : memref<64x128xf32, #tpu.memory_space<hbm>>)
    %dma_wait3A_897 = arith.constant 9 : i32
    %dma_wait3A_898 = arith.constant 0 : i32
    %dma_wait3A_899 = arith.constant 9 : i32
    %dma_wait3A_900 = arith.constant 0 : i32
    %dma_wait3A_901 = arith.constant 0 : i32
    %dma_wait3A_902 = tpu.memref_slice %arg7[%dma_wait3A_897, %dma_wait3A_900, %dma_wait3A_901] : memref<12x64x128xf32, #tpu.memory_space<vmem>> -> memref<1x64x128xf32, #tpu.memory_space<vmem>>
    %dma_wait3A_903 = tpu.memref_squeeze %dma_wait3A_902 : memref<1x64x128xf32, #tpu.memory_space<vmem>> -> memref<64x128xf32, #tpu.memory_space<vmem>>
    %dma_wait3A_904 = arith.constant 0 : i32
    %dma_wait3A_905 = arith.constant 0 : i32
    %dma_wait3A_906 = tpu.memref_slice %arg4[%add3A, %dma_wait3A_898, %dma_wait3A_904, %dma_wait3A_905] : memref<32x3x512x512xf32, #tpu.memory_space<hbm>> -> memref<1x1x64x128xf32, #tpu.memory_space<hbm>>
    %dma_wait3A_907 = tpu.memref_squeeze %dma_wait3A_906 : memref<1x1x64x128xf32, #tpu.memory_space<hbm>> -> memref<64x128xf32, #tpu.memory_space<hbm>>
    %dma_wait3A_908 = tpu.memref_slice %arg9[%dma_wait3A_899] : memref<12x!tpu.dma_semaphore, #tpu.memory_space<semaphore_mem>> -> memref<1x!tpu.dma_semaphore, #tpu.memory_space<semaphore_mem>>
    %dma_wait3A_909 = tpu.memref_squeeze %dma_wait3A_908 : memref<1x!tpu.dma_semaphore, #tpu.memory_space<semaphore_mem>> -> memref<!tpu.dma_semaphore, #tpu.memory_space<semaphore_mem>>
    %dma_wait3A_910 = arith.constant 0 : i32
    %dma_wait3A_911 = arith.constant 0 : i32
    %dma_wait3A_912 = tpu.memref_slice %arg4[%add3A, %dma_wait3A_898, %dma_wait3A_910, %dma_wait3A_911] : memref<32x3x512x512xf32, #tpu.memory_space<hbm>> -> memref<1x1x64x128xf32, #tpu.memory_space<hbm>>
    %dma_wait3A_913 = tpu.memref_squeeze %dma_wait3A_912 : memref<1x1x64x128xf32, #tpu.memory_space<hbm>> -> memref<64x128xf32, #tpu.memory_space<hbm>>
    %dma_wait3A_914 = arith.constant 0 : i32
    %dma_wait3A_915 = arith.constant 0 : i32
    %dma_wait3A_916 = tpu.memref_slice %arg7[%dma_wait3A_897, %dma_wait3A_914, %dma_wait3A_915] : memref<12x64x128xf32, #tpu.memory_space<vmem>> -> memref<1x64x128xf32, #tpu.memory_space<vmem>>
    %dma_wait3A_917 = tpu.memref_squeeze %dma_wait3A_916 : memref<1x64x128xf32, #tpu.memory_space<vmem>> -> memref<64x128xf32, #tpu.memory_space<vmem>>
    tpu.wait_dma2 semaphore(%dma_wait3A_909 : memref<!tpu.dma_semaphore, #tpu.memory_space<semaphore_mem>>) src(%dma_wait3A_917 : memref<64x128xf32, #tpu.memory_space<vmem>>) dst(%dma_wait3A_913 : memref<64x128xf32, #tpu.memory_space<hbm>>)
    %dma_wait3A_918 = arith.constant 10 : i32
    %dma_wait3A_919 = arith.constant 0 : i32
    %dma_wait3A_920 = arith.constant 10 : i32
    %dma_wait3A_921 = arith.constant 0 : i32
    %dma_wait3A_922 = arith.constant 0 : i32
    %dma_wait3A_923 = tpu.memref_slice %arg7[%dma_wait3A_918, %dma_wait3A_921, %dma_wait3A_922] : memref<12x64x128xf32, #tpu.memory_space<vmem>> -> memref<1x64x128xf32, #tpu.memory_space<vmem>>
    %dma_wait3A_924 = tpu.memref_squeeze %dma_wait3A_923 : memref<1x64x128xf32, #tpu.memory_space<vmem>> -> memref<64x128xf32, #tpu.memory_space<vmem>>
    %dma_wait3A_925 = arith.constant 0 : i32
    %dma_wait3A_926 = arith.constant 0 : i32
    %dma_wait3A_927 = tpu.memref_slice %arg4[%add3A, %dma_wait3A_919, %dma_wait3A_925, %dma_wait3A_926] : memref<32x3x512x512xf32, #tpu.memory_space<hbm>> -> memref<1x1x64x128xf32, #tpu.memory_space<hbm>>
    %dma_wait3A_928 = tpu.memref_squeeze %dma_wait3A_927 : memref<1x1x64x128xf32, #tpu.memory_space<hbm>> -> memref<64x128xf32, #tpu.memory_space<hbm>>
    %dma_wait3A_929 = tpu.memref_slice %arg9[%dma_wait3A_920] : memref<12x!tpu.dma_semaphore, #tpu.memory_space<semaphore_mem>> -> memref<1x!tpu.dma_semaphore, #tpu.memory_space<semaphore_mem>>
    %dma_wait3A_930 = tpu.memref_squeeze %dma_wait3A_929 : memref<1x!tpu.dma_semaphore, #tpu.memory_space<semaphore_mem>> -> memref<!tpu.dma_semaphore, #tpu.memory_space<semaphore_mem>>
    %dma_wait3A_931 = arith.constant 0 : i32
    %dma_wait3A_932 = arith.constant 0 : i32
    %dma_wait3A_933 = tpu.memref_slice %arg4[%add3A, %dma_wait3A_919, %dma_wait3A_931, %dma_wait3A_932] : memref<32x3x512x512xf32, #tpu.memory_space<hbm>> -> memref<1x1x64x128xf32, #tpu.memory_space<hbm>>
    %dma_wait3A_934 = tpu.memref_squeeze %dma_wait3A_933 : memref<1x1x64x128xf32, #tpu.memory_space<hbm>> -> memref<64x128xf32, #tpu.memory_space<hbm>>
    %dma_wait3A_935 = arith.constant 0 : i32
    %dma_wait3A_936 = arith.constant 0 : i32
    %dma_wait3A_937 = tpu.memref_slice %arg7[%dma_wait3A_918, %dma_wait3A_935, %dma_wait3A_936] : memref<12x64x128xf32, #tpu.memory_space<vmem>> -> memref<1x64x128xf32, #tpu.memory_space<vmem>>
    %dma_wait3A_938 = tpu.memref_squeeze %dma_wait3A_937 : memref<1x64x128xf32, #tpu.memory_space<vmem>> -> memref<64x128xf32, #tpu.memory_space<vmem>>
    tpu.wait_dma2 semaphore(%dma_wait3A_930 : memref<!tpu.dma_semaphore, #tpu.memory_space<semaphore_mem>>) src(%dma_wait3A_938 : memref<64x128xf32, #tpu.memory_space<vmem>>) dst(%dma_wait3A_934 : memref<64x128xf32, #tpu.memory_space<hbm>>)
    %dma_wait3A_939 = arith.constant 11 : i32
    %dma_wait3A_940 = arith.constant 0 : i32
    %dma_wait3A_941 = arith.constant 11 : i32
    %dma_wait3A_942 = arith.constant 0 : i32
    %dma_wait3A_943 = arith.constant 0 : i32
    %dma_wait3A_944 = tpu.memref_slice %arg7[%dma_wait3A_939, %dma_wait3A_942, %dma_wait3A_943] : memref<12x64x128xf32, #tpu.memory_space<vmem>> -> memref<1x64x128xf32, #tpu.memory_space<vmem>>
    %dma_wait3A_945 = tpu.memref_squeeze %dma_wait3A_944 : memref<1x64x128xf32, #tpu.memory_space<vmem>> -> memref<64x128xf32, #tpu.memory_space<vmem>>
    %dma_wait3A_946 = arith.constant 0 : i32
    %dma_wait3A_947 = arith.constant 0 : i32
    %dma_wait3A_948 = tpu.memref_slice %arg4[%add3A, %dma_wait3A_940, %dma_wait3A_946, %dma_wait3A_947] : memref<32x3x512x512xf32, #tpu.memory_space<hbm>> -> memref<1x1x64x128xf32, #tpu.memory_space<hbm>>
    %dma_wait3A_949 = tpu.memref_squeeze %dma_wait3A_948 : memref<1x1x64x128xf32, #tpu.memory_space<hbm>> -> memref<64x128xf32, #tpu.memory_space<hbm>>
    %dma_wait3A_950 = tpu.memref_slice %arg9[%dma_wait3A_941] : memref<12x!tpu.dma_semaphore, #tpu.memory_space<semaphore_mem>> -> memref<1x!tpu.dma_semaphore, #tpu.memory_space<semaphore_mem>>
    %dma_wait3A_951 = tpu.memref_squeeze %dma_wait3A_950 : memref<1x!tpu.dma_semaphore, #tpu.memory_space<semaphore_mem>> -> memref<!tpu.dma_semaphore, #tpu.memory_space<semaphore_mem>>
    %dma_wait3A_952 = arith.constant 0 : i32
    %dma_wait3A_953 = arith.constant 0 : i32
    %dma_wait3A_954 = tpu.memref_slice %arg4[%add3A, %dma_wait3A_940, %dma_wait3A_952, %dma_wait3A_953] : memref<32x3x512x512xf32, #tpu.memory_space<hbm>> -> memref<1x1x64x128xf32, #tpu.memory_space<hbm>>
    %dma_wait3A_955 = tpu.memref_squeeze %dma_wait3A_954 : memref<1x1x64x128xf32, #tpu.memory_space<hbm>> -> memref<64x128xf32, #tpu.memory_space<hbm>>
    %dma_wait3A_956 = arith.constant 0 : i32
    %dma_wait3A_957 = arith.constant 0 : i32
    %dma_wait3A_958 = tpu.memref_slice %arg7[%dma_wait3A_939, %dma_wait3A_956, %dma_wait3A_957] : memref<12x64x128xf32, #tpu.memory_space<vmem>> -> memref<1x64x128xf32, #tpu.memory_space<vmem>>
    %dma_wait3A_959 = tpu.memref_squeeze %dma_wait3A_958 : memref<1x64x128xf32, #tpu.memory_space<vmem>> -> memref<64x128xf32, #tpu.memory_space<vmem>>
    tpu.wait_dma2 semaphore(%dma_wait3A_951 : memref<!tpu.dma_semaphore, #tpu.memory_space<semaphore_mem>>) src(%dma_wait3A_959 : memref<64x128xf32, #tpu.memory_space<vmem>>) dst(%dma_wait3A_955 : memref<64x128xf32, #tpu.memory_space<hbm>>)
    return
  }
}

</mosaic_0001>

<sc_bundles>
// kernel: kernel.3.cloned.1.call-start
scs
__scs_entry_jumppad:
0x0: {  	(pc) =	sbr.rel $0x88, $3  }
0x1: {  	(tag) =	ssettag $0x0;
	lr =	simm.s32 $0x1  }
0x2: {  	[smem:$0x3FA0] =	sst lr;
	_ =	strace $0xD0000000  }
0x3: {  	_ = 	snop  }
0x4: {  	_ = 	snop  }
0x5: {  	_ = 	snop  }
0x6: {  	_ = 	snop  }
0x7: {  	_ = 	snop  }
__scs_overlays_trampoline_lowered:
0x8: {  	[smem:$0x3FAF] =	sst s0  }
0x9: {  	[smem:$0x3FB0] =	sst s1  }
0xa: {  	[smem:$0x3FB1] =	sst s2  }
0xb: {  	[smem:$0x3FB2] =	sst s3  }
0xc: {  	[smem:$0x3FB3] =	sst s4  }
0xd: {  	[smem:$0x3FB4] =	sst s5  }
0xe: {  	[smem:$0x3FB5] =	sst s6  }
0xf: {  	[smem:$0x3FB6] =	sst s7  }
0x10: {  	[smem:$0x3FB7] =	sst s8  }
0x11: {  	[smem:$0x3FB8] =	sst s9;
	s0 =	simm.s32 @!p0 $0x0  }
0x12: {  	s1 =	sld [smem:$0x3F9E];
	s0 =	simm.s32 @p0 $0x1  }
0x13: {  	[smem:$0x3FB9] =	sst s0;
	s0 =	simm.s32 @!p1 $0x0  }
0x14: {  	s2 =	sld [smem:$0x3F9D];
	s0 =	simm.s32 @p1 $0x1  }
0x15: {  	[smem:$0x3FBA] =	sst s0;
	s0 =	simm.s32 @!p2 $0x0  }
0x16: {  	s3 =	sld [smem:$0x3FDB];
	s0 =	simm.s32 @p2 $0x1  }
0x17: {  	s4 =	simm.s32 $0x1BF5;
	[smem:$0x3FBC] =	sst s0  }
0x18: {  	s0 =	sld [smem:$0x3F9F];
	_ =	swait.ge [sflag:s4], $0x0  }
0x19: {  	s7 =	sld [smem:$0x3FA0]  }
0x1a: {  	s8 =	sadd.s32 $0xFFFFE003, lr  }
0x1b: {  	s9 =	sadd.s32 $0xFFFFFEF7, lr;
	s5 =	simm.s32 $0xFFFFFFFF;
	p2 =	slt.u32 s8, $0xFFFFF086  }
0x1c: {  	p1 =	slt.u32 s9, $0xF7A;
	s5 =	simm.s32 @!p2 $0x0  }
0x1d: {  	s5 =	simm.s32 @p1 $0x1;
	p0 =	seq.s32 s7, s2  }
0x1e: {  	s7 =	smul.u32 @!p0 $0xF7A, s2;
	p2 =	seq.s32 @!p0 s5, $0x0  }
0x1f: {  	s9 =	smul.u32 $0xF7A, s1;
	s8 =	simm.s32 @!p0 $0x1BF5;
	p2 =	por !p2, p0  }
0x20: {  	[sflag:s8] =	ssyncset.s32 @!p0 $0xFFFFF086;
	s6 =	sadd.s32 @!p0 s3, s7;
	s7 =	simm.s32 @!p0 $0x108  }
0x21: {  	s3 =	sadd.s32 s3, s9;
	s6 =	sadd.s32 @!p0 $0x88, s6;
	s7 =	simm.s32 @p2 $0x1082  }
0x22: {  	[simem:s7], [sflag:s8] =	dma.local @!p0 [hbm:s6], $0xF7A  }
0x23: {  	s9 =	sor.u32 $0xD0000000, s2;
	s6 =	simm.s32 $0x108;
	_ =	swait.ge @!p0 [sflag:s8], $0x0  }
0x24: {  	s3 =	sadd.s32 $0x88, s3;
	s6 =	simm.s32 @!p1 $0x1082;
	[sflag:s4] =	ssyncset.s32 $0xFFFFF086  }
0x25: {  	[simem:s6], [sflag:s4] =	dma.local [hbm:s3], $0xF7A  }
0x26: {  	[smem:$0x3FA0] =	sst s1;
	(tag) =	ssettag s2;
	_ =	strace s9  }
0x27: {  	s1 =	sld [smem:$0x3FB0]  }
0x28: {  	s2 =	sld [smem:$0x3FB1]  }
0x29: {  	s4 =	sld [smem:$0x3FB3]  }
0x2a: {  	p0 =	seq.s32 s5, $0x0;
	s5 =	sld [smem:$0x3FB4]  }
0x2b: {  	s6 =	sld [smem:$0x3FB5]  }
0x2c: {  	s7 =	sld [smem:$0x3FB6]  }
0x2d: {  	s3 =	simm.s32 $0x108;
	s8 =	sld [smem:$0x3FB7]  }
0x2e: {  	s3 =	simm.s32 @!p0 $0x1082;
	s9 =	sld [smem:$0x3FB8]  }
0x2f: {  	lr =	sadd.s32 s0, s3;
	s0 =	sld [smem:$0x3FAF]  }
0x30: {  	s3 =	sld [smem:$0x3FB2]  }
0x31: {  	[smem:$0x3FBB] =	sst s10  }
0x32: {  	s10 =	sld [smem:$0x3FB9];
	_ =	sdelay $0x3  }
0x33: {  	p0 =	seq.s32 s10, $0x1;
	s10 =	sld [smem:$0x3FBB];
	_ =	sdelay $0x3  }
0x34: {  	[smem:$0x3FBB] =	sst s10  }
0x35: {  	s10 =	sld [smem:$0x3FBA];
	_ =	sdelay $0x3  }
0x36: {  	p1 =	seq.s32 s10, $0x1;
	s10 =	sld [smem:$0x3FBB];
	_ =	sdelay $0x3  }
0x37: {  	[smem:$0x3FBB] =	sst s10  }
0x38: {  	s10 =	sld [smem:$0x3FBC]  }
0x39: {  	_ = 	snop;
	(pc) =	sbr.ind lr, $3  }
0x3a: {  	_ = 	snop  }
0x3b: {  	_ = 	snop  }
0x3c: {  	p2 =	seq.s32 s10, $0x1;
	s10 =	sld [smem:$0x3FBB]  }
0x3d: {  	_ =	shalt  }
0x3e: {  	_ =	shalt  }
0x3f: {  	_ =	shalt  }
0x40: {  	_ =	shalt  }
0x41: {  	_ =	shalt  }
0x42: {  	_ =	shalt  }
0x43: {  	_ =	shalt  }
0x44: {  	_ =	shalt  }
0x45: {  	_ =	shalt  }
0x46: {  	_ =	shalt  }
0x47: {  	_ =	shalt  }
0x48: {  	_ =	shalt  }
0x49: {  	_ =	shalt  }
0x4a: {  	_ =	shalt  }
0x4b: {  	_ =	shalt  }
0x4c: {  	_ =	shalt  }
0x4d: {  	_ =	shalt  }
0x4e: {  	_ =	shalt  }
0x4f: {  	_ =	shalt  }
0x50: {  	_ =	shalt  }
0x51: {  	_ =	shalt  }
0x52: {  	_ =	shalt  }
0x53: {  	_ =	shalt  }
0x54: {  	_ =	shalt  }
0x55: {  	_ =	shalt  }
0x56: {  	_ =	shalt  }
0x57: {  	_ =	shalt  }
0x58: {  	_ =	shalt  }
0x59: {  	_ =	shalt  }
0x5a: {  	_ =	shalt  }
0x5b: {  	_ =	shalt  }
0x5c: {  	_ =	shalt  }
0x5d: {  	_ =	shalt  }
0x5e: {  	_ =	shalt  }
0x5f: {  	_ =	shalt  }
0x60: {  	_ =	shalt  }
0x61: {  	_ =	shalt  }
0x62: {  	_ =	shalt  }
0x63: {  	_ =	shalt  }
0x64: {  	_ =	shalt  }
0x65: {  	_ =	shalt  }
0x66: {  	_ =	shalt  }
0x67: {  	_ =	shalt  }
0x68: {  	_ =	shalt  }
0x69: {  	_ =	shalt  }
0x6a: {  	_ =	shalt  }
0x6b: {  	_ =	shalt  }
0x6c: {  	_ =	shalt  }
0x6d: {  	_ =	shalt  }
0x6e: {  	_ =	shalt  }
0x6f: {  	_ =	shalt  }
0x70: {  	_ =	shalt  }
0x71: {  	_ =	shalt  }
0x72: {  	_ =	shalt  }
0x73: {  	_ =	shalt  }
0x74: {  	_ =	shalt  }
0x75: {  	_ =	shalt  }
0x76: {  	_ =	shalt  }
0x77: {  	_ =	shalt  }
0x78: {  	_ =	shalt  }
0x79: {  	_ =	shalt  }
0x7a: {  	_ =	shalt  }
0x7b: {  	_ =	shalt  }
0x7c: {  	_ =	shalt  }
0x7d: {  	_ =	shalt  }
0x7e: {  	_ =	shalt  }
0x7f: {  	_ =	shalt  }
0x80: {  	_ =	shalt  }
0x81: {  	_ =	shalt  }
0x82: {  	_ =	shalt  }
0x83: {  	_ =	shalt  }
0x84: {  	_ =	shalt  }
0x85: {  	_ =	shalt  }
0x86: {  	_ =	shalt  }
0x87: {  	_ =	shalt  }
.Lfunc_end0:
.L_simem_size_0:
called_computation_lowered:
.L_overlay_start_0:
0x88: {  	s2 =	sld [smem:$0x3FD9]  }
0x89: {  	s3 =	sld [smem:$0x3FFE];
	_ =	sdelay $0x1  }
0x8a: {  	s1 =	srdreg.scid  }
0x8b: {  	s0 =	sand.u32 $0x1, s1  }
0x8c: {  	s17 =	sshll.u32 s0, $0xA;
	s2 =	sadd.s32 s3, s2  }
0x8d: {  	s2 =	sadd.s32 s2, s17  }
0x8e: {  	[smem:$0x3FC7] =	sst s2  }
0x8f: {  	_ = 	snop  }
0x90: {  	s2 =	sld [smem:$0x3FC9]  }
0x91: {  	s18 =	sld [smem:$0x3FD0];
	(tm) =	ssettm $0x1  }
0x92: {  	s4 =	sld [smem:$0x3FFB];
	_ =	sdelay $0x3  }
0x93: {  	_ =	strace s4  }
0x94: {  	s4 =	sld [smem:$0x3FFC];
	_ =	sdelay $0x3  }
0x95: {  	_ =	strace s4  }
0x96: {  	s4 =	sld [smem:$0x3FFD];
	_ =	sdelay $0x3  }
0x97: {  	_ =	strace s4  }
0x98: {  	_ =	strace $0x8FFFFFFF  }
0x99: {  	s19 =	sld [smem:$0x3FDB];
	_ =	sdelay $0x1  }
0x9a: {  	s5 =	simm.s32 $_scs_section_size  }
0x9b: {  	s6 =	simm.s32 $_size__tile_overlayer_lowered;
	s7 =	simm.s32 $_tile_overlayer_lowered  }
0x9c: {  	s22 =	simm.s32 $0x1BFF;
	s21 =	sshll.u32 s7, $0x1;
	s4 =	sadd.s32 s5, s19  }
0x9d: {  	s8 =	simm.s32 $0x0;
	s20 =	sshll.u32 s6, $0x1;
	s6 =	sadd.s32 s21, s4  }
0x9e: {  	[timem:s8], [sflag:s22] =	dma.local [hbm:s6], s20  }
0x9f: {  	_ =	swait.ge [sflag:s22], s20  }
0xa0: {  	s5 =	ssub.s32 $0x0, s20;
	[sflag:s22] =	ssyncset.done $0x0  }
0xa1: {  	[sflag:s22] =	ssyncadd.s32 s5;
	_ =	sdelay $0x1  }
0xa2: {  	s23 =	simm.s32 $0x1B8B  }
0xa3: {  	_ =	swait.ge [sflag:s23], $0x1  }
0xa4: {  	[sflag:s23] =	ssyncset.done $0x0  }
0xa5: {  	s25 =	simm.s32 $0x1B8E;
	s24 =	sld [smem:$0x3FFE];
	[sflag:s23] =	ssyncadd.s32 $0xFFFFFFFF  }
0xa6: {  	s26 =	simm.s32 $execute0_lowered;
	[smem:$0x3FD2] =	sst s25  }
0xa7: {  	s6 =	sshll.u32 s26, $0x1;
	_ =	strace $0x80000046;
	[dreg:$0x1] =	wrdreg $0xFFFFFFFF  }
0xa8: {  	s28 =	simm.s32 $_size_execute0_lowered;
	s4 =	sadd.s32 s4, s6;
	[dreg:$0x0] =	wrdreg $0x0  }
0xa9: {  	s6 =	sshll.u32 s28, $0x1;
	[dreg:$0x2] =	wrdreg s4  }
0xaa: {  	[dreg:$0x3] =	wrdreg s6  }
0xab: {  	[dreg:$0x4] =	wrdreg $0xC0  }
0xac: {  	_ =	task [dreg:s8], $0x5FFFF  }
0xad: {  	[dreg:$0x1] =	wrdreg $0xFFFFFFFF  }
0xae: {  	[dreg:$0x0] =	wrdreg $0x60  }
0xaf: {  	[dreg:$0x2] =	wrdreg s2  }
0xb0: {  	[dreg:$0x3] =	wrdreg s24  }
0xb1: {  	[dreg:$0x4] =	wrdreg s18  }
0xb2: {  	[dreg:$0x5] =	wrdreg $0x9  }
0xb3: {  	_ =	task.clear_ibuf [dreg:s8], $0x6FFFF;
	_ =	strace $0x90000046  }
0xb4: {  	s29 =	simm.s32 $0x9;
	_ =	strace $0x80000048  }
0xb5: {  	_ =	swait.ge [sflag:s29], $0x1  }
0xb6: {  	[sflag:s29] =	ssyncadd.s32 $0xFFFFFFFF  }
0xb7: {  	_ =	strace $0x90000048  }
0xb8: {  	_ =	sfence  }
0xb9: {  	s30 =	sld [smem:$0x0];
	_ =	sdelay $0x2  }
0xba: {  	s31 =	sshll.u32 s1, $0xD;
	s1 =	sshrl.u32 s1, $0x2  }
0xbb: {  	s3 =	sand.u32 $0x4000, s31;
	s1 =	sadd.s32 s1, s30  }
0xbc: {  	s0 =	sor.u32 s3, s0;
	s1 =	sshll.u32 s1, $0x11  }
0xbd: {  	s0 =	sor.u32 s1, s0  }
0xbe: {  	s0 =	sadd.s32 $0x8F2B, s0  }
0xbf: {  	[sflag:s0] =	ssyncadd.remote.s32 $0x1  }
0xc0: {  	_ =	sfence.sel $0xFFFF  }
0xc1: {  	[dreg:$0x0] =	wrdreg $0xFFFFFFFF;
	(pc) =	sbr.abs _section_cstart, $3  }
0xc2: {  	[dreg:$0x1] =	wrdreg $0xFFFFFFFF  }
0xc3: {  	_ =	task.clear_ibuf [dreg:s8], $0x2FFFF;
	_ =	strace $0x9FFFFFFF  }
0xc4: {  	(tm) =	ssettm $0x7FFFFFFF  }
0xc5: {  	_ =	shalt  }
tec
execute0_lowered:
.L_overlay_start_1:
0x0: {  	(tag) =	ssettag $0x1  }
0x1: {  	s0 =	rddreg [dreg:$0x1];
	s2 =	srdreg.scid  }
0x2: {  	s4 =	stileid.u32;
	s3 =	rddreg [dreg:$0x2];
	s5 =	simm.s32 $0x0  }
0x3: {  	s18 =	simm.s32 $0x2;
	s19 =	simm.s32 $0x3;
	s20 =	simm.s32 $0x4  }
0x4: {  	s21 =	simm.s32 $0x5;
	s22 =	simm.s32 $0x6;
	s23 =	simm.s32 $0x7  }
0x5: {  	s16 =	simm.s32 $0x8;
	s29 =	simm.s32 $0x9;
	s30 =	simm.s32 $0xA  }
0x6: {  	s14 =	simm.s32 $0xC;
	s13 =	simm.s32 $0xD;
	s15 =	simm.s32 $0xE  }
0x7: {  	s24 =	simm.s32 $0x400;
	s28 =	simm.s32 $0x10080;
	s31 =	simm.s32 $0x12080  }
0x8: {  	s17 =	simm.s32 $0xB;
	s2 =	sand.u32 $0x1, s2;
	s4 =	sshll.u32 s4, $0x1  }
0x9: {  	[smem:$0x7FF] =	sst s5;
	s4 =	sor.u32 s2, s4;
	s2 =	ssub.s32 $0x2, s2  }
.Ltmp0:
0xa: {  	_ =	strace $0x80000047;
	s25 =	sshll.u32 s4, $0x4;
	(pc) =	sbr.rel .LBB2_1-.Ltmp0, $4  }
0xb: {  	v0 =	vimm.s32 $0x0;
	vm4 =	vcmask $0x3F14;
	vm5 =	vcmask $0x3F18;
	s6 =	sshrl.u32 s2, $0x1;
	s5 =	smul.u32 $0xC0000, s4;
	s0 =	sadd.s32 s25, s0  }
0xc: {  	vm6 =	vcmask $0x3F1C;
	vm7 =	vcmask $0x3F20;
	vm8 =	vcmask $0x3F24;
	s2 =	ssub.s32 s2, s6;
	s25 =	simm.s32 $0x1000;
	s0 =	sadd.s32 $0x600, s0  }
0xd: {  	vm9 =	vcmask $0x3F28;
	vm10 =	vcmask $0x3F2C;
	vm11 =	vcmask $0x3F30;
	s7 =	sor.u32 $0x8000, s5;
	s26 =	smax.u32 s2, $0x1;
	[dreg:$0x4] =	wrdreg s0  }
0xe: {  	vm12 =	vcmask $0x3F34;
	vm13 =	vcmask $0x3F38;
	vm14 =	vcmask $0x3F3C;
	s2 =	simm.s32 $0x0;
	[dreg:$0x5] =	wrdreg s26;
	s26 =	simm.s32 $0xF  }
.LBB2_4:
0xf: {  	s15 =	simm.s32 $0xE  }
0x10: {  	_ =	swait.ge [sflag:s15], $0x2000  }
0x11: {  	[sflag:s15] =	ssyncset.done $0x0  }
0x12: {  	s26 =	simm.s32 $0xF;
	[sflag:s15] =	ssyncadd.s32 $0xFFFFE000  }
0x13: {  	_ =	swait.ge [sflag:s26], $0x2000  }
0x14: {  	[sflag:s26] =	ssyncset.done $0x0  }
0x15: {  	s0 =	simm.s32 $0x10;
	[sflag:s26] =	ssyncadd.s32 $0xFFFFE000  }
0x16: {  	_ =	swait.ge [sflag:s0], $0x2000  }
0x17: {  	[sflag:s0] =	ssyncset.done $0x0  }
0x18: {  	s2 =	simm.s32 $0x11;
	[sflag:s0] =	ssyncadd.s32 $0xFFFFE000  }
0x19: {  	_ =	swait.ge [sflag:s2], $0x2000  }
0x1a: {  	[sflag:s2] =	ssyncset.done $0x0  }
0x1b: {  	s4 =	simm.s32 $0x12;
	[sflag:s2] =	ssyncadd.s32 $0xFFFFE000  }
0x1c: {  	_ =	swait.ge [sflag:s4], $0x2000  }
0x1d: {  	[sflag:s4] =	ssyncset.done $0x0  }
0x1e: {  	s6 =	simm.s32 $0x13;
	[sflag:s4] =	ssyncadd.s32 $0xFFFFE000  }
0x1f: {  	_ =	swait.ge [sflag:s6], $0x2000  }
0x20: {  	[sflag:s6] =	ssyncset.done $0x0  }
0x21: {  	s8 =	simm.s32 $0x14;
	[sflag:s6] =	ssyncadd.s32 $0xFFFFE000  }
0x22: {  	_ =	swait.ge [sflag:s8], $0x2000  }
0x23: {  	[sflag:s8] =	ssyncset.done $0x0  }
0x24: {  	s9 =	simm.s32 $0x15;
	[sflag:s8] =	ssyncadd.s32 $0xFFFFE000  }
0x25: {  	_ =	swait.ge [sflag:s9], $0x2000  }
0x26: {  	[sflag:s9] =	ssyncset.done $0x0  }
0x27: {  	s10 =	simm.s32 $0x16;
	[sflag:s9] =	ssyncadd.s32 $0xFFFFE000  }
0x28: {  	_ =	swait.ge [sflag:s10], $0x2000  }
0x29: {  	[sflag:s10] =	ssyncset.done $0x0  }
0x2a: {  	s11 =	simm.s32 $0x17;
	[sflag:s10] =	ssyncadd.s32 $0xFFFFE000  }
0x2b: {  	_ =	swait.ge [sflag:s11], $0x2000  }
0x2c: {  	[sflag:s11] =	ssyncset.done $0x0  }
0x2d: {  	s12 =	simm.s32 $0x18;
	[sflag:s11] =	ssyncadd.s32 $0xFFFFE000  }
0x2e: {  	_ =	swait.ge [sflag:s12], $0x2000  }
0x2f: {  	s2 =	rddreg [dreg:$0x6]  }
0x30: {  	s10 =	rddreg [dreg:$0x5];
	s2 =	sadd.s32 $0x1, s2  }
0x31: {  	p0 =	sne.s32 s2, s10  }
.Ltmp1:
0x32: {  	_ = 	snop;
	(pc) =	sbr.rel @!p0 .LBB2_5-.Ltmp1, $3  }
0x33: {  	_ =	sdelay $0x1  }
0x34: {  	[sflag:s12] =	ssyncset.done $0x0  }
0x35: {  	s28 =	simm.s32 $0x10080;
	s31 =	simm.s32 $0x12080;
	[sflag:s12] =	ssyncadd.s32 $0xFFFFE000  }
.LBB2_1:
0x36: {  	[dreg:$0x6] =	wrdreg s2  }
0x37: {  	s12 =	simm.s32 $0x0;
	s10 =	rddreg [dreg:$0x4];
	s2 =	simm.s32 $0x19  }
0x38: {  	[tilespmem:s12], [sflag:$0x19] =	stream.linear.gather [hbm4b:s10+s12], $0x80, $0x38;
	[tilespmem:$0x18080] =	vst v63  }
0x39: {  	_ =	swait.ge [sflag:s2], $0x80  }
0x3a: {  	[sflag:s2] =	ssyncset.done $0x0  }
0x3b: {  	[sflag:s2] =	ssyncadd.s32 $0xFFFFFF80  }
0x3c: {  	v1 =	vld [tilespmem:$0x0];
	_ =	sdelay $0x4  }
0x3d: {  	v2 =	vbroadcast v1, $0x0  }
0x3e: {  	vm1 =	vcmask $0x3F04;
	v3 =	vbroadcast v1, $0x1;
	v11 =	vbroadcast v1, $0xA  }
0x3f: {  	vm3 =	vcmask $0x3F08;
	v12 =	vbroadcast v1, $0xF;
	v57 =	vbroadcast v1, $0xB  }
0x40: {  	v60 =	vbroadcast v1, $0xC;
	v61 =	vbroadcast v1, $0xD;
	vm15 =	veq.f32 v2, v1  }
0x41: {  	vm0 =	vlt.f32 v2, v1;
	vm2 =	vlt.f32 v3, v1;
	v2 =	vbroadcast v1, $0x2  }
0x42: {  	vm15 =	vmand vm15, vm1;
	vm1 =	veq.f32 v3, v1;
	v3 =	vbroadcast v1, $0x3  }
0x43: {  	vm1 =	vmand vm1, vm3;
	vm0 =	vmor vm0, vm15;
	vm3 =	vcmask $0x3F10  }
0x44: {  	vm1 =	vmor vm2, vm1;
	v4 =	vsel vm0, $0x1, v0;
	vm0 =	veq.f32 v2, v1  }
0x45: {  	vm2 =	vcmask $0x3F0C;
	vm15 =	vlt.f32 v3, v1;
	v5 =	vsel vm1, $0x1, v0  }
0x46: {  	vm1 =	vlt.f32 v2, v1;
	vm0 =	vmand vm0, vm2;
	vm2 =	veq.f32 v3, v1  }
0x47: {  	v2 =	vbroadcast v1, $0x4;
	v3 =	vbroadcast v1, $0x5;
	vm2 =	vmand vm2, vm3  }
0x48: {  	v63 =	vbroadcast v1, $0xE;
	vm0 =	vmor vm1, vm0;
	vm1 =	vmor vm15, vm2  }
0x49: {  	v6 =	vsel vm0, $0x1, v0;
	vm0 =	veq.f32 v2, v1;
	vm2 =	veq.f32 v3, v1  }
0x4a: {  	vm15 =	vlt.f32 v3, v1;
	v3 =	vbroadcast v1, $0x7;
	v7 =	vsel vm1, $0x1, v0  }
0x4b: {  	vm1 =	vlt.f32 v2, v1;
	vm0 =	vmand vm0, vm4;
	vm2 =	vmand vm2, vm5  }
0x4c: {  	v2 =	vbroadcast v1, $0x6;
	vm0 =	vmor vm1, vm0;
	vm1 =	vmor vm15, vm2  }
0x4d: {  	vm2 =	veq.f32 v3, v1;
	v8 =	vsel vm0, $0x1, v0;
	v9 =	vsel vm1, $0x1, v0  }
0x4e: {  	vm0 =	vlt.f32 v2, v1;
	vm1 =	veq.f32 v2, v1;
	v2 =	vbroadcast v1, $0x8  }
0x4f: {  	vm15 =	vlt.f32 v3, v1;
	vm2 =	vmand vm2, vm7;
	vm1 =	vmand vm1, vm6  }
0x50: {  	vm0 =	vmor vm0, vm1;
	vm1 =	vmor vm15, vm2;
	vm2 =	veq.f32 v2, v1  }
0x51: {  	vm15 =	vlt.f32 v2, v1;
	v2 =	vbroadcast v1, $0x9;
	vm2 =	vmand vm2, vm8  }
0x52: {  	v3 =	vsel vm0, $0x1, v0;
	v10 =	vsel vm1, $0x1, v0;
	vm0 =	vmor vm15, vm2  }
0x53: {  	vm1 =	veq.f32 v2, v1;
	vm2 =	vlt.f32 v12, v1;
	v13 =	vsel vm0, $0x1, v0  }
0x54: {  	vm0 =	vlt.f32 v2, v1;
	vm1 =	vmand vm1, vm9;
	v2 =	vsel vm2, $0x1, v0  }
0x55: {  	vm0 =	vmor vm0, vm1;
	vm1 =	veq.f32 v11, v1;
	v2 =	vadd.s32 v2, v5  }
0x56: {  	vm2 =	vlt.f32 v11, v1;
	vm1 =	vmand vm1, vm10;
	v2 =	vadd.s32 v4, v2  }
0x57: {  	v58 =	vsel vm0, $0x1, v0;
	vm0 =	veq.f32 v57, v1;
	v2 =	vadd.s32 v6, v2  }
0x58: {  	vm1 =	vmor vm2, vm1;
	vm0 =	vmand vm0, vm11;
	v2 =	vadd.s32 v7, v2  }
0x59: {  	v59 =	vsel vm1, $0x1, v0;
	vm1 =	vlt.f32 v57, v1;
	v2 =	vadd.s32 v8, v2  }
0x5a: {  	vm0 =	vmor vm1, vm0;
	vm1 =	veq.f32 v60, v1;
	v2 =	vadd.s32 v9, v2  }
0x5b: {  	vm2 =	vlt.f32 v60, v1;
	vm1 =	vmand vm1, vm12;
	v2 =	vadd.s32 v3, v2  }
0x5c: {  	vm1 =	vmor vm2, vm1;
	v3 =	vsel vm0, $0x1, v0;
	v2 =	vadd.s32 v10, v2  }
0x5d: {  	vm0 =	veq.f32 v61, v1;
	v62 =	vsel vm1, $0x1, v0;
	v2 =	vadd.s32 v13, v2  }
0x5e: {  	vm1 =	vlt.f32 v61, v1;
	vm0 =	vmand vm0, vm13;
	v2 =	vadd.s32 v58, v2  }
0x5f: {  	vm0 =	vmor vm1, vm0;
	vm1 =	veq.f32 v63, v1;
	v2 =	vadd.s32 v59, v2  }
0x60: {  	vm2 =	vlt.f32 v63, v1;
	vm1 =	vmand vm1, vm14;
	v1 =	vadd.s32 v3, v2  }
0x61: {  	v2 =	vsel vm0, $0x1, v0;
	vm0 =	vmor vm2, vm1;
	v1 =	vadd.s32 v62, v1  }
0x62: {  	v3 =	vsel vm0, $0x1, v0;
	v1 =	vadd.s32 v2, v1  }
0x63: {  	v1 =	vadd.s32 v3, v1  }
0x64: {  	(v2sf) =	vpush v1, $0x0  }
0x65: {  	(v2sf) =	vpush v1, $0x1  }
0x66: {  	(v2sf) =	vpush v1, $0x2  }
0x67: {  	(v2sf) =	vpush v1, $0x3  }
0x68: {  	(v2sf) =	vpush v1, $0x4  }
0x69: {  	(v2sf) =	vpush v1, $0x5  }
0x6a: {  	(v2sf) =	vpush v1, $0x6  }
0x6b: {  	(v2sf) =	vpush v1, $0x7  }
0x6c: {  	(v2sf) =	vpush v1, $0x8  }
0x6d: {  	(v2sf) =	vpush v1, $0x9  }
0x6e: {  	(v2sf) =	vpush v1, $0xA  }
0x6f: {  	(v2sf) =	vpush v1, $0xB  }
0x70: {  	(v2sf) =	vpush v1, $0xC  }
0x71: {  	(v2sf) =	vpush v1, $0xD  }
0x72: {  	(v2sf) =	vpush v1, $0xE  }
0x73: {  	s4 =	spop (v2sf);
	(v2sf) =	vpush v1, $0xF  }
0x74: {  	s0 =	simm.s32 $0x1;
	s11 =	spop (v2sf);
	[smem:s4] =	sst s12  }
0x75: {  	s6 =	spop (v2sf);
	[smem:s11] =	sst s0  }
0x76: {  	s8 =	spop (v2sf);
	[smem:s6] =	sst s18  }
0x77: {  	s9 =	spop (v2sf);
	[smem:s8] =	sst s19  }
0x78: {  	s12 =	spop (v2sf);
	[smem:s9] =	sst s20  }
0x79: {  	s18 =	spop (v2sf);
	[smem:s12] =	sst s21  }
0x7a: {  	s19 =	spop (v2sf);
	[smem:s18] =	sst s22  }
0x7b: {  	s20 =	spop (v2sf);
	[smem:s19] =	sst s23  }
0x7c: {  	s21 =	spop (v2sf);
	[smem:s20] =	sst s16  }
0x7d: {  	s22 =	spop (v2sf);
	[smem:s21] =	sst s29  }
0x7e: {  	s23 =	spop (v2sf);
	[smem:s22] =	sst s30  }
0x7f: {  	s29 =	spop (v2sf);
	[smem:s23] =	sst s17  }
0x80: {  	s30 =	spop (v2sf);
	[smem:s29] =	sst s14  }
0x81: {  	s0 =	spop (v2sf);
	[smem:s30] =	sst s13  }
0x82: {  	[smem:s0] =	sst s15;
	s1 =	spop (v2sf)  }
0x83: {  	[smem:s1] =	sst s26  }
0x84: {  	s10 =	sld [smem:$0x0];
	_ =	sdelay $0x2  }
0x85: {  	s2 =	sshll.u32 s10, $0xE  }
0x86: {  	s10 =	sshll.u32 s10, $0xA;
	s11 =	sand.u32 $0xFFFF0000, s2  }
0x87: {  	s10 =	sand.u32 $0xC00, s10;
	s4 =	sadd.s32 s5, s11  }
0x88: {  	s1 =	rddreg [dreg:$0x0];
	s11 =	sadd.s32 s11, s7;
	s12 =	sor.u32 s10, s4  }
0x89: {  	s6 =	sld [smem:$0x1];
	s10 =	sor.u32 s10, s11;
	s12 =	sshrl.u32 s12, $0x3  }
0x8a: {  	s18 =	simm.s32 $0x80;
	s10 =	sshrl.u32 s10, $0x3;
	s12 =	sadd.s32 s1, s12  }
0x8b: {  	[tilespmem:s18], [sflag:$0x1] =	stream.strided.gather [hbm4b:s12+s24], $0x2000, s25, s24, $0x38;
	[tilespmem:$0x18080] =	vst v63  }
0x8c: {  	s8 =	sshll.u32 s6, $0xE;
	s2 =	simm.s32 $0x2080;
	s10 =	sadd.s32 s1, s10  }
0x8d: {  	[tilespmem:s2], [sflag:$0x2] =	stream.strided.gather [hbm4b:s10+s24], $0x2000, s25, s24, $0x38;
	[tilespmem:$0x18080] =	vst v63  }
0x8e: {  	s11 =	sshll.u32 s6, $0xA;
	s10 =	sand.u32 $0xFFFF0000, s8  }
0x8f: {  	s11 =	sand.u32 $0xC00, s11;
	s9 =	sadd.s32 s5, s10  }
0x90: {  	s10 =	sadd.s32 s10, s7;
	s12 =	sor.u32 s11, s9  }
0x91: {  	s13 =	sld [smem:$0x2];
	s10 =	sor.u32 s11, s10;
	s12 =	sshrl.u32 s12, $0x3  }
0x92: {  	s21 =	simm.s32 $0x4080;
	s10 =	sshrl.u32 s10, $0x3;
	s12 =	sadd.s32 s1, s12  }
0x93: {  	[tilespmem:s21], [sflag:$0x3] =	stream.strided.gather [hbm4b:s12+s24], $0x2000, s25, s24, $0x38;
	[tilespmem:$0x18080] =	vst v63  }
0x94: {  	s0 =	simm.s32 $0x6080;
	s14 =	sshll.u32 s13, $0xE;
	s10 =	sadd.s32 s1, s10  }
0x95: {  	[tilespmem:s0], [sflag:$0x4] =	stream.strided.gather [hbm4b:s10+s24], $0x2000, s25, s24, $0x38;
	[tilespmem:$0x18080] =	vst v63  }
0x96: {  	s11 =	sshll.u32 s13, $0xA;
	s10 =	sand.u32 $0xFFFF0000, s14  }
0x97: {  	s11 =	sand.u32 $0xC00, s11;
	s15 =	sadd.s32 s5, s10  }
0x98: {  	s10 =	sadd.s32 s10, s7;
	s12 =	sor.u32 s11, s15  }
0x99: {  	s16 =	sld [smem:$0x3];
	s10 =	sor.u32 s11, s10;
	s12 =	sshrl.u32 s12, $0x3  }
0x9a: {  	s4 =	simm.s32 $0x8080;
	s10 =	sshrl.u32 s10, $0x3;
	s12 =	sadd.s32 s1, s12  }
0x9b: {  	[tilespmem:s4], [sflag:$0x5] =	stream.strided.gather [hbm4b:s12+s24], $0x2000, s25, s24, $0x38;
	[tilespmem:$0x18080] =	vst v63  }
0x9c: {  	s17 =	sshll.u32 s16, $0xE;
	s6 =	simm.s32 $0xA080;
	s10 =	sadd.s32 s1, s10  }
0x9d: {  	[tilespmem:s6], [sflag:$0x6] =	stream.strided.gather [hbm4b:s10+s24], $0x2000, s25, s24, $0x38;
	[tilespmem:$0x18080] =	vst v63  }
0x9e: {  	s11 =	sshll.u32 s16, $0xA;
	s10 =	sand.u32 $0xFFFF0000, s17  }
0x9f: {  	s11 =	sand.u32 $0xC00, s11;
	s19 =	sadd.s32 s5, s10  }
0xa0: {  	s10 =	sadd.s32 s10, s7;
	s12 =	sor.u32 s11, s19  }
0xa1: {  	s20 =	sld [smem:$0x4];
	s10 =	sor.u32 s11, s10;
	s12 =	sshrl.u32 s12, $0x3  }
0xa2: {  	s8 =	simm.s32 $0xC080;
	s10 =	sshrl.u32 s10, $0x3;
	s12 =	sadd.s32 s1, s12  }
0xa3: {  	[tilespmem:s8], [sflag:$0x7] =	stream.strided.gather [hbm4b:s12+s24], $0x2000, s25, s24, $0x38;
	[tilespmem:$0x18080] =	vst v63  }
0xa4: {  	s22 =	sshll.u32 s20, $0xE;
	s9 =	simm.s32 $0xE080;
	s10 =	sadd.s32 s1, s10  }
0xa5: {  	[tilespmem:s9], [sflag:$0x8] =	stream.strided.gather [hbm4b:s10+s24], $0x2000, s25, s24, $0x38;
	[tilespmem:$0x18080] =	vst v63  }
0xa6: {  	s11 =	sshll.u32 s20, $0xA;
	s10 =	sand.u32 $0xFFFF0000, s22  }
0xa7: {  	s11 =	sand.u32 $0xC00, s11;
	s23 =	sadd.s32 s5, s10  }
0xa8: {  	s10 =	sadd.s32 s10, s7;
	s12 =	sor.u32 s11, s23  }
0xa9: {  	s26 =	sld [smem:$0x5];
	s10 =	sor.u32 s11, s10;
	s12 =	sshrl.u32 s12, $0x3  }
0xaa: {  	s10 =	sshrl.u32 s10, $0x3;
	s12 =	sadd.s32 s1, s12  }
0xab: {  	[tilespmem:s28], [sflag:$0x9] =	stream.strided.gather [hbm4b:s12+s24], $0x2000, s25, s24, $0x38;
	[tilespmem:$0x18080] =	vst v63  }
0xac: {  	s10 =	sadd.s32 s1, s10;
	s28 =	sshll.u32 s26, $0xE  }
0xad: {  	[tilespmem:s31], [sflag:$0xA] =	stream.strided.gather [hbm4b:s10+s24], $0x2000, s25, s24, $0x38;
	[tilespmem:$0x18080] =	vst v63  }
0xae: {  	s11 =	sshll.u32 s26, $0xA;
	s10 =	sand.u32 $0xFFFF0000, s28  }
0xaf: {  	s11 =	sand.u32 $0xC00, s11;
	s29 =	sadd.s32 s5, s10  }
0xb0: {  	s10 =	sadd.s32 s10, s7;
	s12 =	sor.u32 s11, s29  }
0xb1: {  	s10 =	sor.u32 s11, s10;
	s12 =	sshrl.u32 s12, $0x3  }
0xb2: {  	s30 =	simm.s32 $0x14080;
	s10 =	sshrl.u32 s10, $0x3;
	s12 =	sadd.s32 s1, s12  }
0xb3: {  	[tilespmem:s30], [sflag:$0xB] =	stream.strided.gather [hbm4b:s12+s24], $0x2000, s25, s24, $0x38;
	[tilespmem:$0x18080] =	vst v63  }
0xb4: {  	s26 =	simm.s32 $0x1400;
	s31 =	simm.s32 $0x16080;
	s10 =	sadd.s32 s1, s10  }
0xb5: {  	[tilespmem:s31], [sflag:$0xC] =	stream.strided.gather [hbm4b:s10+s24], $0x2000, s25, s24, $0x38;
	[tilespmem:$0x18080] =	vst v63  }
0xb6: {  	s11 =	simm.s32 $0x0;
	s12 =	simm.s32 $0x0;
	s10 =	simm.s32 $0xB  }
.LBB2_2:
0xb7: {  	s13 =	sand.u32 $0xC0000, s12  }
0xb8: {  	s14 =	sand.u32 $0x30000, s12;
	s13 =	sadd.s32 s5, s13  }
0xb9: {  	s16 =	simm.s32 $0x1;
	s14 =	sor.u32 s14, s13;
	s13 =	sand.u32 $0x800, s11  }
0xba: {  	_ =	swait.ge [sflag:s16], $0x2000;
	s15 =	sor.u32 s13, s14  }
0xbb: {  	s19 =	simm.s32 $0x2;
	[sflag:s16] =	ssyncset.done $0x0;
	s15 =	sshrl.u32 s15, $0x3  }
0xbc: {  	[sflag:s16] =	ssyncadd.s32 $0xFFFFE000;
	s17 =	sor.u32 $0x8000, s14;
	s15 =	sadd.s32 s3, s15  }
0xbd: {  	[hbm4b:s15+s24] =	stream.strided.scatter [tilespmem:s18], [sflag:$0xD], $0x2000, s25, s24, $0x38;
	[tilespmem:$0x18080] =	vst v63  }
0xbe: {  	s22 =	sor.u32 s13, s17;
	_ =	swait.ge [sflag:s19], $0x2000  }
0xbf: {  	s20 =	simm.s32 $0x3;
	s16 =	sshrl.u32 s22, $0x3;
	[sflag:s19] =	ssyncset.done $0x0  }
0xc0: {  	s23 =	sor.u32 $0x400, s13;
	s16 =	sadd.s32 s3, s16;
	[sflag:s19] =	ssyncadd.s32 $0xFFFFE000  }
0xc1: {  	[hbm4b:s16+s24] =	stream.strided.scatter [tilespmem:s2], [sflag:$0xE], $0x2000, s25, s24, $0x38;
	[tilespmem:$0x18080] =	vst v63  }
0xc2: {  	s14 =	sor.u32 s23, s14;
	_ =	swait.ge [sflag:s20], $0x2000  }
0xc3: {  	s1 =	smov.u32 s11;
	s14 =	sshrl.u32 s14, $0x3;
	[sflag:s20] =	ssyncset.done $0x0  }
0xc4: {  	s11 =	simm.s32 $0x4;
	s14 =	sadd.s32 s3, s14;
	[sflag:s20] =	ssyncadd.s32 $0xFFFFE000  }
0xc5: {  	[hbm4b:s14+s24] =	stream.strided.scatter [tilespmem:s21], [sflag:$0xF], $0x2000, s25, s24, $0x38;
	[tilespmem:$0x18080] =	vst v63  }
0xc6: {  	s15 =	sor.u32 s23, s17;
	_ =	swait.ge [sflag:s11], $0x2000  }
0xc7: {  	s16 =	sadd.s32 $0x8000, s12;
	s14 =	sshrl.u32 s15, $0x3;
	[sflag:s11] =	ssyncset.done $0x0  }
0xc8: {  	s17 =	sand.u32 $0x1C0000, s16;
	s14 =	sadd.s32 s3, s14;
	[sflag:s11] =	ssyncadd.s32 $0xFFFFE000  }
0xc9: {  	[hbm4b:s14+s24] =	stream.strided.scatter [tilespmem:s0], [sflag:$0x10], $0x2000, s25, s24, $0x38;
	[tilespmem:$0x18080] =	vst v63  }
0xca: {  	s15 =	sadd.s32 s5, s17;
	s21 =	sadd.s32 $0xFFFFF400, s26;
	s14 =	sand.u32 $0x30000, s16  }
0xcb: {  	s22 =	simm.s32 $0x5;
	s16 =	sand.u32 $0x800, s21;
	s15 =	sor.u32 s14, s15  }
0xcc: {  	_ =	swait.ge [sflag:s22], $0x2000;
	s15 =	sor.u32 s16, s15  }
0xcd: {  	[sflag:s22] =	ssyncset.done $0x0;
	s15 =	sshrl.u32 s15, $0x3  }
0xce: {  	[sflag:s22] =	ssyncadd.s32 $0xFFFFE000;
	s22 =	sadd.s32 $0xA000, s12;
	s15 =	sadd.s32 s3, s15  }
0xcf: {  	[hbm4b:s15+s24] =	stream.strided.scatter [tilespmem:s4], [sflag:$0x11], $0x2000, s25, s24, $0x38;
	[tilespmem:$0x18080] =	vst v63  }
0xd0: {  	s15 =	sand.u32 $0x1C0000, s22  }
0xd1: {  	s15 =	sadd.s32 s5, s15  }
0xd2: {  	s14 =	sor.u32 s15, s14  }
0xd3: {  	s23 =	simm.s32 $0x6;
	s14 =	sor.u32 s16, s14  }
0xd4: {  	_ =	swait.ge [sflag:s23], $0x2000;
	s14 =	sshrl.u32 s14, $0x3  }
0xd5: {  	[sflag:s23] =	ssyncset.done $0x0;
	s14 =	sadd.s32 s14, s3  }
0xd6: {  	s4 =	sadd.s32 $0xC000, s12;
	[sflag:s23] =	ssyncadd.s32 $0xFFFFE000;
	s14 =	sadd.s32 $0x1000, s14  }
0xd7: {  	[hbm4b:s14+s24] =	stream.strided.scatter [tilespmem:s6], [sflag:$0x12], $0x2000, s25, s24, $0x38;
	[tilespmem:$0x18080] =	vst v63  }
0xd8: {  	s6 =	sand.u32 $0x1C0000, s4  }
0xd9: {  	s11 =	sadd.s32 $0xFFFFF800, s26;
	s14 =	sand.u32 $0x30000, s4;
	s15 =	sadd.s32 s5, s6  }
0xda: {  	s29 =	simm.s32 $0x7;
	s16 =	sand.u32 $0xC00, s11;
	s15 =	sor.u32 s14, s15  }
0xdb: {  	_ =	swait.ge [sflag:s29], $0x2000;
	s15 =	sor.u32 s16, s15  }
0xdc: {  	[sflag:s29] =	ssyncset.done $0x0;
	s15 =	sshrl.u32 s15, $0x3  }
0xdd: {  	s17 =	sadd.s32 $0xE000, s12;
	[sflag:s29] =	ssyncadd.s32 $0xFFFFE000;
	s15 =	sadd.s32 s3, s15  }
0xde: {  	[hbm4b:s15+s24] =	stream.strided.scatter [tilespmem:s8], [sflag:$0x13], $0x2000, s25, s24, $0x38;
	[tilespmem:$0x18080] =	vst v63  }
0xdf: {  	s15 =	sand.u32 $0x1C0000, s17  }
0xe0: {  	s15 =	sadd.s32 s5, s15  }
0xe1: {  	s14 =	sor.u32 s15, s14  }
0xe2: {  	s8 =	simm.s32 $0x8;
	s14 =	sor.u32 s16, s14  }
0xe3: {  	_ =	swait.ge [sflag:s8], $0x2000;
	s14 =	sshrl.u32 s14, $0x3  }
0xe4: {  	[sflag:s8] =	ssyncset.done $0x0;
	s14 =	sadd.s32 s14, s3  }
0xe5: {  	[sflag:s8] =	ssyncadd.s32 $0xFFFFE000;
	s14 =	sadd.s32 $0x1000, s14  }
0xe6: {  	[hbm4b:s14+s24] =	stream.strided.scatter [tilespmem:s9], [sflag:$0x14], $0x2000, s25, s24, $0x38;
	[tilespmem:$0x18080] =	vst v63  }
0xe7: {  	s9 =	sadd.s32 $0x10000, s12  }
0xe8: {  	s11 =	sand.u32 $0x1C0000, s9  }
0xe9: {  	s14 =	sand.u32 $0x30000, s9;
	s15 =	sadd.s32 s5, s11  }
0xea: {  	s30 =	simm.s32 $0x9;
	s15 =	sor.u32 s14, s15  }
0xeb: {  	_ =	swait.ge [sflag:s30], $0x2000;
	s13 =	sor.u32 s13, s15  }
0xec: {  	s17 =	sadd.s32 $0x12000, s12;
	[sflag:s30] =	ssyncset.done $0x0;
	s13 =	sshrl.u32 s13, $0x3  }
0xed: {  	[sflag:s30] =	ssyncadd.s32 $0xFFFFE000;
	s15 =	simm.s32 $0x10080;
	s13 =	sadd.s32 s3, s13  }
0xee: {  	[hbm4b:s13+s24] =	stream.strided.scatter [tilespmem:s15], [sflag:$0x15], $0x2000, s25, s24, $0x38;
	[tilespmem:$0x18080] =	vst v63  }
0xef: {  	s13 =	sand.u32 $0x1C0000, s17  }
0xf0: {  	s31 =	simm.s32 $0x80;
	s11 =	sadd.s32 $0xFFFFFC00, s26;
	s13 =	sadd.s32 s5, s13  }
0xf1: {  	s28 =	simm.s32 $0x4080;
	s17 =	sand.u32 $0x800, s11;
	s13 =	sor.u32 s13, s14  }
0xf2: {  	p0 =	seq.s32 s12, $0xA8000;
	s11 =	simm.s32 $0xA;
	s13 =	sor.u32 s17, s13  }
0xf3: {  	s15 =	sadd.s32 $0x14000, s12;
	_ =	swait.ge [sflag:s11], $0x2000;
	s13 =	sshrl.u32 s13, $0x3  }
0xf4: {  	[sflag:s11] =	ssyncset.done $0x0;
	s14 =	simm.s32 $0x12080;
	s13 =	sadd.s32 s13, s3  }
0xf5: {  	[sflag:s11] =	ssyncadd.s32 $0xFFFFE000;
	s17 =	sand.u32 $0x1C0000, s15;
	s13 =	sadd.s32 $0x1000, s13  }
0xf6: {  	[hbm4b:s13+s24] =	stream.strided.scatter [tilespmem:s14], [sflag:$0x16], $0x2000, s25, s24, $0x38;
	[tilespmem:$0x18080] =	vst v63  }
0xf7: {  	s18 =	simm.s32 $0x2;
	s14 =	sadd.s32 s5, s17;
	s13 =	sand.u32 $0x30000, s15  }
0xf8: {  	s11 =	simm.s32 $0xB;
	s15 =	sand.u32 $0xC00, s26;
	s14 =	sor.u32 s13, s14  }
0xf9: {  	s19 =	simm.s32 $0x3;
	_ =	swait.ge [sflag:s11], $0x2000;
	s14 =	sor.u32 s15, s14  }
0xfa: {  	s2 =	simm.s32 $0x2080;
	[sflag:s11] =	ssyncset.done $0x0;
	s14 =	sshrl.u32 s14, $0x3  }
0xfb: {  	[sflag:s11] =	ssyncadd.s32 $0xFFFFE000;
	s11 =	simm.s32 $0x14080;
	s14 =	sadd.s32 s3, s14  }
0xfc: {  	[hbm4b:s14+s24] =	stream.strided.scatter [tilespmem:s11], [sflag:$0x17], $0x2000, s25, s24, $0x38;
	[tilespmem:$0x18080] =	vst v63  }
0xfd: {  	s20 =	simm.s32 $0x4;
	s0 =	simm.s32 $0x6080;
	s11 =	sadd.s32 $0x16000, s12  }
0xfe: {  	s21 =	simm.s32 $0x5;
	s22 =	simm.s32 $0x6;
	s14 =	sand.u32 $0x1C0000, s11  }
0xff: {  	s23 =	simm.s32 $0x7;
	s4 =	simm.s32 $0x8080;
	s14 =	sadd.s32 s5, s14  }
0x100: {  	s6 =	simm.s32 $0xA080;
	s11 =	simm.s32 $0xC;
	s13 =	sor.u32 s14, s13  }
0x101: {  	s29 =	simm.s32 $0x9;
	_ =	swait.ge [sflag:s11], $0x2000;
	s13 =	sor.u32 s15, s13  }
0x102: {  	s16 =	simm.s32 $0x8;
	[sflag:s11] =	ssyncset.done $0x0;
	s13 =	sshrl.u32 s13, $0x3  }
0x103: {  	[sflag:s11] =	ssyncadd.s32 $0xFFFFE000;
	s15 =	simm.s32 $0x16080;
	s13 =	sadd.s32 s13, s3  }
.Ltmp2:
0x104: {  	s11 =	simm.s32 $0xD;
	s13 =	sadd.s32 $0x1000, s13;
	(pc) =	sbr.rel @p0 .LBB2_4-.Ltmp2, $4  }
0x105: {  	[hbm4b:s13+s24] =	stream.strided.scatter [tilespmem:s15], [sflag:$0x18], $0x2000, s25, s24, $0x38;
	[tilespmem:$0x18080] =	vst v63  }
0x106: {  	s8 =	simm.s32 $0xC080;
	s9 =	simm.s32 $0xE080;
	_ =	swait.ge [sflag:s11], $0x2000  }
0x107: {  	s30 =	simm.s32 $0xA;
	s17 =	simm.s32 $0xB;
	[sflag:s11] =	ssyncset.done $0x0  }
0x108: {  	s14 =	simm.s32 $0xC;
	s13 =	simm.s32 $0xD;
	[sflag:s11] =	ssyncadd.s32 $0xFFFFE000  }
0x109: {  	s13 =	sadd.s32 $0xFFFFFFFB, s10  }
0x10a: {  	s14 =	sand.u32 $0xE, s13  }
0x10b: {  	s15 =	sld [smem:s14+$0x0];
	_ =	sdelay $0x1  }
0x10c: {  	s13 =	sadd.s32 $0x18000, s12  }
0x10d: {  	s16 =	sand.u32 $0x1C0000, s13;
	s17 =	sshll.u32 s15, $0xE  }
0x10e: {  	s16 =	sadd.s32 s5, s16;
	s15 =	sshll.u32 s15, $0xA;
	s17 =	sand.u32 $0xFFFF0000, s17  }
0x10f: {  	s15 =	sand.u32 $0xC00, s15;
	s16 =	sadd.s32 s17, s16  }
0x110: {  	s15 =	sor.u32 s15, s16  }
0x111: {  	s11 =	rddreg [dreg:$0x0];
	s15 =	sshrl.u32 s15, $0x3  }
0x112: {  	s29 =	simm.s32 $0xE;
	s15 =	sadd.s32 s11, s15  }
0x113: {  	[tilespmem:s31], [sflag:$0x1] =	stream.strided.gather [hbm4b:s15+s24], $0x2000, s25, s24, $0x38;
	[tilespmem:$0x18080] =	vst v63  }
0x114: {  	_ =	swait.ge [sflag:s29], $0x2000  }
0x115: {  	[sflag:s29] =	ssyncset.done $0x0  }
0x116: {  	[sflag:s29] =	ssyncadd.s32 $0xFFFFE000  }
0x117: {  	s14 =	sld [smem:s14+$0x0];
	_ =	sdelay $0x1  }
0x118: {  	s30 =	sadd.s32 $0x1A000, s12  }
0x119: {  	s15 =	sand.u32 $0x1C0000, s30;
	s31 =	sshll.u32 s14, $0xE  }
0x11a: {  	s15 =	sadd.s32 s15, s7;
	s14 =	sshll.u32 s14, $0xA;
	s16 =	sand.u32 $0xFFFF0000, s31  }
0x11b: {  	s14 =	sand.u32 $0xC00, s14;
	s15 =	sadd.s32 s16, s15  }
0x11c: {  	s14 =	sor.u32 s14, s15  }
0x11d: {  	s14 =	sshrl.u32 s14, $0x3  }
0x11e: {  	s14 =	sadd.s32 s11, s14  }
0x11f: {  	[tilespmem:s2], [sflag:$0x2] =	stream.strided.gather [hbm4b:s14+s24], $0x2000, s25, s24, $0x38;
	[tilespmem:$0x18080] =	vst v63  }
0x120: {  	s14 =	simm.s32 $0xF  }
0x121: {  	_ =	swait.ge [sflag:s14], $0x2000  }
0x122: {  	s16 =	sadd.s32 $0xFFFFFFFC, s10;
	[sflag:s14] =	ssyncset.done $0x0  }
0x123: {  	[sflag:s14] =	ssyncadd.s32 $0xFFFFE000;
	s14 =	sand.u32 $0xF, s16  }
0x124: {  	s15 =	sld [smem:s14+$0x0];
	_ =	sdelay $0x1  }
0x125: {  	s17 =	sadd.s32 $0x1C000, s12  }
0x126: {  	s16 =	sand.u32 $0x1C0000, s17;
	s18 =	sshll.u32 s15, $0xE  }
0x127: {  	s16 =	sadd.s32 s5, s16;
	s15 =	sshll.u32 s15, $0xA;
	s17 =	sand.u32 $0xFFFF0000, s18  }
0x128: {  	s15 =	sand.u32 $0xC00, s15;
	s16 =	sadd.s32 s17, s16  }
0x129: {  	s15 =	sor.u32 s15, s16  }
0x12a: {  	s15 =	sshrl.u32 s15, $0x3  }
0x12b: {  	s19 =	simm.s32 $0x10;
	s15 =	sadd.s32 s11, s15  }
0x12c: {  	[tilespmem:s28], [sflag:$0x3] =	stream.strided.gather [hbm4b:s15+s24], $0x2000, s25, s24, $0x38;
	[tilespmem:$0x18080] =	vst v63  }
0x12d: {  	_ =	swait.ge [sflag:s19], $0x2000  }
0x12e: {  	[sflag:s19] =	ssyncset.done $0x0  }
0x12f: {  	[sflag:s19] =	ssyncadd.s32 $0xFFFFE000  }
0x130: {  	s14 =	sld [smem:s14+$0x0];
	_ =	sdelay $0x1  }
0x131: {  	s20 =	sadd.s32 $0x1E000, s12  }
0x132: {  	s15 =	sand.u32 $0x1C0000, s20;
	s21 =	sshll.u32 s14, $0xE  }
0x133: {  	s15 =	sadd.s32 s15, s7;
	s14 =	sshll.u32 s14, $0xA;
	s16 =	sand.u32 $0xFFFF0000, s21  }
0x134: {  	s14 =	sand.u32 $0xC00, s14;
	s15 =	sadd.s32 s16, s15  }
0x135: {  	s14 =	sor.u32 s14, s15  }
0x136: {  	s14 =	sshrl.u32 s14, $0x3  }
0x137: {  	s22 =	simm.s32 $0x11;
	s14 =	sadd.s32 s11, s14  }
0x138: {  	[tilespmem:s0], [sflag:$0x4] =	stream.strided.gather [hbm4b:s14+s24], $0x2000, s25, s24, $0x38;
	[tilespmem:$0x18080] =	vst v63  }
0x139: {  	_ =	swait.ge [sflag:s22], $0x2000  }
0x13a: {  	s23 =	sadd.s32 $0xFFFFFFFD, s10;
	[sflag:s22] =	ssyncset.done $0x0  }
0x13b: {  	s14 =	sand.u32 $0xE, s23;
	[sflag:s22] =	ssyncadd.s32 $0xFFFFE000  }
0x13c: {  	s28 =	sld [smem:s14+$0x0];
	_ =	sdelay $0x1  }
0x13d: {  	s29 =	sadd.s32 $0x20000, s12  }
0x13e: {  	s16 =	sand.u32 $0x1C0000, s29;
	s30 =	sshll.u32 s28, $0xE  }
0x13f: {  	s16 =	sadd.s32 s5, s16;
	s15 =	sshll.u32 s28, $0xA;
	s17 =	sand.u32 $0xFFFF0000, s30  }
0x140: {  	s15 =	sand.u32 $0xC00, s15;
	s16 =	sadd.s32 s17, s16  }
0x141: {  	s15 =	sor.u32 s15, s16  }
0x142: {  	s15 =	sshrl.u32 s15, $0x3  }
0x143: {  	s31 =	simm.s32 $0x12;
	s15 =	sadd.s32 s11, s15  }
0x144: {  	[tilespmem:s4], [sflag:$0x5] =	stream.strided.gather [hbm4b:s15+s24], $0x2000, s25, s24, $0x38;
	[tilespmem:$0x18080] =	vst v63  }
0x145: {  	_ =	swait.ge [sflag:s31], $0x2000  }
0x146: {  	[sflag:s31] =	ssyncset.done $0x0  }
0x147: {  	[sflag:s31] =	ssyncadd.s32 $0xFFFFE000  }
0x148: {  	s14 =	sld [smem:s14+$0x0];
	_ =	sdelay $0x1  }
0x149: {  	s2 =	sadd.s32 $0x22000, s12  }
0x14a: {  	s15 =	sand.u32 $0x1C0000, s2;
	s4 =	sshll.u32 s14, $0xE  }
0x14b: {  	s15 =	sadd.s32 s15, s7;
	s14 =	sshll.u32 s14, $0xA;
	s16 =	sand.u32 $0xFFFF0000, s4  }
0x14c: {  	s14 =	sand.u32 $0xC00, s14;
	s15 =	sadd.s32 s16, s15  }
0x14d: {  	s14 =	sor.u32 s14, s15  }
0x14e: {  	s14 =	sshrl.u32 s14, $0x3  }
0x14f: {  	s17 =	simm.s32 $0x13;
	s14 =	sadd.s32 s11, s14  }
0x150: {  	[tilespmem:s6], [sflag:$0x6] =	stream.strided.gather [hbm4b:s14+s24], $0x2000, s25, s24, $0x38;
	[tilespmem:$0x18080] =	vst v63  }
0x151: {  	_ =	swait.ge [sflag:s17], $0x2000  }
0x152: {  	s18 =	sadd.s32 $0xFFFFFFFE, s10;
	[sflag:s17] =	ssyncset.done $0x0  }
0x153: {  	s14 =	sand.u32 $0xF, s18;
	[sflag:s17] =	ssyncadd.s32 $0xFFFFE000  }
0x154: {  	s19 =	sld [smem:s14+$0x0];
	_ =	sdelay $0x1  }
0x155: {  	s20 =	sadd.s32 $0x24000, s12  }
0x156: {  	s16 =	sand.u32 $0x1C0000, s20;
	s21 =	sshll.u32 s19, $0xE  }
0x157: {  	s16 =	sadd.s32 s5, s16;
	s15 =	sshll.u32 s19, $0xA;
	s17 =	sand.u32 $0xFFFF0000, s21  }
0x158: {  	s15 =	sand.u32 $0xC00, s15;
	s16 =	sadd.s32 s17, s16  }
0x159: {  	s15 =	sor.u32 s15, s16  }
0x15a: {  	s15 =	sshrl.u32 s15, $0x3  }
0x15b: {  	s22 =	simm.s32 $0x14;
	s15 =	sadd.s32 s11, s15  }
0x15c: {  	[tilespmem:s8], [sflag:$0x7] =	stream.strided.gather [hbm4b:s15+s24], $0x2000, s25, s24, $0x38;
	[tilespmem:$0x18080] =	vst v63  }
0x15d: {  	_ =	swait.ge [sflag:s22], $0x2000  }
0x15e: {  	[sflag:s22] =	ssyncset.done $0x0  }
0x15f: {  	[sflag:s22] =	ssyncadd.s32 $0xFFFFE000  }
0x160: {  	s14 =	sld [smem:s14+$0x0];
	_ =	sdelay $0x1  }
0x161: {  	s23 =	sadd.s32 $0x26000, s12  }
0x162: {  	s15 =	sand.u32 $0x1C0000, s23;
	s28 =	sshll.u32 s14, $0xE  }
0x163: {  	s15 =	sadd.s32 s15, s7;
	s14 =	sshll.u32 s14, $0xA;
	s16 =	sand.u32 $0xFFFF0000, s28  }
0x164: {  	s14 =	sand.u32 $0xC00, s14;
	s15 =	sadd.s32 s16, s15  }
0x165: {  	s14 =	sor.u32 s14, s15  }
0x166: {  	s14 =	sshrl.u32 s14, $0x3  }
0x167: {  	s29 =	simm.s32 $0x15;
	s14 =	sadd.s32 s11, s14  }
0x168: {  	[tilespmem:s9], [sflag:$0x8] =	stream.strided.gather [hbm4b:s14+s24], $0x2000, s25, s24, $0x38;
	[tilespmem:$0x18080] =	vst v63  }
0x169: {  	_ =	swait.ge [sflag:s29], $0x2000  }
0x16a: {  	s30 =	sadd.s32 $0xFFFFFFFF, s10;
	[sflag:s29] =	ssyncset.done $0x0  }
0x16b: {  	s14 =	sand.u32 $0xE, s30;
	[sflag:s29] =	ssyncadd.s32 $0xFFFFE000  }
0x16c: {  	s31 =	sld [smem:s14+$0x0];
	_ =	sdelay $0x1  }
0x16d: {  	s0 =	sadd.s32 $0x28000, s12  }
0x16e: {  	s16 =	sand.u32 $0x1C0000, s0;
	s2 =	sshll.u32 s31, $0xE  }
0x16f: {  	s16 =	sadd.s32 s5, s16;
	s15 =	sshll.u32 s31, $0xA;
	s17 =	sand.u32 $0xFFFF0000, s2  }
0x170: {  	s15 =	sand.u32 $0xC00, s15;
	s16 =	sadd.s32 s17, s16  }
0x171: {  	s15 =	sor.u32 s15, s16  }
0x172: {  	s15 =	sshrl.u32 s15, $0x3  }
0x173: {  	s4 =	simm.s32 $0x10080;
	s6 =	simm.s32 $0x16;
	s15 =	sadd.s32 s11, s15  }
0x174: {  	[tilespmem:s4], [sflag:$0x9] =	stream.strided.gather [hbm4b:s15+s24], $0x2000, s25, s24, $0x38;
	[tilespmem:$0x18080] =	vst v63  }
0x175: {  	_ =	swait.ge [sflag:s6], $0x2000  }
0x176: {  	[sflag:s6] =	ssyncset.done $0x0  }
0x177: {  	[sflag:s6] =	ssyncadd.s32 $0xFFFFE000  }
0x178: {  	s14 =	sld [smem:s14+$0x0];
	_ =	sdelay $0x1  }
0x179: {  	s8 =	sadd.s32 $0x2A000, s12  }
0x17a: {  	s15 =	sand.u32 $0x1C0000, s8;
	s9 =	sshll.u32 s14, $0xE  }
0x17b: {  	s15 =	sadd.s32 s15, s7;
	s14 =	sshll.u32 s14, $0xA;
	s16 =	sand.u32 $0xFFFF0000, s9  }
0x17c: {  	s14 =	sand.u32 $0xC00, s14;
	s15 =	sadd.s32 s16, s15  }
0x17d: {  	s14 =	sor.u32 s14, s15  }
0x17e: {  	s14 =	sshrl.u32 s14, $0x3  }
0x17f: {  	s18 =	simm.s32 $0x17;
	s17 =	simm.s32 $0x12080;
	s14 =	sadd.s32 s11, s14  }
0x180: {  	[tilespmem:s17], [sflag:$0xA] =	stream.strided.gather [hbm4b:s14+s24], $0x2000, s25, s24, $0x38;
	[tilespmem:$0x18080] =	vst v63  }
0x181: {  	_ =	swait.ge [sflag:s18], $0x2000  }
0x182: {  	[sflag:s18] =	ssyncset.done $0x0  }
0x183: {  	s19 =	sand.u32 $0xF, s10;
	[sflag:s18] =	ssyncadd.s32 $0xFFFFE000  }
0x184: {  	s20 =	sld [smem:s19+$0x0];
	_ =	sdelay $0x1  }
0x185: {  	s21 =	sadd.s32 $0x2C000, s12  }
0x186: {  	s16 =	sand.u32 $0x1C0000, s21;
	s22 =	sshll.u32 s20, $0xE  }
0x187: {  	s16 =	sadd.s32 s5, s16;
	s15 =	sshll.u32 s20, $0xA;
	s17 =	sand.u32 $0xFFFF0000, s22  }
0x188: {  	s15 =	sand.u32 $0xC00, s15;
	s16 =	sadd.s32 s17, s16  }
0x189: {  	s15 =	sor.u32 s15, s16  }
0x18a: {  	s15 =	sshrl.u32 s15, $0x3  }
0x18b: {  	s23 =	simm.s32 $0x14080;
	s28 =	simm.s32 $0x18;
	s15 =	sadd.s32 s11, s15  }
0x18c: {  	[tilespmem:s23], [sflag:$0xB] =	stream.strided.gather [hbm4b:s15+s24], $0x2000, s25, s24, $0x38;
	[tilespmem:$0x18080] =	vst v63  }
0x18d: {  	_ =	swait.ge [sflag:s28], $0x2000  }
0x18e: {  	[sflag:s28] =	ssyncset.done $0x0  }
0x18f: {  	[sflag:s28] =	ssyncadd.s32 $0xFFFFE000  }
0x190: {  	s14 =	sld [smem:s19+$0x0]  }
0x191: {  	s29 =	sadd.s32 $0x2E000, s12  }
0x192: {  	s26 =	sadd.s32 $0x1800, s26;
	s10 =	sadd.s32 $0x6, s10;
	s12 =	sand.u32 $0x1C0000, s29  }
0x193: {  	s0 =	simm.s32 $0x6080;
	s12 =	sadd.s32 s12, s7;
	s30 =	sshll.u32 s14, $0xE  }
0x194: {  	s31 =	simm.s32 $0x16080;
	s14 =	sshll.u32 s14, $0xA;
	s15 =	sand.u32 $0xFFFF0000, s30  }
0x195: {  	s2 =	simm.s32 $0x2080;
	s14 =	sand.u32 $0xC00, s14;
	s12 =	sadd.s32 s15, s12  }
.Ltmp3:
0x196: {  	s4 =	simm.s32 $0x8080;
	s12 =	sor.u32 s14, s12;
	(pc) =	sbr.rel .LBB2_2-.Ltmp3, $4  }
0x197: {  	s8 =	simm.s32 $0xC080;
	s6 =	simm.s32 $0xA080;
	s12 =	sshrl.u32 s12, $0x3  }
0x198: {  	s9 =	simm.s32 $0xE080;
	s21 =	simm.s32 $0x4080;
	s12 =	sadd.s32 s11, s12  }
0x199: {  	[tilespmem:s31], [sflag:$0xC] =	stream.strided.gather [hbm4b:s12+s24], $0x2000, s25, s24, $0x38;
	[tilespmem:$0x18080] =	vst v63  }
0x19a: {  	s18 =	simm.s32 $0x80;
	s11 =	sadd.s32 $0x800, s1;
	s12 =	smov.u32 s13  }
.LBB2_5:
0x19b: {  	_ =	sfence.sel $0x180000  }
0x19c: {  	[bflag:$0x0] =	sbarrier.arrive $0xFFFF  }
0x19d: {  	_ =	strace $0x90000047  }
0x19e: {  	s0 =	stileid.u32;
	[bflag:$0x2] =	sbarrier.arrive $0xFFFF  }
0x19f: {  	p0 =	sne.s32 s0, $0x0;
	s0 =	rddreg [dreg:$0x3]  }
0x1a0: {  	s0 =	sadd.s32 @!p0 $0x100000, s0  }
0x1a1: {  	[sflag:s0] =	ssyncadd.tile.s32 @!p0 $0x1;
	_ =	shalt  }
.Lfunc_end2:
_tile_overlayer_lowered:
.L_overlay_start_2:
0x1a2: {  	(tag) =	ssettag $0x2  }
0x1a3: {  	s0 =	rddreg [dreg:$0x0];
	s2 =	stileid.u32  }
0x1a4: {  	s1 =	rddreg [dreg:$0x1];
	p0 =	sne.s32 s2, $0x0  }
0x1a5: {  	s3 =	rddreg [dreg:$0x2];
	[bflag:$0x3] =	sbarrier.arrive $0xFFFF;
	s2 =	simm.s32 @!p0 $0x1C19  }
0x1a6: {  	[timem:s3], [sflag:s2] =	dma.local @!p0 [hbm:s0], s1  }
0x1a7: {  	s0 =	simm.s32 @!p0 $0x19  }
0x1a8: {  	_ =	swait.ge @!p0 [sflag:s0], s1  }
0x1a9: {  	s1 =	ssub.s32 @!p0 $0x0, s1;
	[sflag:s0] =	ssyncset.done @!p0 $0x0  }
0x1aa: {  	[sflag:s0] =	ssyncadd.s32 @!p0 s1  }
0x1ab: {  	[bflag:$0x3] =	sbarrier.arrive $0xFFFF  }
0x1ac: {  	_ =	shalt  }

</sc_bundles>
